<compile_context>
chip_gen: v7x
topology: tpu7x:2x2x1
jax: 0.10.2.dev20260603
libtpu: 0.0.44.dev20260713+nightly
codegen_flags: <defaults>
</compile_context>

<pallas_src>
import jax
import jax.numpy as jnp
from jax import lax
from jax.experimental import pallas as pl
from jax.experimental.pallas import tpu as pltpu
from jax.experimental.pallas import tpu_sc as plsc

N_VOCAB = 100000
NUM_TONES = 16
NUM_LANGUAGES = 10
NCOMBO = NUM_TONES * NUM_LANGUAGES
HIDDEN = 192
B = 64
L = 512
N = B * L
LANES = 16
W = 128
WB = HIDDEN - W
NSLICE_A = W // LANES
NSLICE_B = WB // LANES

NC = 2
NS = 16
NW = NC * NS
ROWS_PER_W = N // NW
CHUNK = 256
NCHUNK = ROWS_PER_W // CHUNK
B_PER_W = B // NW


def _sc_body(idx_hbm, xlen_hbm, emba_hbm, embb_hbm, combo_hbm,
             out_a, out_b, out_m,
             xidx_v, cidx_v, ga_v, gb_v, combo_v, mask_v, xlen_v,
             sema, semb):
    wid = lax.axis_index("s") * NC + lax.axis_index("c")
    wbase = wid * ROWS_PER_W

    pltpu.sync_copy(combo_hbm, combo_v)
    pltpu.sync_copy(xlen_hbm, xlen_v)

    iota = lax.iota(jnp.int32, LANES)

    for i in range(B_PER_W):
        b = wid * B_PER_W + i
        lenvec = plsc.load_gather(xlen_v, [jnp.full((LANES,), b, jnp.int32)])
        for j in range(L // LANES):
            col = iota + (LANES * j)
            m = jnp.where(col < lenvec, jnp.float32(1.0), jnp.float32(0.0))
            mask_v[pl.ds(i * L + LANES * j, LANES)] = m
    pltpu.sync_copy(mask_v, out_m.at[pl.ds(wid * (B_PER_W * L), B_PER_W * L)])

    for c in range(NCHUNK):
        base = wbase + c * CHUNK
        pltpu.sync_copy(idx_hbm.at[pl.ds(base, CHUNK)], xidx_v)
        pltpu.sync_copy(idx_hbm.at[pl.ds(N + base, CHUNK)], cidx_v)

        cp_a = pltpu.async_copy(emba_hbm.at[xidx_v], ga_v, sema)
        cp_b = pltpu.async_copy(embb_hbm.at[xidx_v], gb_v, semb)
        cp_a.wait()
        cp_b.wait()

        def row_body(r, carry):
            rfull = jnp.full((LANES,), r, jnp.int32)
            cv = plsc.load_gather(cidx_v, [rfull]) * HIDDEN
            for j in range(NSLICE_A):
                col = iota + (LANES * j)
                ts = plsc.load_gather(combo_v, [cv + col])
                plsc.addupdate_scatter(ga_v, [rfull, col], ts)
            for j in range(NSLICE_B):
                col = iota + (LANES * j)
                ts = plsc.load_gather(combo_v, [cv + (col + W)])
                plsc.addupdate_scatter(gb_v, [rfull, col], ts)
            return carry

        lax.fori_loop(0, CHUNK, row_body, 0)
        start = pl.multiple_of(base, CHUNK)
        pltpu.sync_copy(ga_v, out_a.at[pl.ds(start, CHUNK)])
        pltpu.sync_copy(gb_v, out_b.at[pl.ds(start, CHUNK)])


@jax.jit
def _sc_call(idx_cat, xl, emb_a, emb_b, combo):
    mesh = plsc.VectorSubcoreMesh(core_axis_name="c", subcore_axis_name="s")
    return pl.kernel(
        _sc_body,
        out_type=(
            jax.ShapeDtypeStruct((N, W), jnp.float32),
            jax.ShapeDtypeStruct((N, W), jnp.float32),
            jax.ShapeDtypeStruct((B * L,), jnp.float32),
        ),
        mesh=mesh,
        scratch_types=[
            pltpu.VMEM((CHUNK,), jnp.int32),
            pltpu.VMEM((CHUNK,), jnp.int32),
            pltpu.VMEM((CHUNK, W), jnp.float32),
            pltpu.VMEM((CHUNK, W), jnp.float32),
            pltpu.VMEM((NCOMBO * HIDDEN,), jnp.float32),
            pltpu.VMEM((B_PER_W * L,), jnp.float32),
            pltpu.VMEM((B,), jnp.int32),
            pltpu.SemaphoreType.DMA,
            pltpu.SemaphoreType.DMA,
        ],
        compiler_params=pltpu.CompilerParams(
            needs_layout_passes=False, use_tc_tiling_on_sc=True),
    )(idx_cat, xl, emb_a, emb_b, combo)


def kernel(x, x_lengths, tone, language, ja_bert, noise_scale, emb_w, tone_w, lang_w):
    idx_cat = jnp.concatenate([
        x.reshape(-1).astype(jnp.int32),
        tone.reshape(-1).astype(jnp.int32) * NUM_LANGUAGES
        + language.reshape(-1).astype(jnp.int32),
    ])
    xl = x_lengths.astype(jnp.int32)
    emb_a = emb_w[:, :W]
    emb_b = jnp.pad(emb_w[:, W:], ((0, 0), (0, W - WB)))
    combo = (tone_w[:, None, :] + lang_w[None, :, :]).reshape(-1)
    h_a, h_b, mask = _sc_call(idx_cat, xl, emb_a, emb_b, combo)
    h = jnp.concatenate([h_a, h_b[:, :WB]], axis=1)
    return h.reshape(B, L, HIDDEN), mask.reshape(B, 1, L)

# --- scband reference (transcript-rebuilt; emitter-appended) ---
"""Pipeline reference for scband-mobilint-text-encoder-and-duration-predictor-24223615550382 (READ-ONLY COPY).

The authoritative reference and input builder live on the scoring server;
editing this copy changes nothing except your own understanding.
"""

import jax, jax.numpy as jnp
import numpy as np

N_VOCAB = 100000
NUM_TONES = 16
NUM_LANGUAGES = 10
HIDDEN = 192
B = 64
L = 512
JA_BERT_DIM = 1024


def setup_inputs(seed: int = 0) -> dict:
    key = jax.random.key(seed)
    ks = jax.random.split(key, 8)
    x = jax.random.randint(ks[0], (B, L), 0, N_VOCAB, dtype=jnp.int64 if jax.config.jax_enable_x64 else jnp.int32)
    x_lengths = jax.random.randint(ks[1], (B,), 1, L + 1, dtype=jnp.int32)
    tone = jax.random.randint(ks[2], (B, L), 0, NUM_TONES, dtype=jnp.int32)
    language = jax.random.randint(ks[3], (B, L), 0, NUM_LANGUAGES, dtype=jnp.int32)
    ja_bert = jax.random.normal(ks[4], (B, JA_BERT_DIM, L), dtype=jnp.float32)
    noise_scale = jnp.float32(0.667)
    # learned parameters (nn.Embedding weights, init normal(0, hidden**-0.5))
    std = HIDDEN ** (-0.5)
    emb_w = jax.random.normal(ks[5], (N_VOCAB, HIDDEN), dtype=jnp.float32) * std
    tone_w = jax.random.normal(ks[6], (NUM_TONES, HIDDEN), dtype=jnp.float32) * std
    lang_w = jax.random.normal(ks[7], (NUM_LANGUAGES, HIDDEN), dtype=jnp.float32) * std
    return {"x": x, "x_lengths": x_lengths, "tone": tone, "language": language,
            "ja_bert": ja_bert, "noise_scale": noise_scale,
            "emb_w": emb_w, "tone_w": tone_w, "lang_w": lang_w}


def reference(x, x_lengths, tone, language, ja_bert, noise_scale, emb_w, tone_w, lang_w):
    # x = emb(x) + tone_emb(tone) + language_emb(language)
    h = jnp.take(emb_w, x, axis=0) + jnp.take(tone_w, tone, axis=0) + jnp.take(lang_w, language, axis=0)
    # x_mask = unsqueeze(sequence_mask(x_lengths, L), 1)
    Lq = h.shape[1]
    seq = jnp.arange(Lq, dtype=x_lengths.dtype)
    x_mask = (seq[None, :] < x_lengths[:, None]).astype(h.dtype)[:, None, :]
    # NOTE: downstream NPU (mxq_model.infer) black-box inference is hardware-specific
    # and not reproducible; the device-side computation here is the embedding sum + mask.
    return (h, x_mask)

if __name__ == "__main__":
    import jax
    _d = setup_inputs()
    print(jax.jit(kernel)(*tuple(_d.values())))

</pallas_src>

<mosaic_0001>
#map = affine_map<(d0, d1) -> (0)>
#map1 = affine_map<(d0, d1) -> (0, 0)>
module attributes {stable_mosaic.version = 14 : i64} {
  func.func @_sc_body(%arg0: i32, %arg1: i32, %arg2: memref<65536xi32, #tpu.memory_space<hbm>>, %arg3: memref<64xi32, #tpu.memory_space<hbm>>, %arg4: memref<100000x128xf32, #tpu.memory_space<hbm>>, %arg5: memref<100000x128xf32, #tpu.memory_space<hbm>>, %arg6: memref<30720xf32, #tpu.memory_space<hbm>>, %arg7: memref<32768x128xf32, #tpu.memory_space<hbm>>, %arg8: memref<32768x128xf32, #tpu.memory_space<hbm>>, %arg9: memref<32768xf32, #tpu.memory_space<hbm>>, %arg10: memref<256xi32, #tpu.memory_space<vmem>>, %arg11: memref<256xi32, #tpu.memory_space<vmem>>, %arg12: memref<256x128xf32, #tpu.memory_space<vmem>>, %arg13: memref<256x128xf32, #tpu.memory_space<vmem>>, %arg14: memref<30720xf32, #tpu.memory_space<vmem>>, %arg15: memref<1024xf32, #tpu.memory_space<vmem>>, %arg16: memref<64xi32, #tpu.memory_space<vmem>>, %arg17: memref<!tpu.dma_semaphore, #tpu.memory_space<semaphore_mem>>, %arg18: memref<!tpu.dma_semaphore, #tpu.memory_space<semaphore_mem>>) attributes {dimension_semantics = [#tpu.dimension_semantics<core_parallel>, #tpu.dimension_semantics<subcore_parallel>], iteration_bounds = array<i64: 2, 16>, scalar_prefetch = 0 : i64, scratch_operands = 9 : i64, tpu.core_type = #tpu.core_type<sc_vector_subcore>, window_params = [{transform_indices = #map}, {transform_indices = #map}, {transform_indices = #map1}, {transform_indices = #map1}, {transform_indices = #map}, {transform_indices = #map1}, {transform_indices = #map1}, {transform_indices = #map}]} {
    %mul3A = arith.constant 2 : i32
    %mul3A_0 = arith.muli %arg1, %mul3A : i32
    %add3A = arith.addi %mul3A_0, %arg0 : i32
    %mul3A_1 = arith.constant 1024 : i32
    %mul3A_2 = arith.muli %add3A, %mul3A_1 : i32
    "tpu.region"() ({
      %run_scoped3A = tpu.sem_alloc : memref<!tpu.dma_semaphore, #tpu.memory_space<semaphore_mem>>
      tpu.enqueue_dma source(%arg6 : memref<30720xf32, #tpu.memory_space<hbm>>) target(%arg14 : memref<30720xf32, #tpu.memory_space<vmem>>) target_semaphore(%run_scoped3A : memref<!tpu.dma_semaphore, #tpu.memory_space<semaphore_mem>>)
      tpu.wait_dma2 semaphore(%run_scoped3A : memref<!tpu.dma_semaphore, #tpu.memory_space<semaphore_mem>>) src(%arg6 : memref<30720xf32, #tpu.memory_space<hbm>>) dst(%arg14 : memref<30720xf32, #tpu.memory_space<vmem>>)
      tpu.yield
    }) : () -> ()
    "tpu.region"() ({
      %run_scoped3A = tpu.sem_alloc : memref<!tpu.dma_semaphore, #tpu.memory_space<semaphore_mem>>
      tpu.enqueue_dma source(%arg3 : memref<64xi32, #tpu.memory_space<hbm>>) target(%arg16 : memref<64xi32, #tpu.memory_space<vmem>>) target_semaphore(%run_scoped3A : memref<!tpu.dma_semaphore, #tpu.memory_space<semaphore_mem>>)
      tpu.wait_dma2 semaphore(%run_scoped3A : memref<!tpu.dma_semaphore, #tpu.memory_space<semaphore_mem>>) src(%arg3 : memref<64xi32, #tpu.memory_space<hbm>>) dst(%arg16 : memref<64xi32, #tpu.memory_space<vmem>>)
      tpu.yield
    }) : () -> ()
    %iota3A = tpu.iota {dimensions = array<i32: 0>} : vector<16xi32>
    %mul3A_3 = arith.constant 2 : i32
    %mul3A_4 = arith.muli %add3A, %mul3A_3 : i32
    %add3A_5 = arith.constant 0 : i32
    %add3A_6 = arith.addi %mul3A_4, %add3A_5 : i32
    %broadcast_in_dim3A = vector.broadcast %add3A_6 : i32 to vector<16xi32>
    %gather3A = tpu.vector_load_idx %arg16[%broadcast_in_dim3A] : memref<64xi32, #tpu.memory_space<vmem>>[vector<16xi32>], vector<16xi32>,
    %add3A_7 = arith.constant 0 : i32
    %add3A_8 = vector.broadcast %add3A_7 : i32 to vector<16xi32>
    %add3A_9 = arith.addi %iota3A, %add3A_8 : vector<16xi32>
    %lt3A = arith.cmpi slt, %add3A_9, %gather3A : vector<16xi32>
    %jit3A = arith.constant 1.000000e+00 : f32
    %jit3A_10 = arith.constant 0.000000e+00 : f32
    %broadcast_in_dim3A_11 = vector.broadcast %jit3A : f32 to vector<16xf32>
    %broadcast_in_dim3A_12 = vector.broadcast %jit3A_10 : f32 to vector<16xf32>
    %select_n3A = arith.select %lt3A, %broadcast_in_dim3A_11, %broadcast_in_dim3A_12 : vector<16xi1>, vector<16xf32>
    %swap3A = arith.constant 0 : index
    %swap3A_13 = tpu.vector_load %arg15[%swap3A] {strides = array<i32>} : memref<1024xf32, #tpu.memory_space<vmem>>, vector<16xf32>,
    tpu.vector_store %arg15[%swap3A], %select_n3A {strides = array<i32>} : memref<1024xf32, #tpu.memory_space<vmem>>, vector<16xf32>,
    %add3A_14 = arith.constant 16 : i32
    %add3A_15 = vector.broadcast %add3A_14 : i32 to vector<16xi32>
    %add3A_16 = arith.addi %iota3A, %add3A_15 : vector<16xi32>
    %lt3A_17 = arith.cmpi slt, %add3A_16, %gather3A : vector<16xi32>
    %jit3A_18 = arith.constant 1.000000e+00 : f32
    %jit3A_19 = arith.constant 0.000000e+00 : f32
    %broadcast_in_dim3A_20 = vector.broadcast %jit3A_18 : f32 to vector<16xf32>
    %broadcast_in_dim3A_21 = vector.broadcast %jit3A_19 : f32 to vector<16xf32>
    %select_n3A_22 = arith.select %lt3A_17, %broadcast_in_dim3A_20, %broadcast_in_dim3A_21 : vector<16xi1>, vector<16xf32>
    %swap3A_23 = arith.constant 16 : index
    %swap3A_24 = tpu.vector_load %arg15[%swap3A_23] {strides = array<i32>} : memref<1024xf32, #tpu.memory_space<vmem>>, vector<16xf32>,
    tpu.vector_store %arg15[%swap3A_23], %select_n3A_22 {strides = array<i32>} : memref<1024xf32, #tpu.memory_space<vmem>>, vector<16xf32>,
    %add3A_25 = arith.constant 32 : i32
    %add3A_26 = vector.broadcast %add3A_25 : i32 to vector<16xi32>
    %add3A_27 = arith.addi %iota3A, %add3A_26 : vector<16xi32>
    %lt3A_28 = arith.cmpi slt, %add3A_27, %gather3A : vector<16xi32>
    %jit3A_29 = arith.constant 1.000000e+00 : f32
    %jit3A_30 = arith.constant 0.000000e+00 : f32
    %broadcast_in_dim3A_31 = vector.broadcast %jit3A_29 : f32 to vector<16xf32>
    %broadcast_in_dim3A_32 = vector.broadcast %jit3A_30 : f32 to vector<16xf32>
    %select_n3A_33 = arith.select %lt3A_28, %broadcast_in_dim3A_31, %broadcast_in_dim3A_32 : vector<16xi1>, vector<16xf32>
    %swap3A_34 = arith.constant 32 : index
    %swap3A_35 = tpu.vector_load %arg15[%swap3A_34] {strides = array<i32>} : memref<1024xf32, #tpu.memory_space<vmem>>, vector<16xf32>,
    tpu.vector_store %arg15[%swap3A_34], %select_n3A_33 {strides = array<i32>} : memref<1024xf32, #tpu.memory_space<vmem>>, vector<16xf32>,
    %add3A_36 = arith.constant 48 : i32
    %add3A_37 = vector.broadcast %add3A_36 : i32 to vector<16xi32>
    %add3A_38 = arith.addi %iota3A, %add3A_37 : vector<16xi32>
    %lt3A_39 = arith.cmpi slt, %add3A_38, %gather3A : vector<16xi32>
    %jit3A_40 = arith.constant 1.000000e+00 : f32
    %jit3A_41 = arith.constant 0.000000e+00 : f32
    %broadcast_in_dim3A_42 = vector.broadcast %jit3A_40 : f32 to vector<16xf32>
    %broadcast_in_dim3A_43 = vector.broadcast %jit3A_41 : f32 to vector<16xf32>
    %select_n3A_44 = arith.select %lt3A_39, %broadcast_in_dim3A_42, %broadcast_in_dim3A_43 : vector<16xi1>, vector<16xf32>
    %swap3A_45 = arith.constant 48 : index
    %swap3A_46 = tpu.vector_load %arg15[%swap3A_45] {strides = array<i32>} : memref<1024xf32, #tpu.memory_space<vmem>>, vector<16xf32>,
    tpu.vector_store %arg15[%swap3A_45], %select_n3A_44 {strides = array<i32>} : memref<1024xf32, #tpu.memory_space<vmem>>, vector<16xf32>,
    %add3A_47 = arith.constant 64 : i32
    %add3A_48 = vector.broadcast %add3A_47 : i32 to vector<16xi32>
    %add3A_49 = arith.addi %iota3A, %add3A_48 : vector<16xi32>
    %lt3A_50 = arith.cmpi slt, %add3A_49, %gather3A : vector<16xi32>
    %jit3A_51 = arith.constant 1.000000e+00 : f32
    %jit3A_52 = arith.constant 0.000000e+00 : f32
    %broadcast_in_dim3A_53 = vector.broadcast %jit3A_51 : f32 to vector<16xf32>
    %broadcast_in_dim3A_54 = vector.broadcast %jit3A_52 : f32 to vector<16xf32>
    %select_n3A_55 = arith.select %lt3A_50, %broadcast_in_dim3A_53, %broadcast_in_dim3A_54 : vector<16xi1>, vector<16xf32>
    %swap3A_56 = arith.constant 64 : index
    %swap3A_57 = tpu.vector_load %arg15[%swap3A_56] {strides = array<i32>} : memref<1024xf32, #tpu.memory_space<vmem>>, vector<16xf32>,
    tpu.vector_store %arg15[%swap3A_56], %select_n3A_55 {strides = array<i32>} : memref<1024xf32, #tpu.memory_space<vmem>>, vector<16xf32>,
    %add3A_58 = arith.constant 80 : i32
    %add3A_59 = vector.broadcast %add3A_58 : i32 to vector<16xi32>
    %add3A_60 = arith.addi %iota3A, %add3A_59 : vector<16xi32>
    %lt3A_61 = arith.cmpi slt, %add3A_60, %gather3A : vector<16xi32>
    %jit3A_62 = arith.constant 1.000000e+00 : f32
    %jit3A_63 = arith.constant 0.000000e+00 : f32
    %broadcast_in_dim3A_64 = vector.broadcast %jit3A_62 : f32 to vector<16xf32>
    %broadcast_in_dim3A_65 = vector.broadcast %jit3A_63 : f32 to vector<16xf32>
    %select_n3A_66 = arith.select %lt3A_61, %broadcast_in_dim3A_64, %broadcast_in_dim3A_65 : vector<16xi1>, vector<16xf32>
    %swap3A_67 = arith.constant 80 : index
    %swap3A_68 = tpu.vector_load %arg15[%swap3A_67] {strides = array<i32>} : memref<1024xf32, #tpu.memory_space<vmem>>, vector<16xf32>,
    tpu.vector_store %arg15[%swap3A_67], %select_n3A_66 {strides = array<i32>} : memref<1024xf32, #tpu.memory_space<vmem>>, vector<16xf32>,
    %add3A_69 = arith.constant 96 : i32
    %add3A_70 = vector.broadcast %add3A_69 : i32 to vector<16xi32>
    %add3A_71 = arith.addi %iota3A, %add3A_70 : vector<16xi32>
    %lt3A_72 = arith.cmpi slt, %add3A_71, %gather3A : vector<16xi32>
    %jit3A_73 = arith.constant 1.000000e+00 : f32
    %jit3A_74 = arith.constant 0.000000e+00 : f32
    %broadcast_in_dim3A_75 = vector.broadcast %jit3A_73 : f32 to vector<16xf32>
    %broadcast_in_dim3A_76 = vector.broadcast %jit3A_74 : f32 to vector<16xf32>
    %select_n3A_77 = arith.select %lt3A_72, %broadcast_in_dim3A_75, %broadcast_in_dim3A_76 : vector<16xi1>, vector<16xf32>
    %swap3A_78 = arith.constant 96 : index
    %swap3A_79 = tpu.vector_load %arg15[%swap3A_78] {strides = array<i32>} : memref<1024xf32, #tpu.memory_space<vmem>>, vector<16xf32>,
    tpu.vector_store %arg15[%swap3A_78], %select_n3A_77 {strides = array<i32>} : memref<1024xf32, #tpu.memory_space<vmem>>, vector<16xf32>,
    %add3A_80 = arith.constant 112 : i32
    %add3A_81 = vector.broadcast %add3A_80 : i32 to vector<16xi32>
    %add3A_82 = arith.addi %iota3A, %add3A_81 : vector<16xi32>
    %lt3A_83 = arith.cmpi slt, %add3A_82, %gather3A : vector<16xi32>
    %jit3A_84 = arith.constant 1.000000e+00 : f32
    %jit3A_85 = arith.constant 0.000000e+00 : f32
    %broadcast_in_dim3A_86 = vector.broadcast %jit3A_84 : f32 to vector<16xf32>
    %broadcast_in_dim3A_87 = vector.broadcast %jit3A_85 : f32 to vector<16xf32>
    %select_n3A_88 = arith.select %lt3A_83, %broadcast_in_dim3A_86, %broadcast_in_dim3A_87 : vector<16xi1>, vector<16xf32>
    %swap3A_89 = arith.constant 112 : index
    %swap3A_90 = tpu.vector_load %arg15[%swap3A_89] {strides = array<i32>} : memref<1024xf32, #tpu.memory_space<vmem>>, vector<16xf32>,
    tpu.vector_store %arg15[%swap3A_89], %select_n3A_88 {strides = array<i32>} : memref<1024xf32, #tpu.memory_space<vmem>>, vector<16xf32>,
    %add3A_91 = arith.constant 128 : i32
    %add3A_92 = vector.broadcast %add3A_91 : i32 to vector<16xi32>
    %add3A_93 = arith.addi %iota3A, %add3A_92 : vector<16xi32>
    %lt3A_94 = arith.cmpi slt, %add3A_93, %gather3A : vector<16xi32>
    %jit3A_95 = arith.constant 1.000000e+00 : f32
    %jit3A_96 = arith.constant 0.000000e+00 : f32
    %broadcast_in_dim3A_97 = vector.broadcast %jit3A_95 : f32 to vector<16xf32>
    %broadcast_in_dim3A_98 = vector.broadcast %jit3A_96 : f32 to vector<16xf32>
    %select_n3A_99 = arith.select %lt3A_94, %broadcast_in_dim3A_97, %broadcast_in_dim3A_98 : vector<16xi1>, vector<16xf32>
    %swap3A_100 = arith.constant 128 : index
    %swap3A_101 = tpu.vector_load %arg15[%swap3A_100] {strides = array<i32>} : memref<1024xf32, #tpu.memory_space<vmem>>, vector<16xf32>,
    tpu.vector_store %arg15[%swap3A_100], %select_n3A_99 {strides = array<i32>} : memref<1024xf32, #tpu.memory_space<vmem>>, vector<16xf32>,
    %add3A_102 = arith.constant 144 : i32
    %add3A_103 = vector.broadcast %add3A_102 : i32 to vector<16xi32>
    %add3A_104 = arith.addi %iota3A, %add3A_103 : vector<16xi32>
    %lt3A_105 = arith.cmpi slt, %add3A_104, %gather3A : vector<16xi32>
    %jit3A_106 = arith.constant 1.000000e+00 : f32
    %jit3A_107 = arith.constant 0.000000e+00 : f32
    %broadcast_in_dim3A_108 = vector.broadcast %jit3A_106 : f32 to vector<16xf32>
    %broadcast_in_dim3A_109 = vector.broadcast %jit3A_107 : f32 to vector<16xf32>
    %select_n3A_110 = arith.select %lt3A_105, %broadcast_in_dim3A_108, %broadcast_in_dim3A_109 : vector<16xi1>, vector<16xf32>
    %swap3A_111 = arith.constant 144 : index
    %swap3A_112 = tpu.vector_load %arg15[%swap3A_111] {strides = array<i32>} : memref<1024xf32, #tpu.memory_space<vmem>>, vector<16xf32>,
    tpu.vector_store %arg15[%swap3A_111], %select_n3A_110 {strides = array<i32>} : memref<1024xf32, #tpu.memory_space<vmem>>, vector<16xf32>,
    %add3A_113 = arith.constant 160 : i32
    %add3A_114 = vector.broadcast %add3A_113 : i32 to vector<16xi32>
    %add3A_115 = arith.addi %iota3A, %add3A_114 : vector<16xi32>
    %lt3A_116 = arith.cmpi slt, %add3A_115, %gather3A : vector<16xi32>
    %jit3A_117 = arith.constant 1.000000e+00 : f32
    %jit3A_118 = arith.constant 0.000000e+00 : f32
    %broadcast_in_dim3A_119 = vector.broadcast %jit3A_117 : f32 to vector<16xf32>
    %broadcast_in_dim3A_120 = vector.broadcast %jit3A_118 : f32 to vector<16xf32>
    %select_n3A_121 = arith.select %lt3A_116, %broadcast_in_dim3A_119, %broadcast_in_dim3A_120 : vector<16xi1>, vector<16xf32>
    %swap3A_122 = arith.constant 160 : index
    %swap3A_123 = tpu.vector_load %arg15[%swap3A_122] {strides = array<i32>} : memref<1024xf32, #tpu.memory_space<vmem>>, vector<16xf32>,
    tpu.vector_store %arg15[%swap3A_122], %select_n3A_121 {strides = array<i32>} : memref<1024xf32, #tpu.memory_space<vmem>>, vector<16xf32>,
    %add3A_124 = arith.constant 176 : i32
    %add3A_125 = vector.broadcast %add3A_124 : i32 to vector<16xi32>
    %add3A_126 = arith.addi %iota3A, %add3A_125 : vector<16xi32>
    %lt3A_127 = arith.cmpi slt, %add3A_126, %gather3A : vector<16xi32>
    %jit3A_128 = arith.constant 1.000000e+00 : f32
    %jit3A_129 = arith.constant 0.000000e+00 : f32
    %broadcast_in_dim3A_130 = vector.broadcast %jit3A_128 : f32 to vector<16xf32>
    %broadcast_in_dim3A_131 = vector.broadcast %jit3A_129 : f32 to vector<16xf32>
    %select_n3A_132 = arith.select %lt3A_127, %broadcast_in_dim3A_130, %broadcast_in_dim3A_131 : vector<16xi1>, vector<16xf32>
    %swap3A_133 = arith.constant 176 : index
    %swap3A_134 = tpu.vector_load %arg15[%swap3A_133] {strides = array<i32>} : memref<1024xf32, #tpu.memory_space<vmem>>, vector<16xf32>,
    tpu.vector_store %arg15[%swap3A_133], %select_n3A_132 {strides = array<i32>} : memref<1024xf32, #tpu.memory_space<vmem>>, vector<16xf32>,
    %add3A_135 = arith.constant 192 : i32
    %add3A_136 = vector.broadcast %add3A_135 : i32 to vector<16xi32>
    %add3A_137 = arith.addi %iota3A, %add3A_136 : vector<16xi32>
    %lt3A_138 = arith.cmpi slt, %add3A_137, %gather3A : vector<16xi32>
    %jit3A_139 = arith.constant 1.000000e+00 : f32
    %jit3A_140 = arith.constant 0.000000e+00 : f32
    %broadcast_in_dim3A_141 = vector.broadcast %jit3A_139 : f32 to vector<16xf32>
    %broadcast_in_dim3A_142 = vector.broadcast %jit3A_140 : f32 to vector<16xf32>
    %select_n3A_143 = arith.select %lt3A_138, %broadcast_in_dim3A_141, %broadcast_in_dim3A_142 : vector<16xi1>, vector<16xf32>
    %swap3A_144 = arith.constant 192 : index
    %swap3A_145 = tpu.vector_load %arg15[%swap3A_144] {strides = array<i32>} : memref<1024xf32, #tpu.memory_space<vmem>>, vector<16xf32>,
    tpu.vector_store %arg15[%swap3A_144], %select_n3A_143 {strides = array<i32>} : memref<1024xf32, #tpu.memory_space<vmem>>, vector<16xf32>,
    %add3A_146 = arith.constant 208 : i32
    %add3A_147 = vector.broadcast %add3A_146 : i32 to vector<16xi32>
    %add3A_148 = arith.addi %iota3A, %add3A_147 : vector<16xi32>
    %lt3A_149 = arith.cmpi slt, %add3A_148, %gather3A : vector<16xi32>
    %jit3A_150 = arith.constant 1.000000e+00 : f32
    %jit3A_151 = arith.constant 0.000000e+00 : f32
    %broadcast_in_dim3A_152 = vector.broadcast %jit3A_150 : f32 to vector<16xf32>
    %broadcast_in_dim3A_153 = vector.broadcast %jit3A_151 : f32 to vector<16xf32>
    %select_n3A_154 = arith.select %lt3A_149, %broadcast_in_dim3A_152, %broadcast_in_dim3A_153 : vector<16xi1>, vector<16xf32>
    %swap3A_155 = arith.constant 208 : index
    %swap3A_156 = tpu.vector_load %arg15[%swap3A_155] {strides = array<i32>} : memref<1024xf32, #tpu.memory_space<vmem>>, vector<16xf32>,
    tpu.vector_store %arg15[%swap3A_155], %select_n3A_154 {strides = array<i32>} : memref<1024xf32, #tpu.memory_space<vmem>>, vector<16xf32>,
    %add3A_157 = arith.constant 224 : i32
    %add3A_158 = vector.broadcast %add3A_157 : i32 to vector<16xi32>
    %add3A_159 = arith.addi %iota3A, %add3A_158 : vector<16xi32>
    %lt3A_160 = arith.cmpi slt, %add3A_159, %gather3A : vector<16xi32>
    %jit3A_161 = arith.constant 1.000000e+00 : f32
    %jit3A_162 = arith.constant 0.000000e+00 : f32
    %broadcast_in_dim3A_163 = vector.broadcast %jit3A_161 : f32 to vector<16xf32>
    %broadcast_in_dim3A_164 = vector.broadcast %jit3A_162 : f32 to vector<16xf32>
    %select_n3A_165 = arith.select %lt3A_160, %broadcast_in_dim3A_163, %broadcast_in_dim3A_164 : vector<16xi1>, vector<16xf32>
    %swap3A_166 = arith.constant 224 : index
    %swap3A_167 = tpu.vector_load %arg15[%swap3A_166] {strides = array<i32>} : memref<1024xf32, #tpu.memory_space<vmem>>, vector<16xf32>,
    tpu.vector_store %arg15[%swap3A_166], %select_n3A_165 {strides = array<i32>} : memref<1024xf32, #tpu.memory_space<vmem>>, vector<16xf32>,
    %add3A_168 = arith.constant 240 : i32
    %add3A_169 = vector.broadcast %add3A_168 : i32 to vector<16xi32>
    %add3A_170 = arith.addi %iota3A, %add3A_169 : vector<16xi32>
    %lt3A_171 = arith.cmpi slt, %add3A_170, %gather3A : vector<16xi32>
    %jit3A_172 = arith.constant 1.000000e+00 : f32
    %jit3A_173 = arith.constant 0.000000e+00 : f32
    %broadcast_in_dim3A_174 = vector.broadcast %jit3A_172 : f32 to vector<16xf32>
    %broadcast_in_dim3A_175 = vector.broadcast %jit3A_173 : f32 to vector<16xf32>
    %select_n3A_176 = arith.select %lt3A_171, %broadcast_in_dim3A_174, %broadcast_in_dim3A_175 : vector<16xi1>, vector<16xf32>
    %swap3A_177 = arith.constant 240 : index
    %swap3A_178 = tpu.vector_load %arg15[%swap3A_177] {strides = array<i32>} : memref<1024xf32, #tpu.memory_space<vmem>>, vector<16xf32>,
    tpu.vector_store %arg15[%swap3A_177], %select_n3A_176 {strides = array<i32>} : memref<1024xf32, #tpu.memory_space<vmem>>, vector<16xf32>,
    %add3A_179 = arith.constant 256 : i32
    %add3A_180 = vector.broadcast %add3A_179 : i32 to vector<16xi32>
    %add3A_181 = arith.addi %iota3A, %add3A_180 : vector<16xi32>
    %lt3A_182 = arith.cmpi slt, %add3A_181, %gather3A : vector<16xi32>
    %jit3A_183 = arith.constant 1.000000e+00 : f32
    %jit3A_184 = arith.constant 0.000000e+00 : f32
    %broadcast_in_dim3A_185 = vector.broadcast %jit3A_183 : f32 to vector<16xf32>
    %broadcast_in_dim3A_186 = vector.broadcast %jit3A_184 : f32 to vector<16xf32>
    %select_n3A_187 = arith.select %lt3A_182, %broadcast_in_dim3A_185, %broadcast_in_dim3A_186 : vector<16xi1>, vector<16xf32>
    %swap3A_188 = arith.constant 256 : index
    %swap3A_189 = tpu.vector_load %arg15[%swap3A_188] {strides = array<i32>} : memref<1024xf32, #tpu.memory_space<vmem>>, vector<16xf32>,
    tpu.vector_store %arg15[%swap3A_188], %select_n3A_187 {strides = array<i32>} : memref<1024xf32, #tpu.memory_space<vmem>>, vector<16xf32>,
    %add3A_190 = arith.constant 272 : i32
    %add3A_191 = vector.broadcast %add3A_190 : i32 to vector<16xi32>
    %add3A_192 = arith.addi %iota3A, %add3A_191 : vector<16xi32>
    %lt3A_193 = arith.cmpi slt, %add3A_192, %gather3A : vector<16xi32>
    %jit3A_194 = arith.constant 1.000000e+00 : f32
    %jit3A_195 = arith.constant 0.000000e+00 : f32
    %broadcast_in_dim3A_196 = vector.broadcast %jit3A_194 : f32 to vector<16xf32>
    %broadcast_in_dim3A_197 = vector.broadcast %jit3A_195 : f32 to vector<16xf32>
    %select_n3A_198 = arith.select %lt3A_193, %broadcast_in_dim3A_196, %broadcast_in_dim3A_197 : vector<16xi1>, vector<16xf32>
    %swap3A_199 = arith.constant 272 : index
    %swap3A_200 = tpu.vector_load %arg15[%swap3A_199] {strides = array<i32>} : memref<1024xf32, #tpu.memory_space<vmem>>, vector<16xf32>,
    tpu.vector_store %arg15[%swap3A_199], %select_n3A_198 {strides = array<i32>} : memref<1024xf32, #tpu.memory_space<vmem>>, vector<16xf32>,
    %add3A_201 = arith.constant 288 : i32
    %add3A_202 = vector.broadcast %add3A_201 : i32 to vector<16xi32>
    %add3A_203 = arith.addi %iota3A, %add3A_202 : vector<16xi32>
    %lt3A_204 = arith.cmpi slt, %add3A_203, %gather3A : vector<16xi32>
    %jit3A_205 = arith.constant 1.000000e+00 : f32
    %jit3A_206 = arith.constant 0.000000e+00 : f32
    %broadcast_in_dim3A_207 = vector.broadcast %jit3A_205 : f32 to vector<16xf32>
    %broadcast_in_dim3A_208 = vector.broadcast %jit3A_206 : f32 to vector<16xf32>
    %select_n3A_209 = arith.select %lt3A_204, %broadcast_in_dim3A_207, %broadcast_in_dim3A_208 : vector<16xi1>, vector<16xf32>
    %swap3A_210 = arith.constant 288 : index
    %swap3A_211 = tpu.vector_load %arg15[%swap3A_210] {strides = array<i32>} : memref<1024xf32, #tpu.memory_space<vmem>>, vector<16xf32>,
    tpu.vector_store %arg15[%swap3A_210], %select_n3A_209 {strides = array<i32>} : memref<1024xf32, #tpu.memory_space<vmem>>, vector<16xf32>,
    %add3A_212 = arith.constant 304 : i32
    %add3A_213 = vector.broadcast %add3A_212 : i32 to vector<16xi32>
    %add3A_214 = arith.addi %iota3A, %add3A_213 : vector<16xi32>
    %lt3A_215 = arith.cmpi slt, %add3A_214, %gather3A : vector<16xi32>
    %jit3A_216 = arith.constant 1.000000e+00 : f32
    %jit3A_217 = arith.constant 0.000000e+00 : f32
    %broadcast_in_dim3A_218 = vector.broadcast %jit3A_216 : f32 to vector<16xf32>
    %broadcast_in_dim3A_219 = vector.broadcast %jit3A_217 : f32 to vector<16xf32>
    %select_n3A_220 = arith.select %lt3A_215, %broadcast_in_dim3A_218, %broadcast_in_dim3A_219 : vector<16xi1>, vector<16xf32>
    %swap3A_221 = arith.constant 304 : index
    %swap3A_222 = tpu.vector_load %arg15[%swap3A_221] {strides = array<i32>} : memref<1024xf32, #tpu.memory_space<vmem>>, vector<16xf32>,
    tpu.vector_store %arg15[%swap3A_221], %select_n3A_220 {strides = array<i32>} : memref<1024xf32, #tpu.memory_space<vmem>>, vector<16xf32>,
    %add3A_223 = arith.constant 320 : i32
    %add3A_224 = vector.broadcast %add3A_223 : i32 to vector<16xi32>
    %add3A_225 = arith.addi %iota3A, %add3A_224 : vector<16xi32>
    %lt3A_226 = arith.cmpi slt, %add3A_225, %gather3A : vector<16xi32>
    %jit3A_227 = arith.constant 1.000000e+00 : f32
    %jit3A_228 = arith.constant 0.000000e+00 : f32
    %broadcast_in_dim3A_229 = vector.broadcast %jit3A_227 : f32 to vector<16xf32>
    %broadcast_in_dim3A_230 = vector.broadcast %jit3A_228 : f32 to vector<16xf32>
    %select_n3A_231 = arith.select %lt3A_226, %broadcast_in_dim3A_229, %broadcast_in_dim3A_230 : vector<16xi1>, vector<16xf32>
    %swap3A_232 = arith.constant 320 : index
    %swap3A_233 = tpu.vector_load %arg15[%swap3A_232] {strides = array<i32>} : memref<1024xf32, #tpu.memory_space<vmem>>, vector<16xf32>,
    tpu.vector_store %arg15[%swap3A_232], %select_n3A_231 {strides = array<i32>} : memref<1024xf32, #tpu.memory_space<vmem>>, vector<16xf32>,
    %add3A_234 = arith.constant 336 : i32
    %add3A_235 = vector.broadcast %add3A_234 : i32 to vector<16xi32>
    %add3A_236 = arith.addi %iota3A, %add3A_235 : vector<16xi32>
    %lt3A_237 = arith.cmpi slt, %add3A_236, %gather3A : vector<16xi32>
    %jit3A_238 = arith.constant 1.000000e+00 : f32
    %jit3A_239 = arith.constant 0.000000e+00 : f32
    %broadcast_in_dim3A_240 = vector.broadcast %jit3A_238 : f32 to vector<16xf32>
    %broadcast_in_dim3A_241 = vector.broadcast %jit3A_239 : f32 to vector<16xf32>
    %select_n3A_242 = arith.select %lt3A_237, %broadcast_in_dim3A_240, %broadcast_in_dim3A_241 : vector<16xi1>, vector<16xf32>
    %swap3A_243 = arith.constant 336 : index
    %swap3A_244 = tpu.vector_load %arg15[%swap3A_243] {strides = array<i32>} : memref<1024xf32, #tpu.memory_space<vmem>>, vector<16xf32>,
    tpu.vector_store %arg15[%swap3A_243], %select_n3A_242 {strides = array<i32>} : memref<1024xf32, #tpu.memory_space<vmem>>, vector<16xf32>,
    %add3A_245 = arith.constant 352 : i32
    %add3A_246 = vector.broadcast %add3A_245 : i32 to vector<16xi32>
    %add3A_247 = arith.addi %iota3A, %add3A_246 : vector<16xi32>
    %lt3A_248 = arith.cmpi slt, %add3A_247, %gather3A : vector<16xi32>
    %jit3A_249 = arith.constant 1.000000e+00 : f32
    %jit3A_250 = arith.constant 0.000000e+00 : f32
    %broadcast_in_dim3A_251 = vector.broadcast %jit3A_249 : f32 to vector<16xf32>
    %broadcast_in_dim3A_252 = vector.broadcast %jit3A_250 : f32 to vector<16xf32>
    %select_n3A_253 = arith.select %lt3A_248, %broadcast_in_dim3A_251, %broadcast_in_dim3A_252 : vector<16xi1>, vector<16xf32>
    %swap3A_254 = arith.constant 352 : index
    %swap3A_255 = tpu.vector_load %arg15[%swap3A_254] {strides = array<i32>} : memref<1024xf32, #tpu.memory_space<vmem>>, vector<16xf32>,
    tpu.vector_store %arg15[%swap3A_254], %select_n3A_253 {strides = array<i32>} : memref<1024xf32, #tpu.memory_space<vmem>>, vector<16xf32>,
    %add3A_256 = arith.constant 368 : i32
    %add3A_257 = vector.broadcast %add3A_256 : i32 to vector<16xi32>
    %add3A_258 = arith.addi %iota3A, %add3A_257 : vector<16xi32>
    %lt3A_259 = arith.cmpi slt, %add3A_258, %gather3A : vector<16xi32>
    %jit3A_260 = arith.constant 1.000000e+00 : f32
    %jit3A_261 = arith.constant 0.000000e+00 : f32
    %broadcast_in_dim3A_262 = vector.broadcast %jit3A_260 : f32 to vector<16xf32>
    %broadcast_in_dim3A_263 = vector.broadcast %jit3A_261 : f32 to vector<16xf32>
    %select_n3A_264 = arith.select %lt3A_259, %broadcast_in_dim3A_262, %broadcast_in_dim3A_263 : vector<16xi1>, vector<16xf32>
    %swap3A_265 = arith.constant 368 : index
    %swap3A_266 = tpu.vector_load %arg15[%swap3A_265] {strides = array<i32>} : memref<1024xf32, #tpu.memory_space<vmem>>, vector<16xf32>,
    tpu.vector_store %arg15[%swap3A_265], %select_n3A_264 {strides = array<i32>} : memref<1024xf32, #tpu.memory_space<vmem>>, vector<16xf32>,
    %add3A_267 = arith.constant 384 : i32
    %add3A_268 = vector.broadcast %add3A_267 : i32 to vector<16xi32>
    %add3A_269 = arith.addi %iota3A, %add3A_268 : vector<16xi32>
    %lt3A_270 = arith.cmpi slt, %add3A_269, %gather3A : vector<16xi32>
    %jit3A_271 = arith.constant 1.000000e+00 : f32
    %jit3A_272 = arith.constant 0.000000e+00 : f32
    %broadcast_in_dim3A_273 = vector.broadcast %jit3A_271 : f32 to vector<16xf32>
    %broadcast_in_dim3A_274 = vector.broadcast %jit3A_272 : f32 to vector<16xf32>
    %select_n3A_275 = arith.select %lt3A_270, %broadcast_in_dim3A_273, %broadcast_in_dim3A_274 : vector<16xi1>, vector<16xf32>
    %swap3A_276 = arith.constant 384 : index
    %swap3A_277 = tpu.vector_load %arg15[%swap3A_276] {strides = array<i32>} : memref<1024xf32, #tpu.memory_space<vmem>>, vector<16xf32>,
    tpu.vector_store %arg15[%swap3A_276], %select_n3A_275 {strides = array<i32>} : memref<1024xf32, #tpu.memory_space<vmem>>, vector<16xf32>,
    %add3A_278 = arith.constant 400 : i32
    %add3A_279 = vector.broadcast %add3A_278 : i32 to vector<16xi32>
    %add3A_280 = arith.addi %iota3A, %add3A_279 : vector<16xi32>
    %lt3A_281 = arith.cmpi slt, %add3A_280, %gather3A : vector<16xi32>
    %jit3A_282 = arith.constant 1.000000e+00 : f32
    %jit3A_283 = arith.constant 0.000000e+00 : f32
    %broadcast_in_dim3A_284 = vector.broadcast %jit3A_282 : f32 to vector<16xf32>
    %broadcast_in_dim3A_285 = vector.broadcast %jit3A_283 : f32 to vector<16xf32>
    %select_n3A_286 = arith.select %lt3A_281, %broadcast_in_dim3A_284, %broadcast_in_dim3A_285 : vector<16xi1>, vector<16xf32>
    %swap3A_287 = arith.constant 400 : index
    %swap3A_288 = tpu.vector_load %arg15[%swap3A_287] {strides = array<i32>} : memref<1024xf32, #tpu.memory_space<vmem>>, vector<16xf32>,
    tpu.vector_store %arg15[%swap3A_287], %select_n3A_286 {strides = array<i32>} : memref<1024xf32, #tpu.memory_space<vmem>>, vector<16xf32>,
    %add3A_289 = arith.constant 416 : i32
    %add3A_290 = vector.broadcast %add3A_289 : i32 to vector<16xi32>
    %add3A_291 = arith.addi %iota3A, %add3A_290 : vector<16xi32>
    %lt3A_292 = arith.cmpi slt, %add3A_291, %gather3A : vector<16xi32>
    %jit3A_293 = arith.constant 1.000000e+00 : f32
    %jit3A_294 = arith.constant 0.000000e+00 : f32
    %broadcast_in_dim3A_295 = vector.broadcast %jit3A_293 : f32 to vector<16xf32>
    %broadcast_in_dim3A_296 = vector.broadcast %jit3A_294 : f32 to vector<16xf32>
    %select_n3A_297 = arith.select %lt3A_292, %broadcast_in_dim3A_295, %broadcast_in_dim3A_296 : vector<16xi1>, vector<16xf32>
    %swap3A_298 = arith.constant 416 : index
    %swap3A_299 = tpu.vector_load %arg15[%swap3A_298] {strides = array<i32>} : memref<1024xf32, #tpu.memory_space<vmem>>, vector<16xf32>,
    tpu.vector_store %arg15[%swap3A_298], %select_n3A_297 {strides = array<i32>} : memref<1024xf32, #tpu.memory_space<vmem>>, vector<16xf32>,
    %add3A_300 = arith.constant 432 : i32
    %add3A_301 = vector.broadcast %add3A_300 : i32 to vector<16xi32>
    %add3A_302 = arith.addi %iota3A, %add3A_301 : vector<16xi32>
    %lt3A_303 = arith.cmpi slt, %add3A_302, %gather3A : vector<16xi32>
    %jit3A_304 = arith.constant 1.000000e+00 : f32
    %jit3A_305 = arith.constant 0.000000e+00 : f32
    %broadcast_in_dim3A_306 = vector.broadcast %jit3A_304 : f32 to vector<16xf32>
    %broadcast_in_dim3A_307 = vector.broadcast %jit3A_305 : f32 to vector<16xf32>
    %select_n3A_308 = arith.select %lt3A_303, %broadcast_in_dim3A_306, %broadcast_in_dim3A_307 : vector<16xi1>, vector<16xf32>
    %swap3A_309 = arith.constant 432 : index
    %swap3A_310 = tpu.vector_load %arg15[%swap3A_309] {strides = array<i32>} : memref<1024xf32, #tpu.memory_space<vmem>>, vector<16xf32>,
    tpu.vector_store %arg15[%swap3A_309], %select_n3A_308 {strides = array<i32>} : memref<1024xf32, #tpu.memory_space<vmem>>, vector<16xf32>,
    %add3A_311 = arith.constant 448 : i32
    %add3A_312 = vector.broadcast %add3A_311 : i32 to vector<16xi32>
    %add3A_313 = arith.addi %iota3A, %add3A_312 : vector<16xi32>
    %lt3A_314 = arith.cmpi slt, %add3A_313, %gather3A : vector<16xi32>
    %jit3A_315 = arith.constant 1.000000e+00 : f32
    %jit3A_316 = arith.constant 0.000000e+00 : f32
    %broadcast_in_dim3A_317 = vector.broadcast %jit3A_315 : f32 to vector<16xf32>
    %broadcast_in_dim3A_318 = vector.broadcast %jit3A_316 : f32 to vector<16xf32>
    %select_n3A_319 = arith.select %lt3A_314, %broadcast_in_dim3A_317, %broadcast_in_dim3A_318 : vector<16xi1>, vector<16xf32>
    %swap3A_320 = arith.constant 448 : index
    %swap3A_321 = tpu.vector_load %arg15[%swap3A_320] {strides = array<i32>} : memref<1024xf32, #tpu.memory_space<vmem>>, vector<16xf32>,
    tpu.vector_store %arg15[%swap3A_320], %select_n3A_319 {strides = array<i32>} : memref<1024xf32, #tpu.memory_space<vmem>>, vector<16xf32>,
    %add3A_322 = arith.constant 464 : i32
    %add3A_323 = vector.broadcast %add3A_322 : i32 to vector<16xi32>
    %add3A_324 = arith.addi %iota3A, %add3A_323 : vector<16xi32>
    %lt3A_325 = arith.cmpi slt, %add3A_324, %gather3A : vector<16xi32>
    %jit3A_326 = arith.constant 1.000000e+00 : f32
    %jit3A_327 = arith.constant 0.000000e+00 : f32
    %broadcast_in_dim3A_328 = vector.broadcast %jit3A_326 : f32 to vector<16xf32>
    %broadcast_in_dim3A_329 = vector.broadcast %jit3A_327 : f32 to vector<16xf32>
    %select_n3A_330 = arith.select %lt3A_325, %broadcast_in_dim3A_328, %broadcast_in_dim3A_329 : vector<16xi1>, vector<16xf32>
    %swap3A_331 = arith.constant 464 : index
    %swap3A_332 = tpu.vector_load %arg15[%swap3A_331] {strides = array<i32>} : memref<1024xf32, #tpu.memory_space<vmem>>, vector<16xf32>,
    tpu.vector_store %arg15[%swap3A_331], %select_n3A_330 {strides = array<i32>} : memref<1024xf32, #tpu.memory_space<vmem>>, vector<16xf32>,
    %add3A_333 = arith.constant 480 : i32
    %add3A_334 = vector.broadcast %add3A_333 : i32 to vector<16xi32>
    %add3A_335 = arith.addi %iota3A, %add3A_334 : vector<16xi32>
    %lt3A_336 = arith.cmpi slt, %add3A_335, %gather3A : vector<16xi32>
    %jit3A_337 = arith.constant 1.000000e+00 : f32
    %jit3A_338 = arith.constant 0.000000e+00 : f32
    %broadcast_in_dim3A_339 = vector.broadcast %jit3A_337 : f32 to vector<16xf32>
    %broadcast_in_dim3A_340 = vector.broadcast %jit3A_338 : f32 to vector<16xf32>
    %select_n3A_341 = arith.select %lt3A_336, %broadcast_in_dim3A_339, %broadcast_in_dim3A_340 : vector<16xi1>, vector<16xf32>
    %swap3A_342 = arith.constant 480 : index
    %swap3A_343 = tpu.vector_load %arg15[%swap3A_342] {strides = array<i32>} : memref<1024xf32, #tpu.memory_space<vmem>>, vector<16xf32>,
    tpu.vector_store %arg15[%swap3A_342], %select_n3A_341 {strides = array<i32>} : memref<1024xf32, #tpu.memory_space<vmem>>, vector<16xf32>,
    %add3A_344 = arith.constant 496 : i32
    %add3A_345 = vector.broadcast %add3A_344 : i32 to vector<16xi32>
    %add3A_346 = arith.addi %iota3A, %add3A_345 : vector<16xi32>
    %lt3A_347 = arith.cmpi slt, %add3A_346, %gather3A : vector<16xi32>
    %jit3A_348 = arith.constant 1.000000e+00 : f32
    %jit3A_349 = arith.constant 0.000000e+00 : f32
    %broadcast_in_dim3A_350 = vector.broadcast %jit3A_348 : f32 to vector<16xf32>
    %broadcast_in_dim3A_351 = vector.broadcast %jit3A_349 : f32 to vector<16xf32>
    %select_n3A_352 = arith.select %lt3A_347, %broadcast_in_dim3A_350, %broadcast_in_dim3A_351 : vector<16xi1>, vector<16xf32>
    %swap3A_353 = arith.constant 496 : index
    %swap3A_354 = tpu.vector_load %arg15[%swap3A_353] {strides = array<i32>} : memref<1024xf32, #tpu.memory_space<vmem>>, vector<16xf32>,
    tpu.vector_store %arg15[%swap3A_353], %select_n3A_352 {strides = array<i32>} : memref<1024xf32, #tpu.memory_space<vmem>>, vector<16xf32>,
    %mul3A_355 = arith.constant 2 : i32
    %mul3A_356 = arith.muli %add3A, %mul3A_355 : i32
    %add3A_357 = arith.constant 1 : i32
    %add3A_358 = arith.addi %mul3A_356, %add3A_357 : i32
    %broadcast_in_dim3A_359 = vector.broadcast %add3A_358 : i32 to vector<16xi32>
    %gather3A_360 = tpu.vector_load_idx %arg16[%broadcast_in_dim3A_359] : memref<64xi32, #tpu.memory_space<vmem>>[vector<16xi32>], vector<16xi32>,
    %add3A_361 = arith.constant 0 : i32
    %add3A_362 = vector.broadcast %add3A_361 : i32 to vector<16xi32>
    %add3A_363 = arith.addi %iota3A, %add3A_362 : vector<16xi32>
    %lt3A_364 = arith.cmpi slt, %add3A_363, %gather3A_360 : vector<16xi32>
    %jit3A_365 = arith.constant 1.000000e+00 : f32
    %jit3A_366 = arith.constant 0.000000e+00 : f32
    %broadcast_in_dim3A_367 = vector.broadcast %jit3A_365 : f32 to vector<16xf32>
    %broadcast_in_dim3A_368 = vector.broadcast %jit3A_366 : f32 to vector<16xf32>
    %select_n3A_369 = arith.select %lt3A_364, %broadcast_in_dim3A_367, %broadcast_in_dim3A_368 : vector<16xi1>, vector<16xf32>
    %swap3A_370 = arith.constant 512 : index
    %swap3A_371 = tpu.vector_load %arg15[%swap3A_370] {strides = array<i32>} : memref<1024xf32, #tpu.memory_space<vmem>>, vector<16xf32>,
    tpu.vector_store %arg15[%swap3A_370], %select_n3A_369 {strides = array<i32>} : memref<1024xf32, #tpu.memory_space<vmem>>, vector<16xf32>,
    %add3A_372 = arith.constant 16 : i32
    %add3A_373 = vector.broadcast %add3A_372 : i32 to vector<16xi32>
    %add3A_374 = arith.addi %iota3A, %add3A_373 : vector<16xi32>
    %lt3A_375 = arith.cmpi slt, %add3A_374, %gather3A_360 : vector<16xi32>
    %jit3A_376 = arith.constant 1.000000e+00 : f32
    %jit3A_377 = arith.constant 0.000000e+00 : f32
    %broadcast_in_dim3A_378 = vector.broadcast %jit3A_376 : f32 to vector<16xf32>
    %broadcast_in_dim3A_379 = vector.broadcast %jit3A_377 : f32 to vector<16xf32>
    %select_n3A_380 = arith.select %lt3A_375, %broadcast_in_dim3A_378, %broadcast_in_dim3A_379 : vector<16xi1>, vector<16xf32>
    %swap3A_381 = arith.constant 528 : index
    %swap3A_382 = tpu.vector_load %arg15[%swap3A_381] {strides = array<i32>} : memref<1024xf32, #tpu.memory_space<vmem>>, vector<16xf32>,
    tpu.vector_store %arg15[%swap3A_381], %select_n3A_380 {strides = array<i32>} : memref<1024xf32, #tpu.memory_space<vmem>>, vector<16xf32>,
    %add3A_383 = arith.constant 32 : i32
    %add3A_384 = vector.broadcast %add3A_383 : i32 to vector<16xi32>
    %add3A_385 = arith.addi %iota3A, %add3A_384 : vector<16xi32>
    %lt3A_386 = arith.cmpi slt, %add3A_385, %gather3A_360 : vector<16xi32>
    %jit3A_387 = arith.constant 1.000000e+00 : f32
    %jit3A_388 = arith.constant 0.000000e+00 : f32
    %broadcast_in_dim3A_389 = vector.broadcast %jit3A_387 : f32 to vector<16xf32>
    %broadcast_in_dim3A_390 = vector.broadcast %jit3A_388 : f32 to vector<16xf32>
    %select_n3A_391 = arith.select %lt3A_386, %broadcast_in_dim3A_389, %broadcast_in_dim3A_390 : vector<16xi1>, vector<16xf32>
    %swap3A_392 = arith.constant 544 : index
    %swap3A_393 = tpu.vector_load %arg15[%swap3A_392] {strides = array<i32>} : memref<1024xf32, #tpu.memory_space<vmem>>, vector<16xf32>,
    tpu.vector_store %arg15[%swap3A_392], %select_n3A_391 {strides = array<i32>} : memref<1024xf32, #tpu.memory_space<vmem>>, vector<16xf32>,
    %add3A_394 = arith.constant 48 : i32
    %add3A_395 = vector.broadcast %add3A_394 : i32 to vector<16xi32>
    %add3A_396 = arith.addi %iota3A, %add3A_395 : vector<16xi32>
    %lt3A_397 = arith.cmpi slt, %add3A_396, %gather3A_360 : vector<16xi32>
    %jit3A_398 = arith.constant 1.000000e+00 : f32
    %jit3A_399 = arith.constant 0.000000e+00 : f32
    %broadcast_in_dim3A_400 = vector.broadcast %jit3A_398 : f32 to vector<16xf32>
    %broadcast_in_dim3A_401 = vector.broadcast %jit3A_399 : f32 to vector<16xf32>
    %select_n3A_402 = arith.select %lt3A_397, %broadcast_in_dim3A_400, %broadcast_in_dim3A_401 : vector<16xi1>, vector<16xf32>
    %swap3A_403 = arith.constant 560 : index
    %swap3A_404 = tpu.vector_load %arg15[%swap3A_403] {strides = array<i32>} : memref<1024xf32, #tpu.memory_space<vmem>>, vector<16xf32>,
    tpu.vector_store %arg15[%swap3A_403], %select_n3A_402 {strides = array<i32>} : memref<1024xf32, #tpu.memory_space<vmem>>, vector<16xf32>,
    %add3A_405 = arith.constant 64 : i32
    %add3A_406 = vector.broadcast %add3A_405 : i32 to vector<16xi32>
    %add3A_407 = arith.addi %iota3A, %add3A_406 : vector<16xi32>
    %lt3A_408 = arith.cmpi slt, %add3A_407, %gather3A_360 : vector<16xi32>
    %jit3A_409 = arith.constant 1.000000e+00 : f32
    %jit3A_410 = arith.constant 0.000000e+00 : f32
    %broadcast_in_dim3A_411 = vector.broadcast %jit3A_409 : f32 to vector<16xf32>
    %broadcast_in_dim3A_412 = vector.broadcast %jit3A_410 : f32 to vector<16xf32>
    %select_n3A_413 = arith.select %lt3A_408, %broadcast_in_dim3A_411, %broadcast_in_dim3A_412 : vector<16xi1>, vector<16xf32>
    %swap3A_414 = arith.constant 576 : index
    %swap3A_415 = tpu.vector_load %arg15[%swap3A_414] {strides = array<i32>} : memref<1024xf32, #tpu.memory_space<vmem>>, vector<16xf32>,
    tpu.vector_store %arg15[%swap3A_414], %select_n3A_413 {strides = array<i32>} : memref<1024xf32, #tpu.memory_space<vmem>>, vector<16xf32>,
    %add3A_416 = arith.constant 80 : i32
    %add3A_417 = vector.broadcast %add3A_416 : i32 to vector<16xi32>
    %add3A_418 = arith.addi %iota3A, %add3A_417 : vector<16xi32>
    %lt3A_419 = arith.cmpi slt, %add3A_418, %gather3A_360 : vector<16xi32>
    %jit3A_420 = arith.constant 1.000000e+00 : f32
    %jit3A_421 = arith.constant 0.000000e+00 : f32
    %broadcast_in_dim3A_422 = vector.broadcast %jit3A_420 : f32 to vector<16xf32>
    %broadcast_in_dim3A_423 = vector.broadcast %jit3A_421 : f32 to vector<16xf32>
    %select_n3A_424 = arith.select %lt3A_419, %broadcast_in_dim3A_422, %broadcast_in_dim3A_423 : vector<16xi1>, vector<16xf32>
    %swap3A_425 = arith.constant 592 : index
    %swap3A_426 = tpu.vector_load %arg15[%swap3A_425] {strides = array<i32>} : memref<1024xf32, #tpu.memory_space<vmem>>, vector<16xf32>,
    tpu.vector_store %arg15[%swap3A_425], %select_n3A_424 {strides = array<i32>} : memref<1024xf32, #tpu.memory_space<vmem>>, vector<16xf32>,
    %add3A_427 = arith.constant 96 : i32
    %add3A_428 = vector.broadcast %add3A_427 : i32 to vector<16xi32>
    %add3A_429 = arith.addi %iota3A, %add3A_428 : vector<16xi32>
    %lt3A_430 = arith.cmpi slt, %add3A_429, %gather3A_360 : vector<16xi32>
    %jit3A_431 = arith.constant 1.000000e+00 : f32
    %jit3A_432 = arith.constant 0.000000e+00 : f32
    %broadcast_in_dim3A_433 = vector.broadcast %jit3A_431 : f32 to vector<16xf32>
    %broadcast_in_dim3A_434 = vector.broadcast %jit3A_432 : f32 to vector<16xf32>
    %select_n3A_435 = arith.select %lt3A_430, %broadcast_in_dim3A_433, %broadcast_in_dim3A_434 : vector<16xi1>, vector<16xf32>
    %swap3A_436 = arith.constant 608 : index
    %swap3A_437 = tpu.vector_load %arg15[%swap3A_436] {strides = array<i32>} : memref<1024xf32, #tpu.memory_space<vmem>>, vector<16xf32>,
    tpu.vector_store %arg15[%swap3A_436], %select_n3A_435 {strides = array<i32>} : memref<1024xf32, #tpu.memory_space<vmem>>, vector<16xf32>,
    %add3A_438 = arith.constant 112 : i32
    %add3A_439 = vector.broadcast %add3A_438 : i32 to vector<16xi32>
    %add3A_440 = arith.addi %iota3A, %add3A_439 : vector<16xi32>
    %lt3A_441 = arith.cmpi slt, %add3A_440, %gather3A_360 : vector<16xi32>
    %jit3A_442 = arith.constant 1.000000e+00 : f32
    %jit3A_443 = arith.constant 0.000000e+00 : f32
    %broadcast_in_dim3A_444 = vector.broadcast %jit3A_442 : f32 to vector<16xf32>
    %broadcast_in_dim3A_445 = vector.broadcast %jit3A_443 : f32 to vector<16xf32>
    %select_n3A_446 = arith.select %lt3A_441, %broadcast_in_dim3A_444, %broadcast_in_dim3A_445 : vector<16xi1>, vector<16xf32>
    %swap3A_447 = arith.constant 624 : index
    %swap3A_448 = tpu.vector_load %arg15[%swap3A_447] {strides = array<i32>} : memref<1024xf32, #tpu.memory_space<vmem>>, vector<16xf32>,
    tpu.vector_store %arg15[%swap3A_447], %select_n3A_446 {strides = array<i32>} : memref<1024xf32, #tpu.memory_space<vmem>>, vector<16xf32>,
    %add3A_449 = arith.constant 128 : i32
    %add3A_450 = vector.broadcast %add3A_449 : i32 to vector<16xi32>
    %add3A_451 = arith.addi %iota3A, %add3A_450 : vector<16xi32>
    %lt3A_452 = arith.cmpi slt, %add3A_451, %gather3A_360 : vector<16xi32>
    %jit3A_453 = arith.constant 1.000000e+00 : f32
    %jit3A_454 = arith.constant 0.000000e+00 : f32
    %broadcast_in_dim3A_455 = vector.broadcast %jit3A_453 : f32 to vector<16xf32>
    %broadcast_in_dim3A_456 = vector.broadcast %jit3A_454 : f32 to vector<16xf32>
    %select_n3A_457 = arith.select %lt3A_452, %broadcast_in_dim3A_455, %broadcast_in_dim3A_456 : vector<16xi1>, vector<16xf32>
    %swap3A_458 = arith.constant 640 : index
    %swap3A_459 = tpu.vector_load %arg15[%swap3A_458] {strides = array<i32>} : memref<1024xf32, #tpu.memory_space<vmem>>, vector<16xf32>,
    tpu.vector_store %arg15[%swap3A_458], %select_n3A_457 {strides = array<i32>} : memref<1024xf32, #tpu.memory_space<vmem>>, vector<16xf32>,
    %add3A_460 = arith.constant 144 : i32
    %add3A_461 = vector.broadcast %add3A_460 : i32 to vector<16xi32>
    %add3A_462 = arith.addi %iota3A, %add3A_461 : vector<16xi32>
    %lt3A_463 = arith.cmpi slt, %add3A_462, %gather3A_360 : vector<16xi32>
    %jit3A_464 = arith.constant 1.000000e+00 : f32
    %jit3A_465 = arith.constant 0.000000e+00 : f32
    %broadcast_in_dim3A_466 = vector.broadcast %jit3A_464 : f32 to vector<16xf32>
    %broadcast_in_dim3A_467 = vector.broadcast %jit3A_465 : f32 to vector<16xf32>
    %select_n3A_468 = arith.select %lt3A_463, %broadcast_in_dim3A_466, %broadcast_in_dim3A_467 : vector<16xi1>, vector<16xf32>
    %swap3A_469 = arith.constant 656 : index
    %swap3A_470 = tpu.vector_load %arg15[%swap3A_469] {strides = array<i32>} : memref<1024xf32, #tpu.memory_space<vmem>>, vector<16xf32>,
    tpu.vector_store %arg15[%swap3A_469], %select_n3A_468 {strides = array<i32>} : memref<1024xf32, #tpu.memory_space<vmem>>, vector<16xf32>,
    %add3A_471 = arith.constant 160 : i32
    %add3A_472 = vector.broadcast %add3A_471 : i32 to vector<16xi32>
    %add3A_473 = arith.addi %iota3A, %add3A_472 : vector<16xi32>
    %lt3A_474 = arith.cmpi slt, %add3A_473, %gather3A_360 : vector<16xi32>
    %jit3A_475 = arith.constant 1.000000e+00 : f32
    %jit3A_476 = arith.constant 0.000000e+00 : f32
    %broadcast_in_dim3A_477 = vector.broadcast %jit3A_475 : f32 to vector<16xf32>
    %broadcast_in_dim3A_478 = vector.broadcast %jit3A_476 : f32 to vector<16xf32>
    %select_n3A_479 = arith.select %lt3A_474, %broadcast_in_dim3A_477, %broadcast_in_dim3A_478 : vector<16xi1>, vector<16xf32>
    %swap3A_480 = arith.constant 672 : index
    %swap3A_481 = tpu.vector_load %arg15[%swap3A_480] {strides = array<i32>} : memref<1024xf32, #tpu.memory_space<vmem>>, vector<16xf32>,
    tpu.vector_store %arg15[%swap3A_480], %select_n3A_479 {strides = array<i32>} : memref<1024xf32, #tpu.memory_space<vmem>>, vector<16xf32>,
    %add3A_482 = arith.constant 176 : i32
    %add3A_483 = vector.broadcast %add3A_482 : i32 to vector<16xi32>
    %add3A_484 = arith.addi %iota3A, %add3A_483 : vector<16xi32>
    %lt3A_485 = arith.cmpi slt, %add3A_484, %gather3A_360 : vector<16xi32>
    %jit3A_486 = arith.constant 1.000000e+00 : f32
    %jit3A_487 = arith.constant 0.000000e+00 : f32
    %broadcast_in_dim3A_488 = vector.broadcast %jit3A_486 : f32 to vector<16xf32>
    %broadcast_in_dim3A_489 = vector.broadcast %jit3A_487 : f32 to vector<16xf32>
    %select_n3A_490 = arith.select %lt3A_485, %broadcast_in_dim3A_488, %broadcast_in_dim3A_489 : vector<16xi1>, vector<16xf32>
    %swap3A_491 = arith.constant 688 : index
    %swap3A_492 = tpu.vector_load %arg15[%swap3A_491] {strides = array<i32>} : memref<1024xf32, #tpu.memory_space<vmem>>, vector<16xf32>,
    tpu.vector_store %arg15[%swap3A_491], %select_n3A_490 {strides = array<i32>} : memref<1024xf32, #tpu.memory_space<vmem>>, vector<16xf32>,
    %add3A_493 = arith.constant 192 : i32
    %add3A_494 = vector.broadcast %add3A_493 : i32 to vector<16xi32>
    %add3A_495 = arith.addi %iota3A, %add3A_494 : vector<16xi32>
    %lt3A_496 = arith.cmpi slt, %add3A_495, %gather3A_360 : vector<16xi32>
    %jit3A_497 = arith.constant 1.000000e+00 : f32
    %jit3A_498 = arith.constant 0.000000e+00 : f32
    %broadcast_in_dim3A_499 = vector.broadcast %jit3A_497 : f32 to vector<16xf32>
    %broadcast_in_dim3A_500 = vector.broadcast %jit3A_498 : f32 to vector<16xf32>
    %select_n3A_501 = arith.select %lt3A_496, %broadcast_in_dim3A_499, %broadcast_in_dim3A_500 : vector<16xi1>, vector<16xf32>
    %swap3A_502 = arith.constant 704 : index
    %swap3A_503 = tpu.vector_load %arg15[%swap3A_502] {strides = array<i32>} : memref<1024xf32, #tpu.memory_space<vmem>>, vector<16xf32>,
    tpu.vector_store %arg15[%swap3A_502], %select_n3A_501 {strides = array<i32>} : memref<1024xf32, #tpu.memory_space<vmem>>, vector<16xf32>,
    %add3A_504 = arith.constant 208 : i32
    %add3A_505 = vector.broadcast %add3A_504 : i32 to vector<16xi32>
    %add3A_506 = arith.addi %iota3A, %add3A_505 : vector<16xi32>
    %lt3A_507 = arith.cmpi slt, %add3A_506, %gather3A_360 : vector<16xi32>
    %jit3A_508 = arith.constant 1.000000e+00 : f32
    %jit3A_509 = arith.constant 0.000000e+00 : f32
    %broadcast_in_dim3A_510 = vector.broadcast %jit3A_508 : f32 to vector<16xf32>
    %broadcast_in_dim3A_511 = vector.broadcast %jit3A_509 : f32 to vector<16xf32>
    %select_n3A_512 = arith.select %lt3A_507, %broadcast_in_dim3A_510, %broadcast_in_dim3A_511 : vector<16xi1>, vector<16xf32>
    %swap3A_513 = arith.constant 720 : index
    %swap3A_514 = tpu.vector_load %arg15[%swap3A_513] {strides = array<i32>} : memref<1024xf32, #tpu.memory_space<vmem>>, vector<16xf32>,
    tpu.vector_store %arg15[%swap3A_513], %select_n3A_512 {strides = array<i32>} : memref<1024xf32, #tpu.memory_space<vmem>>, vector<16xf32>,
    %add3A_515 = arith.constant 224 : i32
    %add3A_516 = vector.broadcast %add3A_515 : i32 to vector<16xi32>
    %add3A_517 = arith.addi %iota3A, %add3A_516 : vector<16xi32>
    %lt3A_518 = arith.cmpi slt, %add3A_517, %gather3A_360 : vector<16xi32>
    %jit3A_519 = arith.constant 1.000000e+00 : f32
    %jit3A_520 = arith.constant 0.000000e+00 : f32
    %broadcast_in_dim3A_521 = vector.broadcast %jit3A_519 : f32 to vector<16xf32>
    %broadcast_in_dim3A_522 = vector.broadcast %jit3A_520 : f32 to vector<16xf32>
    %select_n3A_523 = arith.select %lt3A_518, %broadcast_in_dim3A_521, %broadcast_in_dim3A_522 : vector<16xi1>, vector<16xf32>
    %swap3A_524 = arith.constant 736 : index
    %swap3A_525 = tpu.vector_load %arg15[%swap3A_524] {strides = array<i32>} : memref<1024xf32, #tpu.memory_space<vmem>>, vector<16xf32>,
    tpu.vector_store %arg15[%swap3A_524], %select_n3A_523 {strides = array<i32>} : memref<1024xf32, #tpu.memory_space<vmem>>, vector<16xf32>,
    %add3A_526 = arith.constant 240 : i32
    %add3A_527 = vector.broadcast %add3A_526 : i32 to vector<16xi32>
    %add3A_528 = arith.addi %iota3A, %add3A_527 : vector<16xi32>
    %lt3A_529 = arith.cmpi slt, %add3A_528, %gather3A_360 : vector<16xi32>
    %jit3A_530 = arith.constant 1.000000e+00 : f32
    %jit3A_531 = arith.constant 0.000000e+00 : f32
    %broadcast_in_dim3A_532 = vector.broadcast %jit3A_530 : f32 to vector<16xf32>
    %broadcast_in_dim3A_533 = vector.broadcast %jit3A_531 : f32 to vector<16xf32>
    %select_n3A_534 = arith.select %lt3A_529, %broadcast_in_dim3A_532, %broadcast_in_dim3A_533 : vector<16xi1>, vector<16xf32>
    %swap3A_535 = arith.constant 752 : index
    %swap3A_536 = tpu.vector_load %arg15[%swap3A_535] {strides = array<i32>} : memref<1024xf32, #tpu.memory_space<vmem>>, vector<16xf32>,
    tpu.vector_store %arg15[%swap3A_535], %select_n3A_534 {strides = array<i32>} : memref<1024xf32, #tpu.memory_space<vmem>>, vector<16xf32>,
    %add3A_537 = arith.constant 256 : i32
    %add3A_538 = vector.broadcast %add3A_537 : i32 to vector<16xi32>
    %add3A_539 = arith.addi %iota3A, %add3A_538 : vector<16xi32>
    %lt3A_540 = arith.cmpi slt, %add3A_539, %gather3A_360 : vector<16xi32>
    %jit3A_541 = arith.constant 1.000000e+00 : f32
    %jit3A_542 = arith.constant 0.000000e+00 : f32
    %broadcast_in_dim3A_543 = vector.broadcast %jit3A_541 : f32 to vector<16xf32>
    %broadcast_in_dim3A_544 = vector.broadcast %jit3A_542 : f32 to vector<16xf32>
    %select_n3A_545 = arith.select %lt3A_540, %broadcast_in_dim3A_543, %broadcast_in_dim3A_544 : vector<16xi1>, vector<16xf32>
    %swap3A_546 = arith.constant 768 : index
    %swap3A_547 = tpu.vector_load %arg15[%swap3A_546] {strides = array<i32>} : memref<1024xf32, #tpu.memory_space<vmem>>, vector<16xf32>,
    tpu.vector_store %arg15[%swap3A_546], %select_n3A_545 {strides = array<i32>} : memref<1024xf32, #tpu.memory_space<vmem>>, vector<16xf32>,
    %add3A_548 = arith.constant 272 : i32
    %add3A_549 = vector.broadcast %add3A_548 : i32 to vector<16xi32>
    %add3A_550 = arith.addi %iota3A, %add3A_549 : vector<16xi32>
    %lt3A_551 = arith.cmpi slt, %add3A_550, %gather3A_360 : vector<16xi32>
    %jit3A_552 = arith.constant 1.000000e+00 : f32
    %jit3A_553 = arith.constant 0.000000e+00 : f32
    %broadcast_in_dim3A_554 = vector.broadcast %jit3A_552 : f32 to vector<16xf32>
    %broadcast_in_dim3A_555 = vector.broadcast %jit3A_553 : f32 to vector<16xf32>
    %select_n3A_556 = arith.select %lt3A_551, %broadcast_in_dim3A_554, %broadcast_in_dim3A_555 : vector<16xi1>, vector<16xf32>
    %swap3A_557 = arith.constant 784 : index
    %swap3A_558 = tpu.vector_load %arg15[%swap3A_557] {strides = array<i32>} : memref<1024xf32, #tpu.memory_space<vmem>>, vector<16xf32>,
    tpu.vector_store %arg15[%swap3A_557], %select_n3A_556 {strides = array<i32>} : memref<1024xf32, #tpu.memory_space<vmem>>, vector<16xf32>,
    %add3A_559 = arith.constant 288 : i32
    %add3A_560 = vector.broadcast %add3A_559 : i32 to vector<16xi32>
    %add3A_561 = arith.addi %iota3A, %add3A_560 : vector<16xi32>
    %lt3A_562 = arith.cmpi slt, %add3A_561, %gather3A_360 : vector<16xi32>
    %jit3A_563 = arith.constant 1.000000e+00 : f32
    %jit3A_564 = arith.constant 0.000000e+00 : f32
    %broadcast_in_dim3A_565 = vector.broadcast %jit3A_563 : f32 to vector<16xf32>
    %broadcast_in_dim3A_566 = vector.broadcast %jit3A_564 : f32 to vector<16xf32>
    %select_n3A_567 = arith.select %lt3A_562, %broadcast_in_dim3A_565, %broadcast_in_dim3A_566 : vector<16xi1>, vector<16xf32>
    %swap3A_568 = arith.constant 800 : index
    %swap3A_569 = tpu.vector_load %arg15[%swap3A_568] {strides = array<i32>} : memref<1024xf32, #tpu.memory_space<vmem>>, vector<16xf32>,
    tpu.vector_store %arg15[%swap3A_568], %select_n3A_567 {strides = array<i32>} : memref<1024xf32, #tpu.memory_space<vmem>>, vector<16xf32>,
    %add3A_570 = arith.constant 304 : i32
    %add3A_571 = vector.broadcast %add3A_570 : i32 to vector<16xi32>
    %add3A_572 = arith.addi %iota3A, %add3A_571 : vector<16xi32>
    %lt3A_573 = arith.cmpi slt, %add3A_572, %gather3A_360 : vector<16xi32>
    %jit3A_574 = arith.constant 1.000000e+00 : f32
    %jit3A_575 = arith.constant 0.000000e+00 : f32
    %broadcast_in_dim3A_576 = vector.broadcast %jit3A_574 : f32 to vector<16xf32>
    %broadcast_in_dim3A_577 = vector.broadcast %jit3A_575 : f32 to vector<16xf32>
    %select_n3A_578 = arith.select %lt3A_573, %broadcast_in_dim3A_576, %broadcast_in_dim3A_577 : vector<16xi1>, vector<16xf32>
    %swap3A_579 = arith.constant 816 : index
    %swap3A_580 = tpu.vector_load %arg15[%swap3A_579] {strides = array<i32>} : memref<1024xf32, #tpu.memory_space<vmem>>, vector<16xf32>,
    tpu.vector_store %arg15[%swap3A_579], %select_n3A_578 {strides = array<i32>} : memref<1024xf32, #tpu.memory_space<vmem>>, vector<16xf32>,
    %add3A_581 = arith.constant 320 : i32
    %add3A_582 = vector.broadcast %add3A_581 : i32 to vector<16xi32>
    %add3A_583 = arith.addi %iota3A, %add3A_582 : vector<16xi32>
    %lt3A_584 = arith.cmpi slt, %add3A_583, %gather3A_360 : vector<16xi32>
    %jit3A_585 = arith.constant 1.000000e+00 : f32
    %jit3A_586 = arith.constant 0.000000e+00 : f32
    %broadcast_in_dim3A_587 = vector.broadcast %jit3A_585 : f32 to vector<16xf32>
    %broadcast_in_dim3A_588 = vector.broadcast %jit3A_586 : f32 to vector<16xf32>
    %select_n3A_589 = arith.select %lt3A_584, %broadcast_in_dim3A_587, %broadcast_in_dim3A_588 : vector<16xi1>, vector<16xf32>
    %swap3A_590 = arith.constant 832 : index
    %swap3A_591 = tpu.vector_load %arg15[%swap3A_590] {strides = array<i32>} : memref<1024xf32, #tpu.memory_space<vmem>>, vector<16xf32>,
    tpu.vector_store %arg15[%swap3A_590], %select_n3A_589 {strides = array<i32>} : memref<1024xf32, #tpu.memory_space<vmem>>, vector<16xf32>,
    %add3A_592 = arith.constant 336 : i32
    %add3A_593 = vector.broadcast %add3A_592 : i32 to vector<16xi32>
    %add3A_594 = arith.addi %iota3A, %add3A_593 : vector<16xi32>
    %lt3A_595 = arith.cmpi slt, %add3A_594, %gather3A_360 : vector<16xi32>
    %jit3A_596 = arith.constant 1.000000e+00 : f32
    %jit3A_597 = arith.constant 0.000000e+00 : f32
    %broadcast_in_dim3A_598 = vector.broadcast %jit3A_596 : f32 to vector<16xf32>
    %broadcast_in_dim3A_599 = vector.broadcast %jit3A_597 : f32 to vector<16xf32>
    %select_n3A_600 = arith.select %lt3A_595, %broadcast_in_dim3A_598, %broadcast_in_dim3A_599 : vector<16xi1>, vector<16xf32>
    %swap3A_601 = arith.constant 848 : index
    %swap3A_602 = tpu.vector_load %arg15[%swap3A_601] {strides = array<i32>} : memref<1024xf32, #tpu.memory_space<vmem>>, vector<16xf32>,
    tpu.vector_store %arg15[%swap3A_601], %select_n3A_600 {strides = array<i32>} : memref<1024xf32, #tpu.memory_space<vmem>>, vector<16xf32>,
    %add3A_603 = arith.constant 352 : i32
    %add3A_604 = vector.broadcast %add3A_603 : i32 to vector<16xi32>
    %add3A_605 = arith.addi %iota3A, %add3A_604 : vector<16xi32>
    %lt3A_606 = arith.cmpi slt, %add3A_605, %gather3A_360 : vector<16xi32>
    %jit3A_607 = arith.constant 1.000000e+00 : f32
    %jit3A_608 = arith.constant 0.000000e+00 : f32
    %broadcast_in_dim3A_609 = vector.broadcast %jit3A_607 : f32 to vector<16xf32>
    %broadcast_in_dim3A_610 = vector.broadcast %jit3A_608 : f32 to vector<16xf32>
    %select_n3A_611 = arith.select %lt3A_606, %broadcast_in_dim3A_609, %broadcast_in_dim3A_610 : vector<16xi1>, vector<16xf32>
    %swap3A_612 = arith.constant 864 : index
    %swap3A_613 = tpu.vector_load %arg15[%swap3A_612] {strides = array<i32>} : memref<1024xf32, #tpu.memory_space<vmem>>, vector<16xf32>,
    tpu.vector_store %arg15[%swap3A_612], %select_n3A_611 {strides = array<i32>} : memref<1024xf32, #tpu.memory_space<vmem>>, vector<16xf32>,
    %add3A_614 = arith.constant 368 : i32
    %add3A_615 = vector.broadcast %add3A_614 : i32 to vector<16xi32>
    %add3A_616 = arith.addi %iota3A, %add3A_615 : vector<16xi32>
    %lt3A_617 = arith.cmpi slt, %add3A_616, %gather3A_360 : vector<16xi32>
    %jit3A_618 = arith.constant 1.000000e+00 : f32
    %jit3A_619 = arith.constant 0.000000e+00 : f32
    %broadcast_in_dim3A_620 = vector.broadcast %jit3A_618 : f32 to vector<16xf32>
    %broadcast_in_dim3A_621 = vector.broadcast %jit3A_619 : f32 to vector<16xf32>
    %select_n3A_622 = arith.select %lt3A_617, %broadcast_in_dim3A_620, %broadcast_in_dim3A_621 : vector<16xi1>, vector<16xf32>
    %swap3A_623 = arith.constant 880 : index
    %swap3A_624 = tpu.vector_load %arg15[%swap3A_623] {strides = array<i32>} : memref<1024xf32, #tpu.memory_space<vmem>>, vector<16xf32>,
    tpu.vector_store %arg15[%swap3A_623], %select_n3A_622 {strides = array<i32>} : memref<1024xf32, #tpu.memory_space<vmem>>, vector<16xf32>,
    %add3A_625 = arith.constant 384 : i32
    %add3A_626 = vector.broadcast %add3A_625 : i32 to vector<16xi32>
    %add3A_627 = arith.addi %iota3A, %add3A_626 : vector<16xi32>
    %lt3A_628 = arith.cmpi slt, %add3A_627, %gather3A_360 : vector<16xi32>
    %jit3A_629 = arith.constant 1.000000e+00 : f32
    %jit3A_630 = arith.constant 0.000000e+00 : f32
    %broadcast_in_dim3A_631 = vector.broadcast %jit3A_629 : f32 to vector<16xf32>
    %broadcast_in_dim3A_632 = vector.broadcast %jit3A_630 : f32 to vector<16xf32>
    %select_n3A_633 = arith.select %lt3A_628, %broadcast_in_dim3A_631, %broadcast_in_dim3A_632 : vector<16xi1>, vector<16xf32>
    %swap3A_634 = arith.constant 896 : index
    %swap3A_635 = tpu.vector_load %arg15[%swap3A_634] {strides = array<i32>} : memref<1024xf32, #tpu.memory_space<vmem>>, vector<16xf32>,
    tpu.vector_store %arg15[%swap3A_634], %select_n3A_633 {strides = array<i32>} : memref<1024xf32, #tpu.memory_space<vmem>>, vector<16xf32>,
    %add3A_636 = arith.constant 400 : i32
    %add3A_637 = vector.broadcast %add3A_636 : i32 to vector<16xi32>
    %add3A_638 = arith.addi %iota3A, %add3A_637 : vector<16xi32>
    %lt3A_639 = arith.cmpi slt, %add3A_638, %gather3A_360 : vector<16xi32>
    %jit3A_640 = arith.constant 1.000000e+00 : f32
    %jit3A_641 = arith.constant 0.000000e+00 : f32
    %broadcast_in_dim3A_642 = vector.broadcast %jit3A_640 : f32 to vector<16xf32>
    %broadcast_in_dim3A_643 = vector.broadcast %jit3A_641 : f32 to vector<16xf32>
    %select_n3A_644 = arith.select %lt3A_639, %broadcast_in_dim3A_642, %broadcast_in_dim3A_643 : vector<16xi1>, vector<16xf32>
    %swap3A_645 = arith.constant 912 : index
    %swap3A_646 = tpu.vector_load %arg15[%swap3A_645] {strides = array<i32>} : memref<1024xf32, #tpu.memory_space<vmem>>, vector<16xf32>,
    tpu.vector_store %arg15[%swap3A_645], %select_n3A_644 {strides = array<i32>} : memref<1024xf32, #tpu.memory_space<vmem>>, vector<16xf32>,
    %add3A_647 = arith.constant 416 : i32
    %add3A_648 = vector.broadcast %add3A_647 : i32 to vector<16xi32>
    %add3A_649 = arith.addi %iota3A, %add3A_648 : vector<16xi32>
    %lt3A_650 = arith.cmpi slt, %add3A_649, %gather3A_360 : vector<16xi32>
    %jit3A_651 = arith.constant 1.000000e+00 : f32
    %jit3A_652 = arith.constant 0.000000e+00 : f32
    %broadcast_in_dim3A_653 = vector.broadcast %jit3A_651 : f32 to vector<16xf32>
    %broadcast_in_dim3A_654 = vector.broadcast %jit3A_652 : f32 to vector<16xf32>
    %select_n3A_655 = arith.select %lt3A_650, %broadcast_in_dim3A_653, %broadcast_in_dim3A_654 : vector<16xi1>, vector<16xf32>
    %swap3A_656 = arith.constant 928 : index
    %swap3A_657 = tpu.vector_load %arg15[%swap3A_656] {strides = array<i32>} : memref<1024xf32, #tpu.memory_space<vmem>>, vector<16xf32>,
    tpu.vector_store %arg15[%swap3A_656], %select_n3A_655 {strides = array<i32>} : memref<1024xf32, #tpu.memory_space<vmem>>, vector<16xf32>,
    %add3A_658 = arith.constant 432 : i32
    %add3A_659 = vector.broadcast %add3A_658 : i32 to vector<16xi32>
    %add3A_660 = arith.addi %iota3A, %add3A_659 : vector<16xi32>
    %lt3A_661 = arith.cmpi slt, %add3A_660, %gather3A_360 : vector<16xi32>
    %jit3A_662 = arith.constant 1.000000e+00 : f32
    %jit3A_663 = arith.constant 0.000000e+00 : f32
    %broadcast_in_dim3A_664 = vector.broadcast %jit3A_662 : f32 to vector<16xf32>
    %broadcast_in_dim3A_665 = vector.broadcast %jit3A_663 : f32 to vector<16xf32>
    %select_n3A_666 = arith.select %lt3A_661, %broadcast_in_dim3A_664, %broadcast_in_dim3A_665 : vector<16xi1>, vector<16xf32>
    %swap3A_667 = arith.constant 944 : index
    %swap3A_668 = tpu.vector_load %arg15[%swap3A_667] {strides = array<i32>} : memref<1024xf32, #tpu.memory_space<vmem>>, vector<16xf32>,
    tpu.vector_store %arg15[%swap3A_667], %select_n3A_666 {strides = array<i32>} : memref<1024xf32, #tpu.memory_space<vmem>>, vector<16xf32>,
    %add3A_669 = arith.constant 448 : i32
    %add3A_670 = vector.broadcast %add3A_669 : i32 to vector<16xi32>
    %add3A_671 = arith.addi %iota3A, %add3A_670 : vector<16xi32>
    %lt3A_672 = arith.cmpi slt, %add3A_671, %gather3A_360 : vector<16xi32>
    %jit3A_673 = arith.constant 1.000000e+00 : f32
    %jit3A_674 = arith.constant 0.000000e+00 : f32
    %broadcast_in_dim3A_675 = vector.broadcast %jit3A_673 : f32 to vector<16xf32>
    %broadcast_in_dim3A_676 = vector.broadcast %jit3A_674 : f32 to vector<16xf32>
    %select_n3A_677 = arith.select %lt3A_672, %broadcast_in_dim3A_675, %broadcast_in_dim3A_676 : vector<16xi1>, vector<16xf32>
    %swap3A_678 = arith.constant 960 : index
    %swap3A_679 = tpu.vector_load %arg15[%swap3A_678] {strides = array<i32>} : memref<1024xf32, #tpu.memory_space<vmem>>, vector<16xf32>,
    tpu.vector_store %arg15[%swap3A_678], %select_n3A_677 {strides = array<i32>} : memref<1024xf32, #tpu.memory_space<vmem>>, vector<16xf32>,
    %add3A_680 = arith.constant 464 : i32
    %add3A_681 = vector.broadcast %add3A_680 : i32 to vector<16xi32>
    %add3A_682 = arith.addi %iota3A, %add3A_681 : vector<16xi32>
    %lt3A_683 = arith.cmpi slt, %add3A_682, %gather3A_360 : vector<16xi32>
    %jit3A_684 = arith.constant 1.000000e+00 : f32
    %jit3A_685 = arith.constant 0.000000e+00 : f32
    %broadcast_in_dim3A_686 = vector.broadcast %jit3A_684 : f32 to vector<16xf32>
    %broadcast_in_dim3A_687 = vector.broadcast %jit3A_685 : f32 to vector<16xf32>
    %select_n3A_688 = arith.select %lt3A_683, %broadcast_in_dim3A_686, %broadcast_in_dim3A_687 : vector<16xi1>, vector<16xf32>
    %swap3A_689 = arith.constant 976 : index
    %swap3A_690 = tpu.vector_load %arg15[%swap3A_689] {strides = array<i32>} : memref<1024xf32, #tpu.memory_space<vmem>>, vector<16xf32>,
    tpu.vector_store %arg15[%swap3A_689], %select_n3A_688 {strides = array<i32>} : memref<1024xf32, #tpu.memory_space<vmem>>, vector<16xf32>,
    %add3A_691 = arith.constant 480 : i32
    %add3A_692 = vector.broadcast %add3A_691 : i32 to vector<16xi32>
    %add3A_693 = arith.addi %iota3A, %add3A_692 : vector<16xi32>
    %lt3A_694 = arith.cmpi slt, %add3A_693, %gather3A_360 : vector<16xi32>
    %jit3A_695 = arith.constant 1.000000e+00 : f32
    %jit3A_696 = arith.constant 0.000000e+00 : f32
    %broadcast_in_dim3A_697 = vector.broadcast %jit3A_695 : f32 to vector<16xf32>
    %broadcast_in_dim3A_698 = vector.broadcast %jit3A_696 : f32 to vector<16xf32>
    %select_n3A_699 = arith.select %lt3A_694, %broadcast_in_dim3A_697, %broadcast_in_dim3A_698 : vector<16xi1>, vector<16xf32>
    %swap3A_700 = arith.constant 992 : index
    %swap3A_701 = tpu.vector_load %arg15[%swap3A_700] {strides = array<i32>} : memref<1024xf32, #tpu.memory_space<vmem>>, vector<16xf32>,
    tpu.vector_store %arg15[%swap3A_700], %select_n3A_699 {strides = array<i32>} : memref<1024xf32, #tpu.memory_space<vmem>>, vector<16xf32>,
    %add3A_702 = arith.constant 496 : i32
    %add3A_703 = vector.broadcast %add3A_702 : i32 to vector<16xi32>
    %add3A_704 = arith.addi %iota3A, %add3A_703 : vector<16xi32>
    %lt3A_705 = arith.cmpi slt, %add3A_704, %gather3A_360 : vector<16xi32>
    %jit3A_706 = arith.constant 1.000000e+00 : f32
    %jit3A_707 = arith.constant 0.000000e+00 : f32
    %broadcast_in_dim3A_708 = vector.broadcast %jit3A_706 : f32 to vector<16xf32>
    %broadcast_in_dim3A_709 = vector.broadcast %jit3A_707 : f32 to vector<16xf32>
    %select_n3A_710 = arith.select %lt3A_705, %broadcast_in_dim3A_708, %broadcast_in_dim3A_709 : vector<16xi1>, vector<16xf32>
    %swap3A_711 = arith.constant 1008 : index
    %swap3A_712 = tpu.vector_load %arg15[%swap3A_711] {strides = array<i32>} : memref<1024xf32, #tpu.memory_space<vmem>>, vector<16xf32>,
    tpu.vector_store %arg15[%swap3A_711], %select_n3A_710 {strides = array<i32>} : memref<1024xf32, #tpu.memory_space<vmem>>, vector<16xf32>,
    %mul3A_713 = arith.constant 1024 : i32
    %mul3A_714 = arith.muli %add3A, %mul3A_713 : i32
    "tpu.region"() ({
      %run_scoped3A = tpu.sem_alloc : memref<!tpu.dma_semaphore, #tpu.memory_space<semaphore_mem>>
      %dma_start3A_803 = tpu.memref_slice %arg9[%mul3A_714] : memref<32768xf32, #tpu.memory_space<hbm>> -> memref<1024xf32, #tpu.memory_space<hbm>>
      %dma_start3A_804 = tpu.memref_slice %arg9[%mul3A_714] : memref<32768xf32, #tpu.memory_space<hbm>> -> memref<1024xf32, #tpu.memory_space<hbm>>
      tpu.enqueue_dma source(%arg15 : memref<1024xf32, #tpu.memory_space<vmem>>) target(%dma_start3A_804 : memref<1024xf32, #tpu.memory_space<hbm>>) target_semaphore(%run_scoped3A : memref<!tpu.dma_semaphore, #tpu.memory_space<semaphore_mem>>)
      %dma_wait3A_805 = tpu.memref_slice %arg9[%mul3A_714] : memref<32768xf32, #tpu.memory_space<hbm>> -> memref<1024xf32, #tpu.memory_space<hbm>>
      %dma_wait3A_806 = tpu.memref_slice %arg9[%mul3A_714] : memref<32768xf32, #tpu.memory_space<hbm>> -> memref<1024xf32, #tpu.memory_space<hbm>>
      tpu.wait_dma2 semaphore(%run_scoped3A : memref<!tpu.dma_semaphore, #tpu.memory_space<semaphore_mem>>) src(%arg15 : memref<1024xf32, #tpu.memory_space<vmem>>) dst(%dma_wait3A_806 : memref<1024xf32, #tpu.memory_space<hbm>>)
      tpu.yield
    }) : () -> ()
    %add3A_715 = arith.constant 0 : i32
    %add3A_716 = arith.addi %mul3A_2, %add3A_715 : i32
    "tpu.region"() ({
      %run_scoped3A = tpu.sem_alloc : memref<!tpu.dma_semaphore, #tpu.memory_space<semaphore_mem>>
      %dma_start3A_803 = tpu.memref_slice %arg2[%add3A_716] : memref<65536xi32, #tpu.memory_space<hbm>> -> memref<256xi32, #tpu.memory_space<hbm>>
      %dma_start3A_804 = tpu.memref_slice %arg2[%add3A_716] : memref<65536xi32, #tpu.memory_space<hbm>> -> memref<256xi32, #tpu.memory_space<hbm>>
      tpu.enqueue_dma source(%dma_start3A_804 : memref<256xi32, #tpu.memory_space<hbm>>) target(%arg10 : memref<256xi32, #tpu.memory_space<vmem>>) target_semaphore(%run_scoped3A : memref<!tpu.dma_semaphore, #tpu.memory_space<semaphore_mem>>)
      %dma_wait3A_805 = tpu.memref_slice %arg2[%add3A_716] : memref<65536xi32, #tpu.memory_space<hbm>> -> memref<256xi32, #tpu.memory_space<hbm>>
      %dma_wait3A_806 = tpu.memref_slice %arg2[%add3A_716] : memref<65536xi32, #tpu.memory_space<hbm>> -> memref<256xi32, #tpu.memory_space<hbm>>
      tpu.wait_dma2 semaphore(%run_scoped3A : memref<!tpu.dma_semaphore, #tpu.memory_space<semaphore_mem>>) src(%dma_wait3A_806 : memref<256xi32, #tpu.memory_space<hbm>>) dst(%arg10 : memref<256xi32, #tpu.memory_space<vmem>>)
      tpu.yield
    }) : () -> ()
    %add3A_717 = arith.constant 32768 : i32
    %add3A_718 = arith.addi %add3A_717, %add3A_716 : i32
    "tpu.region"() ({
      %run_scoped3A = tpu.sem_alloc : memref<!tpu.dma_semaphore, #tpu.memory_space<semaphore_mem>>
      %dma_start3A_803 = tpu.memref_slice %arg2[%add3A_718] : memref<65536xi32, #tpu.memory_space<hbm>> -> memref<256xi32, #tpu.memory_space<hbm>>
      %dma_start3A_804 = tpu.memref_slice %arg2[%add3A_718] : memref<65536xi32, #tpu.memory_space<hbm>> -> memref<256xi32, #tpu.memory_space<hbm>>
      tpu.enqueue_dma source(%dma_start3A_804 : memref<256xi32, #tpu.memory_space<hbm>>) target(%arg11 : memref<256xi32, #tpu.memory_space<vmem>>) target_semaphore(%run_scoped3A : memref<!tpu.dma_semaphore, #tpu.memory_space<semaphore_mem>>)
      %dma_wait3A_805 = tpu.memref_slice %arg2[%add3A_718] : memref<65536xi32, #tpu.memory_space<hbm>> -> memref<256xi32, #tpu.memory_space<hbm>>
      %dma_wait3A_806 = tpu.memref_slice %arg2[%add3A_718] : memref<65536xi32, #tpu.memory_space<hbm>> -> memref<256xi32, #tpu.memory_space<hbm>>
      tpu.wait_dma2 semaphore(%run_scoped3A : memref<!tpu.dma_semaphore, #tpu.memory_space<semaphore_mem>>) src(%dma_wait3A_806 : memref<256xi32, #tpu.memory_space<hbm>>) dst(%arg11 : memref<256xi32, #tpu.memory_space<vmem>>)
      tpu.yield
    }) : () -> ()
    %dma_start3A = arith.constant 0 : i32
    %dma_start3A_719 = arith.constant 0 : i32
    %dma_start3A_720 = tpu.memref_slice %arg4[%dma_start3A, %dma_start3A_719] : memref<100000x128xf32, #tpu.memory_space<hbm>> -> memref<100000x128xf32, #tpu.memory_space<hbm>>
    tpu.enqueue_indirect_dma source(%dma_start3A_720 : memref<100000x128xf32, #tpu.memory_space<hbm>>) target(%arg12 : memref<256x128xf32, #tpu.memory_space<vmem>>) offsets(%arg10 : memref<256xi32, #tpu.memory_space<vmem>>) semaphore(%arg17 : memref<!tpu.dma_semaphore, #tpu.memory_space<semaphore_mem>>)
    %dma_start3A_721 = arith.constant 0 : i32
    %dma_start3A_722 = arith.constant 0 : i32
    %dma_start3A_723 = tpu.memref_slice %arg5[%dma_start3A_721, %dma_start3A_722] : memref<100000x128xf32, #tpu.memory_space<hbm>> -> memref<100000x128xf32, #tpu.memory_space<hbm>>
    tpu.enqueue_indirect_dma source(%dma_start3A_723 : memref<100000x128xf32, #tpu.memory_space<hbm>>) target(%arg13 : memref<256x128xf32, #tpu.memory_space<vmem>>) offsets(%arg10 : memref<256xi32, #tpu.memory_space<vmem>>) semaphore(%arg18 : memref<!tpu.dma_semaphore, #tpu.memory_space<semaphore_mem>>)
    %dma_wait3A = arith.constant 0 : i32
    %dma_wait3A_724 = arith.constant 0 : i32
    %dma_wait3A_725 = tpu.memref_slice %arg4[%dma_wait3A, %dma_wait3A_724] : memref<100000x128xf32, #tpu.memory_space<hbm>> -> memref<100000x128xf32, #tpu.memory_space<hbm>>
    tpu.wait_indirect_dma semaphore(%arg17 : memref<!tpu.dma_semaphore, #tpu.memory_space<semaphore_mem>>) src(%dma_wait3A_725 : memref<100000x128xf32, #tpu.memory_space<hbm>>) dst(%arg12 : memref<256x128xf32, #tpu.memory_space<vmem>>)
    %dma_wait3A_726 = arith.constant 0 : i32
    %dma_wait3A_727 = arith.constant 0 : i32
    %dma_wait3A_728 = tpu.memref_slice %arg5[%dma_wait3A_726, %dma_wait3A_727] : memref<100000x128xf32, #tpu.memory_space<hbm>> -> memref<100000x128xf32, #tpu.memory_space<hbm>>
    tpu.wait_indirect_dma semaphore(%arg18 : memref<!tpu.dma_semaphore, #tpu.memory_space<semaphore_mem>>) src(%dma_wait3A_728 : memref<100000x128xf32, #tpu.memory_space<hbm>>) dst(%arg13 : memref<256x128xf32, #tpu.memory_space<vmem>>)
    %scan3A = arith.constant 0 : i32
    %scan3A_729 = arith.constant 0 : i32
    %scan3A_730 = arith.constant 256 : i32
    %scan3A_731 = arith.addi %scan3A_729, %scan3A_730 : i32
    %scan3A_732 = arith.constant 1 : i32
    scf.for %scan3A_803 = %scan3A_729 to %scan3A_731 step %scan3A_732  : i32 {
      %broadcast_in_dim3A_804 = vector.broadcast %scan3A_803 : i32 to vector<16xi32>
      %gather3A_805 = tpu.vector_load_idx %arg11[%broadcast_in_dim3A_804] : memref<256xi32, #tpu.memory_space<vmem>>[vector<16xi32>], vector<16xi32>,
      %mul3A_806 = arith.constant 192 : i32
      %mul3A_807 = vector.broadcast %mul3A_806 : i32 to vector<16xi32>
      %mul3A_808 = arith.muli %gather3A_805, %mul3A_807 : vector<16xi32>
      %add3A_809 = arith.constant 0 : i32
      %add3A_810 = vector.broadcast %add3A_809 : i32 to vector<16xi32>
      %add3A_811 = arith.addi %iota3A, %add3A_810 : vector<16xi32>
      %add3A_812 = arith.addi %mul3A_808, %add3A_811 : vector<16xi32>
      %gather3A_813 = tpu.vector_load_idx %arg14[%add3A_812] : memref<30720xf32, #tpu.memory_space<vmem>>[vector<16xi32>], vector<16xf32>,
      tpu.vector_store_idx %arg12[%broadcast_in_dim3A_804, %add3A_811], %gather3A_813 {add = true} : memref<256x128xf32, #tpu.memory_space<vmem>>[vector<16xi32>, vector<16xi32>], vector<16xf32>,
      %add3A_814 = arith.constant 16 : i32
      %add3A_815 = vector.broadcast %add3A_814 : i32 to vector<16xi32>
      %add3A_816 = arith.addi %iota3A, %add3A_815 : vector<16xi32>
      %add3A_817 = arith.addi %mul3A_808, %add3A_816 : vector<16xi32>
      %gather3A_818 = tpu.vector_load_idx %arg14[%add3A_817] : memref<30720xf32, #tpu.memory_space<vmem>>[vector<16xi32>], vector<16xf32>,
      tpu.vector_store_idx %arg12[%broadcast_in_dim3A_804, %add3A_816], %gather3A_818 {add = true} : memref<256x128xf32, #tpu.memory_space<vmem>>[vector<16xi32>, vector<16xi32>], vector<16xf32>,
      %add3A_819 = arith.constant 32 : i32
      %add3A_820 = vector.broadcast %add3A_819 : i32 to vector<16xi32>
      %add3A_821 = arith.addi %iota3A, %add3A_820 : vector<16xi32>
      %add3A_822 = arith.addi %mul3A_808, %add3A_821 : vector<16xi32>
      %gather3A_823 = tpu.vector_load_idx %arg14[%add3A_822] : memref<30720xf32, #tpu.memory_space<vmem>>[vector<16xi32>], vector<16xf32>,
      tpu.vector_store_idx %arg12[%broadcast_in_dim3A_804, %add3A_821], %gather3A_823 {add = true} : memref<256x128xf32, #tpu.memory_space<vmem>>[vector<16xi32>, vector<16xi32>], vector<16xf32>,
      %add3A_824 = arith.constant 48 : i32
      %add3A_825 = vector.broadcast %add3A_824 : i32 to vector<16xi32>
      %add3A_826 = arith.addi %iota3A, %add3A_825 : vector<16xi32>
      %add3A_827 = arith.addi %mul3A_808, %add3A_826 : vector<16xi32>
      %gather3A_828 = tpu.vector_load_idx %arg14[%add3A_827] : memref<30720xf32, #tpu.memory_space<vmem>>[vector<16xi32>], vector<16xf32>,
      tpu.vector_store_idx %arg12[%broadcast_in_dim3A_804, %add3A_826], %gather3A_828 {add = true} : memref<256x128xf32, #tpu.memory_space<vmem>>[vector<16xi32>, vector<16xi32>], vector<16xf32>,
      %add3A_829 = arith.constant 64 : i32
      %add3A_830 = vector.broadcast %add3A_829 : i32 to vector<16xi32>
      %add3A_831 = arith.addi %iota3A, %add3A_830 : vector<16xi32>
      %add3A_832 = arith.addi %mul3A_808, %add3A_831 : vector<16xi32>
      %gather3A_833 = tpu.vector_load_idx %arg14[%add3A_832] : memref<30720xf32, #tpu.memory_space<vmem>>[vector<16xi32>], vector<16xf32>,
      tpu.vector_store_idx %arg12[%broadcast_in_dim3A_804, %add3A_831], %gather3A_833 {add = true} : memref<256x128xf32, #tpu.memory_space<vmem>>[vector<16xi32>, vector<16xi32>], vector<16xf32>,
      %add3A_834 = arith.constant 80 : i32
      %add3A_835 = vector.broadcast %add3A_834 : i32 to vector<16xi32>
      %add3A_836 = arith.addi %iota3A, %add3A_835 : vector<16xi32>
      %add3A_837 = arith.addi %mul3A_808, %add3A_836 : vector<16xi32>
      %gather3A_838 = tpu.vector_load_idx %arg14[%add3A_837] : memref<30720xf32, #tpu.memory_space<vmem>>[vector<16xi32>], vector<16xf32>,
      tpu.vector_store_idx %arg12[%broadcast_in_dim3A_804, %add3A_836], %gather3A_838 {add = true} : memref<256x128xf32, #tpu.memory_space<vmem>>[vector<16xi32>, vector<16xi32>], vector<16xf32>,
      %add3A_839 = arith.constant 96 : i32
      %add3A_840 = vector.broadcast %add3A_839 : i32 to vector<16xi32>
      %add3A_841 = arith.addi %iota3A, %add3A_840 : vector<16xi32>
      %add3A_842 = arith.addi %mul3A_808, %add3A_841 : vector<16xi32>
      %gather3A_843 = tpu.vector_load_idx %arg14[%add3A_842] : memref<30720xf32, #tpu.memory_space<vmem>>[vector<16xi32>], vector<16xf32>,
      tpu.vector_store_idx %arg12[%broadcast_in_dim3A_804, %add3A_841], %gather3A_843 {add = true} : memref<256x128xf32, #tpu.memory_space<vmem>>[vector<16xi32>, vector<16xi32>], vector<16xf32>,
      %add3A_844 = arith.constant 112 : i32
      %add3A_845 = vector.broadcast %add3A_844 : i32 to vector<16xi32>
      %add3A_846 = arith.addi %iota3A, %add3A_845 : vector<16xi32>
      %add3A_847 = arith.addi %mul3A_808, %add3A_846 : vector<16xi32>
      %gather3A_848 = tpu.vector_load_idx %arg14[%add3A_847] : memref<30720xf32, #tpu.memory_space<vmem>>[vector<16xi32>], vector<16xf32>,
      tpu.vector_store_idx %arg12[%broadcast_in_dim3A_804, %add3A_846], %gather3A_848 {add = true} : memref<256x128xf32, #tpu.memory_space<vmem>>[vector<16xi32>, vector<16xi32>], vector<16xf32>,
      %add3A_849 = arith.constant 0 : i32
      %add3A_850 = vector.broadcast %add3A_849 : i32 to vector<16xi32>
      %add3A_851 = arith.addi %iota3A, %add3A_850 : vector<16xi32>
      %add3A_852 = arith.constant 128 : i32
      %add3A_853 = vector.broadcast %add3A_852 : i32 to vector<16xi32>
      %add3A_854 = arith.addi %add3A_851, %add3A_853 : vector<16xi32>
      %add3A_855 = arith.addi %mul3A_808, %add3A_854 : vector<16xi32>
      %gather3A_856 = tpu.vector_load_idx %arg14[%add3A_855] : memref<30720xf32, #tpu.memory_space<vmem>>[vector<16xi32>], vector<16xf32>,
      tpu.vector_store_idx %arg13[%broadcast_in_dim3A_804, %add3A_851], %gather3A_856 {add = true} : memref<256x128xf32, #tpu.memory_space<vmem>>[vector<16xi32>, vector<16xi32>], vector<16xf32>,
      %add3A_857 = arith.constant 16 : i32
      %add3A_858 = vector.broadcast %add3A_857 : i32 to vector<16xi32>
      %add3A_859 = arith.addi %iota3A, %add3A_858 : vector<16xi32>
      %add3A_860 = arith.constant 128 : i32
      %add3A_861 = vector.broadcast %add3A_860 : i32 to vector<16xi32>
      %add3A_862 = arith.addi %add3A_859, %add3A_861 : vector<16xi32>
      %add3A_863 = arith.addi %mul3A_808, %add3A_862 : vector<16xi32>
      %gather3A_864 = tpu.vector_load_idx %arg14[%add3A_863] : memref<30720xf32, #tpu.memory_space<vmem>>[vector<16xi32>], vector<16xf32>,
      tpu.vector_store_idx %arg13[%broadcast_in_dim3A_804, %add3A_859], %gather3A_864 {add = true} : memref<256x128xf32, #tpu.memory_space<vmem>>[vector<16xi32>, vector<16xi32>], vector<16xf32>,
      %add3A_865 = arith.constant 32 : i32
      %add3A_866 = vector.broadcast %add3A_865 : i32 to vector<16xi32>
      %add3A_867 = arith.addi %iota3A, %add3A_866 : vector<16xi32>
      %add3A_868 = arith.constant 128 : i32
      %add3A_869 = vector.broadcast %add3A_868 : i32 to vector<16xi32>
      %add3A_870 = arith.addi %add3A_867, %add3A_869 : vector<16xi32>
      %add3A_871 = arith.addi %mul3A_808, %add3A_870 : vector<16xi32>
      %gather3A_872 = tpu.vector_load_idx %arg14[%add3A_871] : memref<30720xf32, #tpu.memory_space<vmem>>[vector<16xi32>], vector<16xf32>,
      tpu.vector_store_idx %arg13[%broadcast_in_dim3A_804, %add3A_867], %gather3A_872 {add = true} : memref<256x128xf32, #tpu.memory_space<vmem>>[vector<16xi32>, vector<16xi32>], vector<16xf32>,
      %add3A_873 = arith.constant 48 : i32
      %add3A_874 = vector.broadcast %add3A_873 : i32 to vector<16xi32>
      %add3A_875 = arith.addi %iota3A, %add3A_874 : vector<16xi32>
      %add3A_876 = arith.constant 128 : i32
      %add3A_877 = vector.broadcast %add3A_876 : i32 to vector<16xi32>
      %add3A_878 = arith.addi %add3A_875, %add3A_877 : vector<16xi32>
      %add3A_879 = arith.addi %mul3A_808, %add3A_878 : vector<16xi32>
      %gather3A_880 = tpu.vector_load_idx %arg14[%add3A_879] : memref<30720xf32, #tpu.memory_space<vmem>>[vector<16xi32>], vector<16xf32>,
      tpu.vector_store_idx %arg13[%broadcast_in_dim3A_804, %add3A_875], %gather3A_880 {add = true} : memref<256x128xf32, #tpu.memory_space<vmem>>[vector<16xi32>, vector<16xi32>], vector<16xf32>,
    }
    %scan3A_733 = arith.constant 256 : i32
    %multiple_of3A = tpu.assume_multiple %add3A_716, 256 : i32
    "tpu.region"() ({
      %run_scoped3A = tpu.sem_alloc : memref<!tpu.dma_semaphore, #tpu.memory_space<semaphore_mem>>
      %dma_start3A_803 = arith.constant 0 : i32
      %dma_start3A_804 = tpu.memref_slice %arg7[%multiple_of3A, %dma_start3A_803] : memref<32768x128xf32, #tpu.memory_space<hbm>> -> memref<256x128xf32, #tpu.memory_space<hbm>>
      %dma_start3A_805 = arith.constant 0 : i32
      %dma_start3A_806 = tpu.memref_slice %arg7[%multiple_of3A, %dma_start3A_805] : memref<32768x128xf32, #tpu.memory_space<hbm>> -> memref<256x128xf32, #tpu.memory_space<hbm>>
      tpu.enqueue_dma source(%arg12 : memref<256x128xf32, #tpu.memory_space<vmem>>) target(%dma_start3A_806 : memref<256x128xf32, #tpu.memory_space<hbm>>) target_semaphore(%run_scoped3A : memref<!tpu.dma_semaphore, #tpu.memory_space<semaphore_mem>>)
      %dma_wait3A_807 = arith.constant 0 : i32
      %dma_wait3A_808 = tpu.memref_slice %arg7[%multiple_of3A, %dma_wait3A_807] : memref<32768x128xf32, #tpu.memory_space<hbm>> -> memref<256x128xf32, #tpu.memory_space<hbm>>
      %dma_wait3A_809 = arith.constant 0 : i32
      %dma_wait3A_810 = tpu.memref_slice %arg7[%multiple_of3A, %dma_wait3A_809] : memref<32768x128xf32, #tpu.memory_space<hbm>> -> memref<256x128xf32, #tpu.memory_space<hbm>>
      tpu.wait_dma2 semaphore(%run_scoped3A : memref<!tpu.dma_semaphore, #tpu.memory_space<semaphore_mem>>) src(%arg12 : memref<256x128xf32, #tpu.memory_space<vmem>>) dst(%dma_wait3A_810 : memref<256x128xf32, #tpu.memory_space<hbm>>)
      tpu.yield
    }) : () -> ()
    "tpu.region"() ({
      %run_scoped3A = tpu.sem_alloc : memref<!tpu.dma_semaphore, #tpu.memory_space<semaphore_mem>>
      %dma_start3A_803 = arith.constant 0 : i32
      %dma_start3A_804 = tpu.memref_slice %arg8[%multiple_of3A, %dma_start3A_803] : memref<32768x128xf32, #tpu.memory_space<hbm>> -> memref<256x128xf32, #tpu.memory_space<hbm>>
      %dma_start3A_805 = arith.constant 0 : i32
      %dma_start3A_806 = tpu.memref_slice %arg8[%multiple_of3A, %dma_start3A_805] : memref<32768x128xf32, #tpu.memory_space<hbm>> -> memref<256x128xf32, #tpu.memory_space<hbm>>
      tpu.enqueue_dma source(%arg13 : memref<256x128xf32, #tpu.memory_space<vmem>>) target(%dma_start3A_806 : memref<256x128xf32, #tpu.memory_space<hbm>>) target_semaphore(%run_scoped3A : memref<!tpu.dma_semaphore, #tpu.memory_space<semaphore_mem>>)
      %dma_wait3A_807 = arith.constant 0 : i32
      %dma_wait3A_808 = tpu.memref_slice %arg8[%multiple_of3A, %dma_wait3A_807] : memref<32768x128xf32, #tpu.memory_space<hbm>> -> memref<256x128xf32, #tpu.memory_space<hbm>>
      %dma_wait3A_809 = arith.constant 0 : i32
      %dma_wait3A_810 = tpu.memref_slice %arg8[%multiple_of3A, %dma_wait3A_809] : memref<32768x128xf32, #tpu.memory_space<hbm>> -> memref<256x128xf32, #tpu.memory_space<hbm>>
      tpu.wait_dma2 semaphore(%run_scoped3A : memref<!tpu.dma_semaphore, #tpu.memory_space<semaphore_mem>>) src(%arg13 : memref<256x128xf32, #tpu.memory_space<vmem>>) dst(%dma_wait3A_810 : memref<256x128xf32, #tpu.memory_space<hbm>>)
      tpu.yield
    }) : () -> ()
    %add3A_734 = arith.constant 256 : i32
    %add3A_735 = arith.addi %mul3A_2, %add3A_734 : i32
    "tpu.region"() ({
      %run_scoped3A = tpu.sem_alloc : memref<!tpu.dma_semaphore, #tpu.memory_space<semaphore_mem>>
      %dma_start3A_803 = tpu.memref_slice %arg2[%add3A_735] : memref<65536xi32, #tpu.memory_space<hbm>> -> memref<256xi32, #tpu.memory_space<hbm>>
      %dma_start3A_804 = tpu.memref_slice %arg2[%add3A_735] : memref<65536xi32, #tpu.memory_space<hbm>> -> memref<256xi32, #tpu.memory_space<hbm>>
      tpu.enqueue_dma source(%dma_start3A_804 : memref<256xi32, #tpu.memory_space<hbm>>) target(%arg10 : memref<256xi32, #tpu.memory_space<vmem>>) target_semaphore(%run_scoped3A : memref<!tpu.dma_semaphore, #tpu.memory_space<semaphore_mem>>)
      %dma_wait3A_805 = tpu.memref_slice %arg2[%add3A_735] : memref<65536xi32, #tpu.memory_space<hbm>> -> memref<256xi32, #tpu.memory_space<hbm>>
      %dma_wait3A_806 = tpu.memref_slice %arg2[%add3A_735] : memref<65536xi32, #tpu.memory_space<hbm>> -> memref<256xi32, #tpu.memory_space<hbm>>
      tpu.wait_dma2 semaphore(%run_scoped3A : memref<!tpu.dma_semaphore, #tpu.memory_space<semaphore_mem>>) src(%dma_wait3A_806 : memref<256xi32, #tpu.memory_space<hbm>>) dst(%arg10 : memref<256xi32, #tpu.memory_space<vmem>>)
      tpu.yield
    }) : () -> ()
    %add3A_736 = arith.constant 32768 : i32
    %add3A_737 = arith.addi %add3A_736, %add3A_735 : i32
    "tpu.region"() ({
      %run_scoped3A = tpu.sem_alloc : memref<!tpu.dma_semaphore, #tpu.memory_space<semaphore_mem>>
      %dma_start3A_803 = tpu.memref_slice %arg2[%add3A_737] : memref<65536xi32, #tpu.memory_space<hbm>> -> memref<256xi32, #tpu.memory_space<hbm>>
      %dma_start3A_804 = tpu.memref_slice %arg2[%add3A_737] : memref<65536xi32, #tpu.memory_space<hbm>> -> memref<256xi32, #tpu.memory_space<hbm>>
      tpu.enqueue_dma source(%dma_start3A_804 : memref<256xi32, #tpu.memory_space<hbm>>) target(%arg11 : memref<256xi32, #tpu.memory_space<vmem>>) target_semaphore(%run_scoped3A : memref<!tpu.dma_semaphore, #tpu.memory_space<semaphore_mem>>)
      %dma_wait3A_805 = tpu.memref_slice %arg2[%add3A_737] : memref<65536xi32, #tpu.memory_space<hbm>> -> memref<256xi32, #tpu.memory_space<hbm>>
      %dma_wait3A_806 = tpu.memref_slice %arg2[%add3A_737] : memref<65536xi32, #tpu.memory_space<hbm>> -> memref<256xi32, #tpu.memory_space<hbm>>
      tpu.wait_dma2 semaphore(%run_scoped3A : memref<!tpu.dma_semaphore, #tpu.memory_space<semaphore_mem>>) src(%dma_wait3A_806 : memref<256xi32, #tpu.memory_space<hbm>>) dst(%arg11 : memref<256xi32, #tpu.memory_space<vmem>>)
      tpu.yield
    }) : () -> ()
    %dma_start3A_738 = arith.constant 0 : i32
    %dma_start3A_739 = arith.constant 0 : i32
    %dma_start3A_740 = tpu.memref_slice %arg4[%dma_start3A_738, %dma_start3A_739] : memref<100000x128xf32, #tpu.memory_space<hbm>> -> memref<100000x128xf32, #tpu.memory_space<hbm>>
    tpu.enqueue_indirect_dma source(%dma_start3A_740 : memref<100000x128xf32, #tpu.memory_space<hbm>>) target(%arg12 : memref<256x128xf32, #tpu.memory_space<vmem>>) offsets(%arg10 : memref<256xi32, #tpu.memory_space<vmem>>) semaphore(%arg17 : memref<!tpu.dma_semaphore, #tpu.memory_space<semaphore_mem>>)
    %dma_start3A_741 = arith.constant 0 : i32
    %dma_start3A_742 = arith.constant 0 : i32
    %dma_start3A_743 = tpu.memref_slice %arg5[%dma_start3A_741, %dma_start3A_742] : memref<100000x128xf32, #tpu.memory_space<hbm>> -> memref<100000x128xf32, #tpu.memory_space<hbm>>
    tpu.enqueue_indirect_dma source(%dma_start3A_743 : memref<100000x128xf32, #tpu.memory_space<hbm>>) target(%arg13 : memref<256x128xf32, #tpu.memory_space<vmem>>) offsets(%arg10 : memref<256xi32, #tpu.memory_space<vmem>>) semaphore(%arg18 : memref<!tpu.dma_semaphore, #tpu.memory_space<semaphore_mem>>)
    %dma_wait3A_744 = arith.constant 0 : i32
    %dma_wait3A_745 = arith.constant 0 : i32
    %dma_wait3A_746 = tpu.memref_slice %arg4[%dma_wait3A_744, %dma_wait3A_745] : memref<100000x128xf32, #tpu.memory_space<hbm>> -> memref<100000x128xf32, #tpu.memory_space<hbm>>
    tpu.wait_indirect_dma semaphore(%arg17 : memref<!tpu.dma_semaphore, #tpu.memory_space<semaphore_mem>>) src(%dma_wait3A_746 : memref<100000x128xf32, #tpu.memory_space<hbm>>) dst(%arg12 : memref<256x128xf32, #tpu.memory_space<vmem>>)
    %dma_wait3A_747 = arith.constant 0 : i32
    %dma_wait3A_748 = arith.constant 0 : i32
    %dma_wait3A_749 = tpu.memref_slice %arg5[%dma_wait3A_747, %dma_wait3A_748] : memref<100000x128xf32, #tpu.memory_space<hbm>> -> memref<100000x128xf32, #tpu.memory_space<hbm>>
    tpu.wait_indirect_dma semaphore(%arg18 : memref<!tpu.dma_semaphore, #tpu.memory_space<semaphore_mem>>) src(%dma_wait3A_749 : memref<100000x128xf32, #tpu.memory_space<hbm>>) dst(%arg13 : memref<256x128xf32, #tpu.memory_space<vmem>>)
    %scan3A_750 = arith.constant 0 : i32
    %scan3A_751 = arith.constant 0 : i32
    %scan3A_752 = arith.constant 256 : i32
    %scan3A_753 = arith.addi %scan3A_751, %scan3A_752 : i32
    %scan3A_754 = arith.constant 1 : i32
    scf.for %scan3A_803 = %scan3A_751 to %scan3A_753 step %scan3A_754  : i32 {
      %broadcast_in_dim3A_804 = vector.broadcast %scan3A_803 : i32 to vector<16xi32>
      %gather3A_805 = tpu.vector_load_idx %arg11[%broadcast_in_dim3A_804] : memref<256xi32, #tpu.memory_space<vmem>>[vector<16xi32>], vector<16xi32>,
      %mul3A_806 = arith.constant 192 : i32
      %mul3A_807 = vector.broadcast %mul3A_806 : i32 to vector<16xi32>
      %mul3A_808 = arith.muli %gather3A_805, %mul3A_807 : vector<16xi32>
      %add3A_809 = arith.constant 0 : i32
      %add3A_810 = vector.broadcast %add3A_809 : i32 to vector<16xi32>
      %add3A_811 = arith.addi %iota3A, %add3A_810 : vector<16xi32>
      %add3A_812 = arith.addi %mul3A_808, %add3A_811 : vector<16xi32>
      %gather3A_813 = tpu.vector_load_idx %arg14[%add3A_812] : memref<30720xf32, #tpu.memory_space<vmem>>[vector<16xi32>], vector<16xf32>,
      tpu.vector_store_idx %arg12[%broadcast_in_dim3A_804, %add3A_811], %gather3A_813 {add = true} : memref<256x128xf32, #tpu.memory_space<vmem>>[vector<16xi32>, vector<16xi32>], vector<16xf32>,
      %add3A_814 = arith.constant 16 : i32
      %add3A_815 = vector.broadcast %add3A_814 : i32 to vector<16xi32>
      %add3A_816 = arith.addi %iota3A, %add3A_815 : vector<16xi32>
      %add3A_817 = arith.addi %mul3A_808, %add3A_816 : vector<16xi32>
      %gather3A_818 = tpu.vector_load_idx %arg14[%add3A_817] : memref<30720xf32, #tpu.memory_space<vmem>>[vector<16xi32>], vector<16xf32>,
      tpu.vector_store_idx %arg12[%broadcast_in_dim3A_804, %add3A_816], %gather3A_818 {add = true} : memref<256x128xf32, #tpu.memory_space<vmem>>[vector<16xi32>, vector<16xi32>], vector<16xf32>,
      %add3A_819 = arith.constant 32 : i32
      %add3A_820 = vector.broadcast %add3A_819 : i32 to vector<16xi32>
      %add3A_821 = arith.addi %iota3A, %add3A_820 : vector<16xi32>
      %add3A_822 = arith.addi %mul3A_808, %add3A_821 : vector<16xi32>
      %gather3A_823 = tpu.vector_load_idx %arg14[%add3A_822] : memref<30720xf32, #tpu.memory_space<vmem>>[vector<16xi32>], vector<16xf32>,
      tpu.vector_store_idx %arg12[%broadcast_in_dim3A_804, %add3A_821], %gather3A_823 {add = true} : memref<256x128xf32, #tpu.memory_space<vmem>>[vector<16xi32>, vector<16xi32>], vector<16xf32>,
      %add3A_824 = arith.constant 48 : i32
      %add3A_825 = vector.broadcast %add3A_824 : i32 to vector<16xi32>
      %add3A_826 = arith.addi %iota3A, %add3A_825 : vector<16xi32>
      %add3A_827 = arith.addi %mul3A_808, %add3A_826 : vector<16xi32>
      %gather3A_828 = tpu.vector_load_idx %arg14[%add3A_827] : memref<30720xf32, #tpu.memory_space<vmem>>[vector<16xi32>], vector<16xf32>,
      tpu.vector_store_idx %arg12[%broadcast_in_dim3A_804, %add3A_826], %gather3A_828 {add = true} : memref<256x128xf32, #tpu.memory_space<vmem>>[vector<16xi32>, vector<16xi32>], vector<16xf32>,
      %add3A_829 = arith.constant 64 : i32
      %add3A_830 = vector.broadcast %add3A_829 : i32 to vector<16xi32>
      %add3A_831 = arith.addi %iota3A, %add3A_830 : vector<16xi32>
      %add3A_832 = arith.addi %mul3A_808, %add3A_831 : vector<16xi32>
      %gather3A_833 = tpu.vector_load_idx %arg14[%add3A_832] : memref<30720xf32, #tpu.memory_space<vmem>>[vector<16xi32>], vector<16xf32>,
      tpu.vector_store_idx %arg12[%broadcast_in_dim3A_804, %add3A_831], %gather3A_833 {add = true} : memref<256x128xf32, #tpu.memory_space<vmem>>[vector<16xi32>, vector<16xi32>], vector<16xf32>,
      %add3A_834 = arith.constant 80 : i32
      %add3A_835 = vector.broadcast %add3A_834 : i32 to vector<16xi32>
      %add3A_836 = arith.addi %iota3A, %add3A_835 : vector<16xi32>
      %add3A_837 = arith.addi %mul3A_808, %add3A_836 : vector<16xi32>
      %gather3A_838 = tpu.vector_load_idx %arg14[%add3A_837] : memref<30720xf32, #tpu.memory_space<vmem>>[vector<16xi32>], vector<16xf32>,
      tpu.vector_store_idx %arg12[%broadcast_in_dim3A_804, %add3A_836], %gather3A_838 {add = true} : memref<256x128xf32, #tpu.memory_space<vmem>>[vector<16xi32>, vector<16xi32>], vector<16xf32>,
      %add3A_839 = arith.constant 96 : i32
      %add3A_840 = vector.broadcast %add3A_839 : i32 to vector<16xi32>
      %add3A_841 = arith.addi %iota3A, %add3A_840 : vector<16xi32>
      %add3A_842 = arith.addi %mul3A_808, %add3A_841 : vector<16xi32>
      %gather3A_843 = tpu.vector_load_idx %arg14[%add3A_842] : memref<30720xf32, #tpu.memory_space<vmem>>[vector<16xi32>], vector<16xf32>,
      tpu.vector_store_idx %arg12[%broadcast_in_dim3A_804, %add3A_841], %gather3A_843 {add = true} : memref<256x128xf32, #tpu.memory_space<vmem>>[vector<16xi32>, vector<16xi32>], vector<16xf32>,
      %add3A_844 = arith.constant 112 : i32
      %add3A_845 = vector.broadcast %add3A_844 : i32 to vector<16xi32>
      %add3A_846 = arith.addi %iota3A, %add3A_845 : vector<16xi32>
      %add3A_847 = arith.addi %mul3A_808, %add3A_846 : vector<16xi32>
      %gather3A_848 = tpu.vector_load_idx %arg14[%add3A_847] : memref<30720xf32, #tpu.memory_space<vmem>>[vector<16xi32>], vector<16xf32>,
      tpu.vector_store_idx %arg12[%broadcast_in_dim3A_804, %add3A_846], %gather3A_848 {add = true} : memref<256x128xf32, #tpu.memory_space<vmem>>[vector<16xi32>, vector<16xi32>], vector<16xf32>,
      %add3A_849 = arith.constant 0 : i32
      %add3A_850 = vector.broadcast %add3A_849 : i32 to vector<16xi32>
      %add3A_851 = arith.addi %iota3A, %add3A_850 : vector<16xi32>
      %add3A_852 = arith.constant 128 : i32
      %add3A_853 = vector.broadcast %add3A_852 : i32 to vector<16xi32>
      %add3A_854 = arith.addi %add3A_851, %add3A_853 : vector<16xi32>
      %add3A_855 = arith.addi %mul3A_808, %add3A_854 : vector<16xi32>
      %gather3A_856 = tpu.vector_load_idx %arg14[%add3A_855] : memref<30720xf32, #tpu.memory_space<vmem>>[vector<16xi32>], vector<16xf32>,
      tpu.vector_store_idx %arg13[%broadcast_in_dim3A_804, %add3A_851], %gather3A_856 {add = true} : memref<256x128xf32, #tpu.memory_space<vmem>>[vector<16xi32>, vector<16xi32>], vector<16xf32>,
      %add3A_857 = arith.constant 16 : i32
      %add3A_858 = vector.broadcast %add3A_857 : i32 to vector<16xi32>
      %add3A_859 = arith.addi %iota3A, %add3A_858 : vector<16xi32>
      %add3A_860 = arith.constant 128 : i32
      %add3A_861 = vector.broadcast %add3A_860 : i32 to vector<16xi32>
      %add3A_862 = arith.addi %add3A_859, %add3A_861 : vector<16xi32>
      %add3A_863 = arith.addi %mul3A_808, %add3A_862 : vector<16xi32>
      %gather3A_864 = tpu.vector_load_idx %arg14[%add3A_863] : memref<30720xf32, #tpu.memory_space<vmem>>[vector<16xi32>], vector<16xf32>,
      tpu.vector_store_idx %arg13[%broadcast_in_dim3A_804, %add3A_859], %gather3A_864 {add = true} : memref<256x128xf32, #tpu.memory_space<vmem>>[vector<16xi32>, vector<16xi32>], vector<16xf32>,
      %add3A_865 = arith.constant 32 : i32
      %add3A_866 = vector.broadcast %add3A_865 : i32 to vector<16xi32>
      %add3A_867 = arith.addi %iota3A, %add3A_866 : vector<16xi32>
      %add3A_868 = arith.constant 128 : i32
      %add3A_869 = vector.broadcast %add3A_868 : i32 to vector<16xi32>
      %add3A_870 = arith.addi %add3A_867, %add3A_869 : vector<16xi32>
      %add3A_871 = arith.addi %mul3A_808, %add3A_870 : vector<16xi32>
      %gather3A_872 = tpu.vector_load_idx %arg14[%add3A_871] : memref<30720xf32, #tpu.memory_space<vmem>>[vector<16xi32>], vector<16xf32>,
      tpu.vector_store_idx %arg13[%broadcast_in_dim3A_804, %add3A_867], %gather3A_872 {add = true} : memref<256x128xf32, #tpu.memory_space<vmem>>[vector<16xi32>, vector<16xi32>], vector<16xf32>,
      %add3A_873 = arith.constant 48 : i32
      %add3A_874 = vector.broadcast %add3A_873 : i32 to vector<16xi32>
      %add3A_875 = arith.addi %iota3A, %add3A_874 : vector<16xi32>
      %add3A_876 = arith.constant 128 : i32
      %add3A_877 = vector.broadcast %add3A_876 : i32 to vector<16xi32>
      %add3A_878 = arith.addi %add3A_875, %add3A_877 : vector<16xi32>
      %add3A_879 = arith.addi %mul3A_808, %add3A_878 : vector<16xi32>
      %gather3A_880 = tpu.vector_load_idx %arg14[%add3A_879] : memref<30720xf32, #tpu.memory_space<vmem>>[vector<16xi32>], vector<16xf32>,
      tpu.vector_store_idx %arg13[%broadcast_in_dim3A_804, %add3A_875], %gather3A_880 {add = true} : memref<256x128xf32, #tpu.memory_space<vmem>>[vector<16xi32>, vector<16xi32>], vector<16xf32>,
    }
    %scan3A_755 = arith.constant 256 : i32
    %multiple_of3A_756 = tpu.assume_multiple %add3A_735, 256 : i32
    "tpu.region"() ({
      %run_scoped3A = tpu.sem_alloc : memref<!tpu.dma_semaphore, #tpu.memory_space<semaphore_mem>>
      %dma_start3A_803 = arith.constant 0 : i32
      %dma_start3A_804 = tpu.memref_slice %arg7[%multiple_of3A_756, %dma_start3A_803] : memref<32768x128xf32, #tpu.memory_space<hbm>> -> memref<256x128xf32, #tpu.memory_space<hbm>>
      %dma_start3A_805 = arith.constant 0 : i32
      %dma_start3A_806 = tpu.memref_slice %arg7[%multiple_of3A_756, %dma_start3A_805] : memref<32768x128xf32, #tpu.memory_space<hbm>> -> memref<256x128xf32, #tpu.memory_space<hbm>>
      tpu.enqueue_dma source(%arg12 : memref<256x128xf32, #tpu.memory_space<vmem>>) target(%dma_start3A_806 : memref<256x128xf32, #tpu.memory_space<hbm>>) target_semaphore(%run_scoped3A : memref<!tpu.dma_semaphore, #tpu.memory_space<semaphore_mem>>)
      %dma_wait3A_807 = arith.constant 0 : i32
      %dma_wait3A_808 = tpu.memref_slice %arg7[%multiple_of3A_756, %dma_wait3A_807] : memref<32768x128xf32, #tpu.memory_space<hbm>> -> memref<256x128xf32, #tpu.memory_space<hbm>>
      %dma_wait3A_809 = arith.constant 0 : i32
      %dma_wait3A_810 = tpu.memref_slice %arg7[%multiple_of3A_756, %dma_wait3A_809] : memref<32768x128xf32, #tpu.memory_space<hbm>> -> memref<256x128xf32, #tpu.memory_space<hbm>>
      tpu.wait_dma2 semaphore(%run_scoped3A : memref<!tpu.dma_semaphore, #tpu.memory_space<semaphore_mem>>) src(%arg12 : memref<256x128xf32, #tpu.memory_space<vmem>>) dst(%dma_wait3A_810 : memref<256x128xf32, #tpu.memory_space<hbm>>)
      tpu.yield
    }) : () -> ()
    "tpu.region"() ({
      %run_scoped3A = tpu.sem_alloc : memref<!tpu.dma_semaphore, #tpu.memory_space<semaphore_mem>>
      %dma_start3A_803 = arith.constant 0 : i32
      %dma_start3A_804 = tpu.memref_slice %arg8[%multiple_of3A_756, %dma_start3A_803] : memref<32768x128xf32, #tpu.memory_space<hbm>> -> memref<256x128xf32, #tpu.memory_space<hbm>>
      %dma_start3A_805 = arith.constant 0 : i32
      %dma_start3A_806 = tpu.memref_slice %arg8[%multiple_of3A_756, %dma_start3A_805] : memref<32768x128xf32, #tpu.memory_space<hbm>> -> memref<256x128xf32, #tpu.memory_space<hbm>>
      tpu.enqueue_dma source(%arg13 : memref<256x128xf32, #tpu.memory_space<vmem>>) target(%dma_start3A_806 : memref<256x128xf32, #tpu.memory_space<hbm>>) target_semaphore(%run_scoped3A : memref<!tpu.dma_semaphore, #tpu.memory_space<semaphore_mem>>)
      %dma_wait3A_807 = arith.constant 0 : i32
      %dma_wait3A_808 = tpu.memref_slice %arg8[%multiple_of3A_756, %dma_wait3A_807] : memref<32768x128xf32, #tpu.memory_space<hbm>> -> memref<256x128xf32, #tpu.memory_space<hbm>>
      %dma_wait3A_809 = arith.constant 0 : i32
      %dma_wait3A_810 = tpu.memref_slice %arg8[%multiple_of3A_756, %dma_wait3A_809] : memref<32768x128xf32, #tpu.memory_space<hbm>> -> memref<256x128xf32, #tpu.memory_space<hbm>>
      tpu.wait_dma2 semaphore(%run_scoped3A : memref<!tpu.dma_semaphore, #tpu.memory_space<semaphore_mem>>) src(%arg13 : memref<256x128xf32, #tpu.memory_space<vmem>>) dst(%dma_wait3A_810 : memref<256x128xf32, #tpu.memory_space<hbm>>)
      tpu.yield
    }) : () -> ()
    %add3A_757 = arith.constant 512 : i32
    %add3A_758 = arith.addi %mul3A_2, %add3A_757 : i32
    "tpu.region"() ({
      %run_scoped3A = tpu.sem_alloc : memref<!tpu.dma_semaphore, #tpu.memory_space<semaphore_mem>>
      %dma_start3A_803 = tpu.memref_slice %arg2[%add3A_758] : memref<65536xi32, #tpu.memory_space<hbm>> -> memref<256xi32, #tpu.memory_space<hbm>>
      %dma_start3A_804 = tpu.memref_slice %arg2[%add3A_758] : memref<65536xi32, #tpu.memory_space<hbm>> -> memref<256xi32, #tpu.memory_space<hbm>>
      tpu.enqueue_dma source(%dma_start3A_804 : memref<256xi32, #tpu.memory_space<hbm>>) target(%arg10 : memref<256xi32, #tpu.memory_space<vmem>>) target_semaphore(%run_scoped3A : memref<!tpu.dma_semaphore, #tpu.memory_space<semaphore_mem>>)
      %dma_wait3A_805 = tpu.memref_slice %arg2[%add3A_758] : memref<65536xi32, #tpu.memory_space<hbm>> -> memref<256xi32, #tpu.memory_space<hbm>>
      %dma_wait3A_806 = tpu.memref_slice %arg2[%add3A_758] : memref<65536xi32, #tpu.memory_space<hbm>> -> memref<256xi32, #tpu.memory_space<hbm>>
      tpu.wait_dma2 semaphore(%run_scoped3A : memref<!tpu.dma_semaphore, #tpu.memory_space<semaphore_mem>>) src(%dma_wait3A_806 : memref<256xi32, #tpu.memory_space<hbm>>) dst(%arg10 : memref<256xi32, #tpu.memory_space<vmem>>)
      tpu.yield
    }) : () -> ()
    %add3A_759 = arith.constant 32768 : i32
    %add3A_760 = arith.addi %add3A_759, %add3A_758 : i32
    "tpu.region"() ({
      %run_scoped3A = tpu.sem_alloc : memref<!tpu.dma_semaphore, #tpu.memory_space<semaphore_mem>>
      %dma_start3A_803 = tpu.memref_slice %arg2[%add3A_760] : memref<65536xi32, #tpu.memory_space<hbm>> -> memref<256xi32, #tpu.memory_space<hbm>>
      %dma_start3A_804 = tpu.memref_slice %arg2[%add3A_760] : memref<65536xi32, #tpu.memory_space<hbm>> -> memref<256xi32, #tpu.memory_space<hbm>>
      tpu.enqueue_dma source(%dma_start3A_804 : memref<256xi32, #tpu.memory_space<hbm>>) target(%arg11 : memref<256xi32, #tpu.memory_space<vmem>>) target_semaphore(%run_scoped3A : memref<!tpu.dma_semaphore, #tpu.memory_space<semaphore_mem>>)
      %dma_wait3A_805 = tpu.memref_slice %arg2[%add3A_760] : memref<65536xi32, #tpu.memory_space<hbm>> -> memref<256xi32, #tpu.memory_space<hbm>>
      %dma_wait3A_806 = tpu.memref_slice %arg2[%add3A_760] : memref<65536xi32, #tpu.memory_space<hbm>> -> memref<256xi32, #tpu.memory_space<hbm>>
      tpu.wait_dma2 semaphore(%run_scoped3A : memref<!tpu.dma_semaphore, #tpu.memory_space<semaphore_mem>>) src(%dma_wait3A_806 : memref<256xi32, #tpu.memory_space<hbm>>) dst(%arg11 : memref<256xi32, #tpu.memory_space<vmem>>)
      tpu.yield
    }) : () -> ()
    %dma_start3A_761 = arith.constant 0 : i32
    %dma_start3A_762 = arith.constant 0 : i32
    %dma_start3A_763 = tpu.memref_slice %arg4[%dma_start3A_761, %dma_start3A_762] : memref<100000x128xf32, #tpu.memory_space<hbm>> -> memref<100000x128xf32, #tpu.memory_space<hbm>>
    tpu.enqueue_indirect_dma source(%dma_start3A_763 : memref<100000x128xf32, #tpu.memory_space<hbm>>) target(%arg12 : memref<256x128xf32, #tpu.memory_space<vmem>>) offsets(%arg10 : memref<256xi32, #tpu.memory_space<vmem>>) semaphore(%arg17 : memref<!tpu.dma_semaphore, #tpu.memory_space<semaphore_mem>>)
    %dma_start3A_764 = arith.constant 0 : i32
    %dma_start3A_765 = arith.constant 0 : i32
    %dma_start3A_766 = tpu.memref_slice %arg5[%dma_start3A_764, %dma_start3A_765] : memref<100000x128xf32, #tpu.memory_space<hbm>> -> memref<100000x128xf32, #tpu.memory_space<hbm>>
    tpu.enqueue_indirect_dma source(%dma_start3A_766 : memref<100000x128xf32, #tpu.memory_space<hbm>>) target(%arg13 : memref<256x128xf32, #tpu.memory_space<vmem>>) offsets(%arg10 : memref<256xi32, #tpu.memory_space<vmem>>) semaphore(%arg18 : memref<!tpu.dma_semaphore, #tpu.memory_space<semaphore_mem>>)
    %dma_wait3A_767 = arith.constant 0 : i32
    %dma_wait3A_768 = arith.constant 0 : i32
    %dma_wait3A_769 = tpu.memref_slice %arg4[%dma_wait3A_767, %dma_wait3A_768] : memref<100000x128xf32, #tpu.memory_space<hbm>> -> memref<100000x128xf32, #tpu.memory_space<hbm>>
    tpu.wait_indirect_dma semaphore(%arg17 : memref<!tpu.dma_semaphore, #tpu.memory_space<semaphore_mem>>) src(%dma_wait3A_769 : memref<100000x128xf32, #tpu.memory_space<hbm>>) dst(%arg12 : memref<256x128xf32, #tpu.memory_space<vmem>>)
    %dma_wait3A_770 = arith.constant 0 : i32
    %dma_wait3A_771 = arith.constant 0 : i32
    %dma_wait3A_772 = tpu.memref_slice %arg5[%dma_wait3A_770, %dma_wait3A_771] : memref<100000x128xf32, #tpu.memory_space<hbm>> -> memref<100000x128xf32, #tpu.memory_space<hbm>>
    tpu.wait_indirect_dma semaphore(%arg18 : memref<!tpu.dma_semaphore, #tpu.memory_space<semaphore_mem>>) src(%dma_wait3A_772 : memref<100000x128xf32, #tpu.memory_space<hbm>>) dst(%arg13 : memref<256x128xf32, #tpu.memory_space<vmem>>)
    %scan3A_773 = arith.constant 0 : i32
    %scan3A_774 = arith.constant 0 : i32
    %scan3A_775 = arith.constant 256 : i32
    %scan3A_776 = arith.addi %scan3A_774, %scan3A_775 : i32
    %scan3A_777 = arith.constant 1 : i32
    scf.for %scan3A_803 = %scan3A_774 to %scan3A_776 step %scan3A_777  : i32 {
      %broadcast_in_dim3A_804 = vector.broadcast %scan3A_803 : i32 to vector<16xi32>
      %gather3A_805 = tpu.vector_load_idx %arg11[%broadcast_in_dim3A_804] : memref<256xi32, #tpu.memory_space<vmem>>[vector<16xi32>], vector<16xi32>,
      %mul3A_806 = arith.constant 192 : i32
      %mul3A_807 = vector.broadcast %mul3A_806 : i32 to vector<16xi32>
      %mul3A_808 = arith.muli %gather3A_805, %mul3A_807 : vector<16xi32>
      %add3A_809 = arith.constant 0 : i32
      %add3A_810 = vector.broadcast %add3A_809 : i32 to vector<16xi32>
      %add3A_811 = arith.addi %iota3A, %add3A_810 : vector<16xi32>
      %add3A_812 = arith.addi %mul3A_808, %add3A_811 : vector<16xi32>
      %gather3A_813 = tpu.vector_load_idx %arg14[%add3A_812] : memref<30720xf32, #tpu.memory_space<vmem>>[vector<16xi32>], vector<16xf32>,
      tpu.vector_store_idx %arg12[%broadcast_in_dim3A_804, %add3A_811], %gather3A_813 {add = true} : memref<256x128xf32, #tpu.memory_space<vmem>>[vector<16xi32>, vector<16xi32>], vector<16xf32>,
      %add3A_814 = arith.constant 16 : i32
      %add3A_815 = vector.broadcast %add3A_814 : i32 to vector<16xi32>
      %add3A_816 = arith.addi %iota3A, %add3A_815 : vector<16xi32>
      %add3A_817 = arith.addi %mul3A_808, %add3A_816 : vector<16xi32>
      %gather3A_818 = tpu.vector_load_idx %arg14[%add3A_817] : memref<30720xf32, #tpu.memory_space<vmem>>[vector<16xi32>], vector<16xf32>,
      tpu.vector_store_idx %arg12[%broadcast_in_dim3A_804, %add3A_816], %gather3A_818 {add = true} : memref<256x128xf32, #tpu.memory_space<vmem>>[vector<16xi32>, vector<16xi32>], vector<16xf32>,
      %add3A_819 = arith.constant 32 : i32
      %add3A_820 = vector.broadcast %add3A_819 : i32 to vector<16xi32>
      %add3A_821 = arith.addi %iota3A, %add3A_820 : vector<16xi32>
      %add3A_822 = arith.addi %mul3A_808, %add3A_821 : vector<16xi32>
      %gather3A_823 = tpu.vector_load_idx %arg14[%add3A_822] : memref<30720xf32, #tpu.memory_space<vmem>>[vector<16xi32>], vector<16xf32>,
      tpu.vector_store_idx %arg12[%broadcast_in_dim3A_804, %add3A_821], %gather3A_823 {add = true} : memref<256x128xf32, #tpu.memory_space<vmem>>[vector<16xi32>, vector<16xi32>], vector<16xf32>,
      %add3A_824 = arith.constant 48 : i32
      %add3A_825 = vector.broadcast %add3A_824 : i32 to vector<16xi32>
      %add3A_826 = arith.addi %iota3A, %add3A_825 : vector<16xi32>
      %add3A_827 = arith.addi %mul3A_808, %add3A_826 : vector<16xi32>
      %gather3A_828 = tpu.vector_load_idx %arg14[%add3A_827] : memref<30720xf32, #tpu.memory_space<vmem>>[vector<16xi32>], vector<16xf32>,
      tpu.vector_store_idx %arg12[%broadcast_in_dim3A_804, %add3A_826], %gather3A_828 {add = true} : memref<256x128xf32, #tpu.memory_space<vmem>>[vector<16xi32>, vector<16xi32>], vector<16xf32>,
      %add3A_829 = arith.constant 64 : i32
      %add3A_830 = vector.broadcast %add3A_829 : i32 to vector<16xi32>
      %add3A_831 = arith.addi %iota3A, %add3A_830 : vector<16xi32>
      %add3A_832 = arith.addi %mul3A_808, %add3A_831 : vector<16xi32>
      %gather3A_833 = tpu.vector_load_idx %arg14[%add3A_832] : memref<30720xf32, #tpu.memory_space<vmem>>[vector<16xi32>], vector<16xf32>,
      tpu.vector_store_idx %arg12[%broadcast_in_dim3A_804, %add3A_831], %gather3A_833 {add = true} : memref<256x128xf32, #tpu.memory_space<vmem>>[vector<16xi32>, vector<16xi32>], vector<16xf32>,
      %add3A_834 = arith.constant 80 : i32
      %add3A_835 = vector.broadcast %add3A_834 : i32 to vector<16xi32>
      %add3A_836 = arith.addi %iota3A, %add3A_835 : vector<16xi32>
      %add3A_837 = arith.addi %mul3A_808, %add3A_836 : vector<16xi32>
      %gather3A_838 = tpu.vector_load_idx %arg14[%add3A_837] : memref<30720xf32, #tpu.memory_space<vmem>>[vector<16xi32>], vector<16xf32>,
      tpu.vector_store_idx %arg12[%broadcast_in_dim3A_804, %add3A_836], %gather3A_838 {add = true} : memref<256x128xf32, #tpu.memory_space<vmem>>[vector<16xi32>, vector<16xi32>], vector<16xf32>,
      %add3A_839 = arith.constant 96 : i32
      %add3A_840 = vector.broadcast %add3A_839 : i32 to vector<16xi32>
      %add3A_841 = arith.addi %iota3A, %add3A_840 : vector<16xi32>
      %add3A_842 = arith.addi %mul3A_808, %add3A_841 : vector<16xi32>
      %gather3A_843 = tpu.vector_load_idx %arg14[%add3A_842] : memref<30720xf32, #tpu.memory_space<vmem>>[vector<16xi32>], vector<16xf32>,
      tpu.vector_store_idx %arg12[%broadcast_in_dim3A_804, %add3A_841], %gather3A_843 {add = true} : memref<256x128xf32, #tpu.memory_space<vmem>>[vector<16xi32>, vector<16xi32>], vector<16xf32>,
      %add3A_844 = arith.constant 112 : i32
      %add3A_845 = vector.broadcast %add3A_844 : i32 to vector<16xi32>
      %add3A_846 = arith.addi %iota3A, %add3A_845 : vector<16xi32>
      %add3A_847 = arith.addi %mul3A_808, %add3A_846 : vector<16xi32>
      %gather3A_848 = tpu.vector_load_idx %arg14[%add3A_847] : memref<30720xf32, #tpu.memory_space<vmem>>[vector<16xi32>], vector<16xf32>,
      tpu.vector_store_idx %arg12[%broadcast_in_dim3A_804, %add3A_846], %gather3A_848 {add = true} : memref<256x128xf32, #tpu.memory_space<vmem>>[vector<16xi32>, vector<16xi32>], vector<16xf32>,
      %add3A_849 = arith.constant 0 : i32
      %add3A_850 = vector.broadcast %add3A_849 : i32 to vector<16xi32>
      %add3A_851 = arith.addi %iota3A, %add3A_850 : vector<16xi32>
      %add3A_852 = arith.constant 128 : i32
      %add3A_853 = vector.broadcast %add3A_852 : i32 to vector<16xi32>
      %add3A_854 = arith.addi %add3A_851, %add3A_853 : vector<16xi32>
      %add3A_855 = arith.addi %mul3A_808, %add3A_854 : vector<16xi32>
      %gather3A_856 = tpu.vector_load_idx %arg14[%add3A_855] : memref<30720xf32, #tpu.memory_space<vmem>>[vector<16xi32>], vector<16xf32>,
      tpu.vector_store_idx %arg13[%broadcast_in_dim3A_804, %add3A_851], %gather3A_856 {add = true} : memref<256x128xf32, #tpu.memory_space<vmem>>[vector<16xi32>, vector<16xi32>], vector<16xf32>,
      %add3A_857 = arith.constant 16 : i32
      %add3A_858 = vector.broadcast %add3A_857 : i32 to vector<16xi32>
      %add3A_859 = arith.addi %iota3A, %add3A_858 : vector<16xi32>
      %add3A_860 = arith.constant 128 : i32
      %add3A_861 = vector.broadcast %add3A_860 : i32 to vector<16xi32>
      %add3A_862 = arith.addi %add3A_859, %add3A_861 : vector<16xi32>
      %add3A_863 = arith.addi %mul3A_808, %add3A_862 : vector<16xi32>
      %gather3A_864 = tpu.vector_load_idx %arg14[%add3A_863] : memref<30720xf32, #tpu.memory_space<vmem>>[vector<16xi32>], vector<16xf32>,
      tpu.vector_store_idx %arg13[%broadcast_in_dim3A_804, %add3A_859], %gather3A_864 {add = true} : memref<256x128xf32, #tpu.memory_space<vmem>>[vector<16xi32>, vector<16xi32>], vector<16xf32>,
      %add3A_865 = arith.constant 32 : i32
      %add3A_866 = vector.broadcast %add3A_865 : i32 to vector<16xi32>
      %add3A_867 = arith.addi %iota3A, %add3A_866 : vector<16xi32>
      %add3A_868 = arith.constant 128 : i32
      %add3A_869 = vector.broadcast %add3A_868 : i32 to vector<16xi32>
      %add3A_870 = arith.addi %add3A_867, %add3A_869 : vector<16xi32>
      %add3A_871 = arith.addi %mul3A_808, %add3A_870 : vector<16xi32>
      %gather3A_872 = tpu.vector_load_idx %arg14[%add3A_871] : memref<30720xf32, #tpu.memory_space<vmem>>[vector<16xi32>], vector<16xf32>,
      tpu.vector_store_idx %arg13[%broadcast_in_dim3A_804, %add3A_867], %gather3A_872 {add = true} : memref<256x128xf32, #tpu.memory_space<vmem>>[vector<16xi32>, vector<16xi32>], vector<16xf32>,
      %add3A_873 = arith.constant 48 : i32
      %add3A_874 = vector.broadcast %add3A_873 : i32 to vector<16xi32>
      %add3A_875 = arith.addi %iota3A, %add3A_874 : vector<16xi32>
      %add3A_876 = arith.constant 128 : i32
      %add3A_877 = vector.broadcast %add3A_876 : i32 to vector<16xi32>
      %add3A_878 = arith.addi %add3A_875, %add3A_877 : vector<16xi32>
      %add3A_879 = arith.addi %mul3A_808, %add3A_878 : vector<16xi32>
      %gather3A_880 = tpu.vector_load_idx %arg14[%add3A_879] : memref<30720xf32, #tpu.memory_space<vmem>>[vector<16xi32>], vector<16xf32>,
      tpu.vector_store_idx %arg13[%broadcast_in_dim3A_804, %add3A_875], %gather3A_880 {add = true} : memref<256x128xf32, #tpu.memory_space<vmem>>[vector<16xi32>, vector<16xi32>], vector<16xf32>,
    }
    %scan3A_778 = arith.constant 256 : i32
    %multiple_of3A_779 = tpu.assume_multiple %add3A_758, 256 : i32
    "tpu.region"() ({
      %run_scoped3A = tpu.sem_alloc : memref<!tpu.dma_semaphore, #tpu.memory_space<semaphore_mem>>
      %dma_start3A_803 = arith.constant 0 : i32
      %dma_start3A_804 = tpu.memref_slice %arg7[%multiple_of3A_779, %dma_start3A_803] : memref<32768x128xf32, #tpu.memory_space<hbm>> -> memref<256x128xf32, #tpu.memory_space<hbm>>
      %dma_start3A_805 = arith.constant 0 : i32
      %dma_start3A_806 = tpu.memref_slice %arg7[%multiple_of3A_779, %dma_start3A_805] : memref<32768x128xf32, #tpu.memory_space<hbm>> -> memref<256x128xf32, #tpu.memory_space<hbm>>
      tpu.enqueue_dma source(%arg12 : memref<256x128xf32, #tpu.memory_space<vmem>>) target(%dma_start3A_806 : memref<256x128xf32, #tpu.memory_space<hbm>>) target_semaphore(%run_scoped3A : memref<!tpu.dma_semaphore, #tpu.memory_space<semaphore_mem>>)
      %dma_wait3A_807 = arith.constant 0 : i32
      %dma_wait3A_808 = tpu.memref_slice %arg7[%multiple_of3A_779, %dma_wait3A_807] : memref<32768x128xf32, #tpu.memory_space<hbm>> -> memref<256x128xf32, #tpu.memory_space<hbm>>
      %dma_wait3A_809 = arith.constant 0 : i32
      %dma_wait3A_810 = tpu.memref_slice %arg7[%multiple_of3A_779, %dma_wait3A_809] : memref<32768x128xf32, #tpu.memory_space<hbm>> -> memref<256x128xf32, #tpu.memory_space<hbm>>
      tpu.wait_dma2 semaphore(%run_scoped3A : memref<!tpu.dma_semaphore, #tpu.memory_space<semaphore_mem>>) src(%arg12 : memref<256x128xf32, #tpu.memory_space<vmem>>) dst(%dma_wait3A_810 : memref<256x128xf32, #tpu.memory_space<hbm>>)
      tpu.yield
    }) : () -> ()
    "tpu.region"() ({
      %run_scoped3A = tpu.sem_alloc : memref<!tpu.dma_semaphore, #tpu.memory_space<semaphore_mem>>
      %dma_start3A_803 = arith.constant 0 : i32
      %dma_start3A_804 = tpu.memref_slice %arg8[%multiple_of3A_779, %dma_start3A_803] : memref<32768x128xf32, #tpu.memory_space<hbm>> -> memref<256x128xf32, #tpu.memory_space<hbm>>
      %dma_start3A_805 = arith.constant 0 : i32
      %dma_start3A_806 = tpu.memref_slice %arg8[%multiple_of3A_779, %dma_start3A_805] : memref<32768x128xf32, #tpu.memory_space<hbm>> -> memref<256x128xf32, #tpu.memory_space<hbm>>
      tpu.enqueue_dma source(%arg13 : memref<256x128xf32, #tpu.memory_space<vmem>>) target(%dma_start3A_806 : memref<256x128xf32, #tpu.memory_space<hbm>>) target_semaphore(%run_scoped3A : memref<!tpu.dma_semaphore, #tpu.memory_space<semaphore_mem>>)
      %dma_wait3A_807 = arith.constant 0 : i32
      %dma_wait3A_808 = tpu.memref_slice %arg8[%multiple_of3A_779, %dma_wait3A_807] : memref<32768x128xf32, #tpu.memory_space<hbm>> -> memref<256x128xf32, #tpu.memory_space<hbm>>
      %dma_wait3A_809 = arith.constant 0 : i32
      %dma_wait3A_810 = tpu.memref_slice %arg8[%multiple_of3A_779, %dma_wait3A_809] : memref<32768x128xf32, #tpu.memory_space<hbm>> -> memref<256x128xf32, #tpu.memory_space<hbm>>
      tpu.wait_dma2 semaphore(%run_scoped3A : memref<!tpu.dma_semaphore, #tpu.memory_space<semaphore_mem>>) src(%arg13 : memref<256x128xf32, #tpu.memory_space<vmem>>) dst(%dma_wait3A_810 : memref<256x128xf32, #tpu.memory_space<hbm>>)
      tpu.yield
    }) : () -> ()
    %add3A_780 = arith.constant 768 : i32
    %add3A_781 = arith.addi %mul3A_2, %add3A_780 : i32
    "tpu.region"() ({
      %run_scoped3A = tpu.sem_alloc : memref<!tpu.dma_semaphore, #tpu.memory_space<semaphore_mem>>
      %dma_start3A_803 = tpu.memref_slice %arg2[%add3A_781] : memref<65536xi32, #tpu.memory_space<hbm>> -> memref<256xi32, #tpu.memory_space<hbm>>
      %dma_start3A_804 = tpu.memref_slice %arg2[%add3A_781] : memref<65536xi32, #tpu.memory_space<hbm>> -> memref<256xi32, #tpu.memory_space<hbm>>
      tpu.enqueue_dma source(%dma_start3A_804 : memref<256xi32, #tpu.memory_space<hbm>>) target(%arg10 : memref<256xi32, #tpu.memory_space<vmem>>) target_semaphore(%run_scoped3A : memref<!tpu.dma_semaphore, #tpu.memory_space<semaphore_mem>>)
      %dma_wait3A_805 = tpu.memref_slice %arg2[%add3A_781] : memref<65536xi32, #tpu.memory_space<hbm>> -> memref<256xi32, #tpu.memory_space<hbm>>
      %dma_wait3A_806 = tpu.memref_slice %arg2[%add3A_781] : memref<65536xi32, #tpu.memory_space<hbm>> -> memref<256xi32, #tpu.memory_space<hbm>>
      tpu.wait_dma2 semaphore(%run_scoped3A : memref<!tpu.dma_semaphore, #tpu.memory_space<semaphore_mem>>) src(%dma_wait3A_806 : memref<256xi32, #tpu.memory_space<hbm>>) dst(%arg10 : memref<256xi32, #tpu.memory_space<vmem>>)
      tpu.yield
    }) : () -> ()
    %add3A_782 = arith.constant 32768 : i32
    %add3A_783 = arith.addi %add3A_782, %add3A_781 : i32
    "tpu.region"() ({
      %run_scoped3A = tpu.sem_alloc : memref<!tpu.dma_semaphore, #tpu.memory_space<semaphore_mem>>
      %dma_start3A_803 = tpu.memref_slice %arg2[%add3A_783] : memref<65536xi32, #tpu.memory_space<hbm>> -> memref<256xi32, #tpu.memory_space<hbm>>
      %dma_start3A_804 = tpu.memref_slice %arg2[%add3A_783] : memref<65536xi32, #tpu.memory_space<hbm>> -> memref<256xi32, #tpu.memory_space<hbm>>
      tpu.enqueue_dma source(%dma_start3A_804 : memref<256xi32, #tpu.memory_space<hbm>>) target(%arg11 : memref<256xi32, #tpu.memory_space<vmem>>) target_semaphore(%run_scoped3A : memref<!tpu.dma_semaphore, #tpu.memory_space<semaphore_mem>>)
      %dma_wait3A_805 = tpu.memref_slice %arg2[%add3A_783] : memref<65536xi32, #tpu.memory_space<hbm>> -> memref<256xi32, #tpu.memory_space<hbm>>
      %dma_wait3A_806 = tpu.memref_slice %arg2[%add3A_783] : memref<65536xi32, #tpu.memory_space<hbm>> -> memref<256xi32, #tpu.memory_space<hbm>>
      tpu.wait_dma2 semaphore(%run_scoped3A : memref<!tpu.dma_semaphore, #tpu.memory_space<semaphore_mem>>) src(%dma_wait3A_806 : memref<256xi32, #tpu.memory_space<hbm>>) dst(%arg11 : memref<256xi32, #tpu.memory_space<vmem>>)
      tpu.yield
    }) : () -> ()
    %dma_start3A_784 = arith.constant 0 : i32
    %dma_start3A_785 = arith.constant 0 : i32
    %dma_start3A_786 = tpu.memref_slice %arg4[%dma_start3A_784, %dma_start3A_785] : memref<100000x128xf32, #tpu.memory_space<hbm>> -> memref<100000x128xf32, #tpu.memory_space<hbm>>
    tpu.enqueue_indirect_dma source(%dma_start3A_786 : memref<100000x128xf32, #tpu.memory_space<hbm>>) target(%arg12 : memref<256x128xf32, #tpu.memory_space<vmem>>) offsets(%arg10 : memref<256xi32, #tpu.memory_space<vmem>>) semaphore(%arg17 : memref<!tpu.dma_semaphore, #tpu.memory_space<semaphore_mem>>)
    %dma_start3A_787 = arith.constant 0 : i32
    %dma_start3A_788 = arith.constant 0 : i32
    %dma_start3A_789 = tpu.memref_slice %arg5[%dma_start3A_787, %dma_start3A_788] : memref<100000x128xf32, #tpu.memory_space<hbm>> -> memref<100000x128xf32, #tpu.memory_space<hbm>>
    tpu.enqueue_indirect_dma source(%dma_start3A_789 : memref<100000x128xf32, #tpu.memory_space<hbm>>) target(%arg13 : memref<256x128xf32, #tpu.memory_space<vmem>>) offsets(%arg10 : memref<256xi32, #tpu.memory_space<vmem>>) semaphore(%arg18 : memref<!tpu.dma_semaphore, #tpu.memory_space<semaphore_mem>>)
    %dma_wait3A_790 = arith.constant 0 : i32
    %dma_wait3A_791 = arith.constant 0 : i32
    %dma_wait3A_792 = tpu.memref_slice %arg4[%dma_wait3A_790, %dma_wait3A_791] : memref<100000x128xf32, #tpu.memory_space<hbm>> -> memref<100000x128xf32, #tpu.memory_space<hbm>>
    tpu.wait_indirect_dma semaphore(%arg17 : memref<!tpu.dma_semaphore, #tpu.memory_space<semaphore_mem>>) src(%dma_wait3A_792 : memref<100000x128xf32, #tpu.memory_space<hbm>>) dst(%arg12 : memref<256x128xf32, #tpu.memory_space<vmem>>)
    %dma_wait3A_793 = arith.constant 0 : i32
    %dma_wait3A_794 = arith.constant 0 : i32
    %dma_wait3A_795 = tpu.memref_slice %arg5[%dma_wait3A_793, %dma_wait3A_794] : memref<100000x128xf32, #tpu.memory_space<hbm>> -> memref<100000x128xf32, #tpu.memory_space<hbm>>
    tpu.wait_indirect_dma semaphore(%arg18 : memref<!tpu.dma_semaphore, #tpu.memory_space<semaphore_mem>>) src(%dma_wait3A_795 : memref<100000x128xf32, #tpu.memory_space<hbm>>) dst(%arg13 : memref<256x128xf32, #tpu.memory_space<vmem>>)
    %scan3A_796 = arith.constant 0 : i32
    %scan3A_797 = arith.constant 0 : i32
    %scan3A_798 = arith.constant 256 : i32
    %scan3A_799 = arith.addi %scan3A_797, %scan3A_798 : i32
    %scan3A_800 = arith.constant 1 : i32
    scf.for %scan3A_803 = %scan3A_797 to %scan3A_799 step %scan3A_800  : i32 {
      %broadcast_in_dim3A_804 = vector.broadcast %scan3A_803 : i32 to vector<16xi32>
      %gather3A_805 = tpu.vector_load_idx %arg11[%broadcast_in_dim3A_804] : memref<256xi32, #tpu.memory_space<vmem>>[vector<16xi32>], vector<16xi32>,
      %mul3A_806 = arith.constant 192 : i32
      %mul3A_807 = vector.broadcast %mul3A_806 : i32 to vector<16xi32>
      %mul3A_808 = arith.muli %gather3A_805, %mul3A_807 : vector<16xi32>
      %add3A_809 = arith.constant 0 : i32
      %add3A_810 = vector.broadcast %add3A_809 : i32 to vector<16xi32>
      %add3A_811 = arith.addi %iota3A, %add3A_810 : vector<16xi32>
      %add3A_812 = arith.addi %mul3A_808, %add3A_811 : vector<16xi32>
      %gather3A_813 = tpu.vector_load_idx %arg14[%add3A_812] : memref<30720xf32, #tpu.memory_space<vmem>>[vector<16xi32>], vector<16xf32>,
      tpu.vector_store_idx %arg12[%broadcast_in_dim3A_804, %add3A_811], %gather3A_813 {add = true} : memref<256x128xf32, #tpu.memory_space<vmem>>[vector<16xi32>, vector<16xi32>], vector<16xf32>,
      %add3A_814 = arith.constant 16 : i32
      %add3A_815 = vector.broadcast %add3A_814 : i32 to vector<16xi32>
      %add3A_816 = arith.addi %iota3A, %add3A_815 : vector<16xi32>
      %add3A_817 = arith.addi %mul3A_808, %add3A_816 : vector<16xi32>
      %gather3A_818 = tpu.vector_load_idx %arg14[%add3A_817] : memref<30720xf32, #tpu.memory_space<vmem>>[vector<16xi32>], vector<16xf32>,
      tpu.vector_store_idx %arg12[%broadcast_in_dim3A_804, %add3A_816], %gather3A_818 {add = true} : memref<256x128xf32, #tpu.memory_space<vmem>>[vector<16xi32>, vector<16xi32>], vector<16xf32>,
      %add3A_819 = arith.constant 32 : i32
      %add3A_820 = vector.broadcast %add3A_819 : i32 to vector<16xi32>
      %add3A_821 = arith.addi %iota3A, %add3A_820 : vector<16xi32>
      %add3A_822 = arith.addi %mul3A_808, %add3A_821 : vector<16xi32>
      %gather3A_823 = tpu.vector_load_idx %arg14[%add3A_822] : memref<30720xf32, #tpu.memory_space<vmem>>[vector<16xi32>], vector<16xf32>,
      tpu.vector_store_idx %arg12[%broadcast_in_dim3A_804, %add3A_821], %gather3A_823 {add = true} : memref<256x128xf32, #tpu.memory_space<vmem>>[vector<16xi32>, vector<16xi32>], vector<16xf32>,
      %add3A_824 = arith.constant 48 : i32
      %add3A_825 = vector.broadcast %add3A_824 : i32 to vector<16xi32>
      %add3A_826 = arith.addi %iota3A, %add3A_825 : vector<16xi32>
      %add3A_827 = arith.addi %mul3A_808, %add3A_826 : vector<16xi32>
      %gather3A_828 = tpu.vector_load_idx %arg14[%add3A_827] : memref<30720xf32, #tpu.memory_space<vmem>>[vector<16xi32>], vector<16xf32>,
      tpu.vector_store_idx %arg12[%broadcast_in_dim3A_804, %add3A_826], %gather3A_828 {add = true} : memref<256x128xf32, #tpu.memory_space<vmem>>[vector<16xi32>, vector<16xi32>], vector<16xf32>,
      %add3A_829 = arith.constant 64 : i32
      %add3A_830 = vector.broadcast %add3A_829 : i32 to vector<16xi32>
      %add3A_831 = arith.addi %iota3A, %add3A_830 : vector<16xi32>
      %add3A_832 = arith.addi %mul3A_808, %add3A_831 : vector<16xi32>
      %gather3A_833 = tpu.vector_load_idx %arg14[%add3A_832] : memref<30720xf32, #tpu.memory_space<vmem>>[vector<16xi32>], vector<16xf32>,
      tpu.vector_store_idx %arg12[%broadcast_in_dim3A_804, %add3A_831], %gather3A_833 {add = true} : memref<256x128xf32, #tpu.memory_space<vmem>>[vector<16xi32>, vector<16xi32>], vector<16xf32>,
      %add3A_834 = arith.constant 80 : i32
      %add3A_835 = vector.broadcast %add3A_834 : i32 to vector<16xi32>
      %add3A_836 = arith.addi %iota3A, %add3A_835 : vector<16xi32>
      %add3A_837 = arith.addi %mul3A_808, %add3A_836 : vector<16xi32>
      %gather3A_838 = tpu.vector_load_idx %arg14[%add3A_837] : memref<30720xf32, #tpu.memory_space<vmem>>[vector<16xi32>], vector<16xf32>,
      tpu.vector_store_idx %arg12[%broadcast_in_dim3A_804, %add3A_836], %gather3A_838 {add = true} : memref<256x128xf32, #tpu.memory_space<vmem>>[vector<16xi32>, vector<16xi32>], vector<16xf32>,
      %add3A_839 = arith.constant 96 : i32
      %add3A_840 = vector.broadcast %add3A_839 : i32 to vector<16xi32>
      %add3A_841 = arith.addi %iota3A, %add3A_840 : vector<16xi32>
      %add3A_842 = arith.addi %mul3A_808, %add3A_841 : vector<16xi32>
      %gather3A_843 = tpu.vector_load_idx %arg14[%add3A_842] : memref<30720xf32, #tpu.memory_space<vmem>>[vector<16xi32>], vector<16xf32>,
      tpu.vector_store_idx %arg12[%broadcast_in_dim3A_804, %add3A_841], %gather3A_843 {add = true} : memref<256x128xf32, #tpu.memory_space<vmem>>[vector<16xi32>, vector<16xi32>], vector<16xf32>,
      %add3A_844 = arith.constant 112 : i32
      %add3A_845 = vector.broadcast %add3A_844 : i32 to vector<16xi32>
      %add3A_846 = arith.addi %iota3A, %add3A_845 : vector<16xi32>
      %add3A_847 = arith.addi %mul3A_808, %add3A_846 : vector<16xi32>
      %gather3A_848 = tpu.vector_load_idx %arg14[%add3A_847] : memref<30720xf32, #tpu.memory_space<vmem>>[vector<16xi32>], vector<16xf32>,
      tpu.vector_store_idx %arg12[%broadcast_in_dim3A_804, %add3A_846], %gather3A_848 {add = true} : memref<256x128xf32, #tpu.memory_space<vmem>>[vector<16xi32>, vector<16xi32>], vector<16xf32>,
      %add3A_849 = arith.constant 0 : i32
      %add3A_850 = vector.broadcast %add3A_849 : i32 to vector<16xi32>
      %add3A_851 = arith.addi %iota3A, %add3A_850 : vector<16xi32>
      %add3A_852 = arith.constant 128 : i32
      %add3A_853 = vector.broadcast %add3A_852 : i32 to vector<16xi32>
      %add3A_854 = arith.addi %add3A_851, %add3A_853 : vector<16xi32>
      %add3A_855 = arith.addi %mul3A_808, %add3A_854 : vector<16xi32>
      %gather3A_856 = tpu.vector_load_idx %arg14[%add3A_855] : memref<30720xf32, #tpu.memory_space<vmem>>[vector<16xi32>], vector<16xf32>,
      tpu.vector_store_idx %arg13[%broadcast_in_dim3A_804, %add3A_851], %gather3A_856 {add = true} : memref<256x128xf32, #tpu.memory_space<vmem>>[vector<16xi32>, vector<16xi32>], vector<16xf32>,
      %add3A_857 = arith.constant 16 : i32
      %add3A_858 = vector.broadcast %add3A_857 : i32 to vector<16xi32>
      %add3A_859 = arith.addi %iota3A, %add3A_858 : vector<16xi32>
      %add3A_860 = arith.constant 128 : i32
      %add3A_861 = vector.broadcast %add3A_860 : i32 to vector<16xi32>
      %add3A_862 = arith.addi %add3A_859, %add3A_861 : vector<16xi32>
      %add3A_863 = arith.addi %mul3A_808, %add3A_862 : vector<16xi32>
      %gather3A_864 = tpu.vector_load_idx %arg14[%add3A_863] : memref<30720xf32, #tpu.memory_space<vmem>>[vector<16xi32>], vector<16xf32>,
      tpu.vector_store_idx %arg13[%broadcast_in_dim3A_804, %add3A_859], %gather3A_864 {add = true} : memref<256x128xf32, #tpu.memory_space<vmem>>[vector<16xi32>, vector<16xi32>], vector<16xf32>,
      %add3A_865 = arith.constant 32 : i32
      %add3A_866 = vector.broadcast %add3A_865 : i32 to vector<16xi32>
      %add3A_867 = arith.addi %iota3A, %add3A_866 : vector<16xi32>
      %add3A_868 = arith.constant 128 : i32
      %add3A_869 = vector.broadcast %add3A_868 : i32 to vector<16xi32>
      %add3A_870 = arith.addi %add3A_867, %add3A_869 : vector<16xi32>
      %add3A_871 = arith.addi %mul3A_808, %add3A_870 : vector<16xi32>
      %gather3A_872 = tpu.vector_load_idx %arg14[%add3A_871] : memref<30720xf32, #tpu.memory_space<vmem>>[vector<16xi32>], vector<16xf32>,
      tpu.vector_store_idx %arg13[%broadcast_in_dim3A_804, %add3A_867], %gather3A_872 {add = true} : memref<256x128xf32, #tpu.memory_space<vmem>>[vector<16xi32>, vector<16xi32>], vector<16xf32>,
      %add3A_873 = arith.constant 48 : i32
      %add3A_874 = vector.broadcast %add3A_873 : i32 to vector<16xi32>
      %add3A_875 = arith.addi %iota3A, %add3A_874 : vector<16xi32>
      %add3A_876 = arith.constant 128 : i32
      %add3A_877 = vector.broadcast %add3A_876 : i32 to vector<16xi32>
      %add3A_878 = arith.addi %add3A_875, %add3A_877 : vector<16xi32>
      %add3A_879 = arith.addi %mul3A_808, %add3A_878 : vector<16xi32>
      %gather3A_880 = tpu.vector_load_idx %arg14[%add3A_879] : memref<30720xf32, #tpu.memory_space<vmem>>[vector<16xi32>], vector<16xf32>,
      tpu.vector_store_idx %arg13[%broadcast_in_dim3A_804, %add3A_875], %gather3A_880 {add = true} : memref<256x128xf32, #tpu.memory_space<vmem>>[vector<16xi32>, vector<16xi32>], vector<16xf32>,
    }
    %scan3A_801 = arith.constant 256 : i32
    %multiple_of3A_802 = tpu.assume_multiple %add3A_781, 256 : i32
    "tpu.region"() ({
      %run_scoped3A = tpu.sem_alloc : memref<!tpu.dma_semaphore, #tpu.memory_space<semaphore_mem>>
      %dma_start3A_803 = arith.constant 0 : i32
      %dma_start3A_804 = tpu.memref_slice %arg7[%multiple_of3A_802, %dma_start3A_803] : memref<32768x128xf32, #tpu.memory_space<hbm>> -> memref<256x128xf32, #tpu.memory_space<hbm>>
      %dma_start3A_805 = arith.constant 0 : i32
      %dma_start3A_806 = tpu.memref_slice %arg7[%multiple_of3A_802, %dma_start3A_805] : memref<32768x128xf32, #tpu.memory_space<hbm>> -> memref<256x128xf32, #tpu.memory_space<hbm>>
      tpu.enqueue_dma source(%arg12 : memref<256x128xf32, #tpu.memory_space<vmem>>) target(%dma_start3A_806 : memref<256x128xf32, #tpu.memory_space<hbm>>) target_semaphore(%run_scoped3A : memref<!tpu.dma_semaphore, #tpu.memory_space<semaphore_mem>>)
      %dma_wait3A_807 = arith.constant 0 : i32
      %dma_wait3A_808 = tpu.memref_slice %arg7[%multiple_of3A_802, %dma_wait3A_807] : memref<32768x128xf32, #tpu.memory_space<hbm>> -> memref<256x128xf32, #tpu.memory_space<hbm>>
      %dma_wait3A_809 = arith.constant 0 : i32
      %dma_wait3A_810 = tpu.memref_slice %arg7[%multiple_of3A_802, %dma_wait3A_809] : memref<32768x128xf32, #tpu.memory_space<hbm>> -> memref<256x128xf32, #tpu.memory_space<hbm>>
      tpu.wait_dma2 semaphore(%run_scoped3A : memref<!tpu.dma_semaphore, #tpu.memory_space<semaphore_mem>>) src(%arg12 : memref<256x128xf32, #tpu.memory_space<vmem>>) dst(%dma_wait3A_810 : memref<256x128xf32, #tpu.memory_space<hbm>>)
      tpu.yield
    }) : () -> ()
    "tpu.region"() ({
      %run_scoped3A = tpu.sem_alloc : memref<!tpu.dma_semaphore, #tpu.memory_space<semaphore_mem>>
      %dma_start3A_803 = arith.constant 0 : i32
      %dma_start3A_804 = tpu.memref_slice %arg8[%multiple_of3A_802, %dma_start3A_803] : memref<32768x128xf32, #tpu.memory_space<hbm>> -> memref<256x128xf32, #tpu.memory_space<hbm>>
      %dma_start3A_805 = arith.constant 0 : i32
      %dma_start3A_806 = tpu.memref_slice %arg8[%multiple_of3A_802, %dma_start3A_805] : memref<32768x128xf32, #tpu.memory_space<hbm>> -> memref<256x128xf32, #tpu.memory_space<hbm>>
      tpu.enqueue_dma source(%arg13 : memref<256x128xf32, #tpu.memory_space<vmem>>) target(%dma_start3A_806 : memref<256x128xf32, #tpu.memory_space<hbm>>) target_semaphore(%run_scoped3A : memref<!tpu.dma_semaphore, #tpu.memory_space<semaphore_mem>>)
      %dma_wait3A_807 = arith.constant 0 : i32
      %dma_wait3A_808 = tpu.memref_slice %arg8[%multiple_of3A_802, %dma_wait3A_807] : memref<32768x128xf32, #tpu.memory_space<hbm>> -> memref<256x128xf32, #tpu.memory_space<hbm>>
      %dma_wait3A_809 = arith.constant 0 : i32
      %dma_wait3A_810 = tpu.memref_slice %arg8[%multiple_of3A_802, %dma_wait3A_809] : memref<32768x128xf32, #tpu.memory_space<hbm>> -> memref<256x128xf32, #tpu.memory_space<hbm>>
      tpu.wait_dma2 semaphore(%run_scoped3A : memref<!tpu.dma_semaphore, #tpu.memory_space<semaphore_mem>>) src(%arg13 : memref<256x128xf32, #tpu.memory_space<vmem>>) dst(%dma_wait3A_810 : memref<256x128xf32, #tpu.memory_space<hbm>>)
      tpu.yield
    }) : () -> ()
    return
  }
}

</mosaic_0001>

<sc_bundles>
// kernel: _sc_call.3.cloned.1.call-start
scs
__scs_entry_jumppad:
0x0: {  	(pc) =	sbr.rel $0x88, $3  }
0x1: {  	(tag) =	ssettag $0x0;
	lr =	simm.s32 $0x1  }
0x2: {  	[smem:$0x3F9C] =	sst lr;
	_ =	strace $0xD0000000  }
0x3: {  	_ = 	snop  }
0x4: {  	_ = 	snop  }
0x5: {  	_ = 	snop  }
0x6: {  	_ = 	snop  }
0x7: {  	_ = 	snop  }
__scs_overlays_trampoline_lowered:
0x8: {  	[smem:$0x3FAB] =	sst s0  }
0x9: {  	[smem:$0x3FAC] =	sst s1  }
0xa: {  	[smem:$0x3FAD] =	sst s2  }
0xb: {  	[smem:$0x3FAE] =	sst s3  }
0xc: {  	[smem:$0x3FAF] =	sst s4  }
0xd: {  	[smem:$0x3FB0] =	sst s5  }
0xe: {  	[smem:$0x3FB1] =	sst s6  }
0xf: {  	[smem:$0x3FB2] =	sst s7  }
0x10: {  	[smem:$0x3FB3] =	sst s8  }
0x11: {  	[smem:$0x3FB4] =	sst s9;
	s0 =	simm.s32 @!p0 $0x0  }
0x12: {  	s1 =	sld [smem:$0x3F9A];
	s0 =	simm.s32 @p0 $0x1  }
0x13: {  	[smem:$0x3FB5] =	sst s0;
	s0 =	simm.s32 @!p1 $0x0  }
0x14: {  	s2 =	sld [smem:$0x3F99];
	s0 =	simm.s32 @p1 $0x1  }
0x15: {  	[smem:$0x3FB6] =	sst s0;
	s0 =	simm.s32 @!p2 $0x0  }
0x16: {  	s3 =	sld [smem:$0x3FDB];
	s0 =	simm.s32 @p2 $0x1  }
0x17: {  	s4 =	simm.s32 $0x1BF5;
	[smem:$0x3FB8] =	sst s0  }
0x18: {  	s0 =	sld [smem:$0x3F9B];
	_ =	swait.ge [sflag:s4], $0x0  }
0x19: {  	s7 =	sld [smem:$0x3F9C]  }
0x1a: {  	s8 =	sadd.s32 $0xFFFFE003, lr  }
0x1b: {  	s9 =	sadd.s32 $0xFFFFFEF7, lr;
	s5 =	simm.s32 $0xFFFFFFFF;
	p2 =	slt.u32 s8, $0xFFFFF086  }
0x1c: {  	p1 =	slt.u32 s9, $0xF7A;
	s5 =	simm.s32 @!p2 $0x0  }
0x1d: {  	s5 =	simm.s32 @p1 $0x1;
	p0 =	seq.s32 s7, s2  }
0x1e: {  	s7 =	smul.u32 @!p0 $0xF7A, s2;
	p2 =	seq.s32 @!p0 s5, $0x0  }
0x1f: {  	s9 =	smul.u32 $0xF7A, s1;
	s8 =	simm.s32 @!p0 $0x1BF5;
	p2 =	por !p2, p0  }
0x20: {  	[sflag:s8] =	ssyncset.s32 @!p0 $0xFFFFF086;
	s6 =	sadd.s32 @!p0 s3, s7;
	s7 =	simm.s32 @!p0 $0x108  }
0x21: {  	s3 =	sadd.s32 s3, s9;
	s6 =	sadd.s32 @!p0 $0x88, s6;
	s7 =	simm.s32 @p2 $0x1082  }
0x22: {  	[simem:s7], [sflag:s8] =	dma.local @!p0 [hbm:s6], $0xF7A  }
0x23: {  	s9 =	sor.u32 $0xD0000000, s2;
	s6 =	simm.s32 $0x108;
	_ =	swait.ge @!p0 [sflag:s8], $0x0  }
0x24: {  	s3 =	sadd.s32 $0x88, s3;
	s6 =	simm.s32 @!p1 $0x1082;
	[sflag:s4] =	ssyncset.s32 $0xFFFFF086  }
0x25: {  	[simem:s6], [sflag:s4] =	dma.local [hbm:s3], $0xF7A  }
0x26: {  	[smem:$0x3F9C] =	sst s1;
	(tag) =	ssettag s2;
	_ =	strace s9  }
0x27: {  	s1 =	sld [smem:$0x3FAC]  }
0x28: {  	s2 =	sld [smem:$0x3FAD]  }
0x29: {  	s4 =	sld [smem:$0x3FAF]  }
0x2a: {  	p0 =	seq.s32 s5, $0x0;
	s5 =	sld [smem:$0x3FB0]  }
0x2b: {  	s6 =	sld [smem:$0x3FB1]  }
0x2c: {  	s7 =	sld [smem:$0x3FB2]  }
0x2d: {  	s3 =	simm.s32 $0x108;
	s8 =	sld [smem:$0x3FB3]  }
0x2e: {  	s3 =	simm.s32 @!p0 $0x1082;
	s9 =	sld [smem:$0x3FB4]  }
0x2f: {  	lr =	sadd.s32 s0, s3;
	s0 =	sld [smem:$0x3FAB]  }
0x30: {  	s3 =	sld [smem:$0x3FAE]  }
0x31: {  	[smem:$0x3FB7] =	sst s10  }
0x32: {  	s10 =	sld [smem:$0x3FB5];
	_ =	sdelay $0x3  }
0x33: {  	p0 =	seq.s32 s10, $0x1;
	s10 =	sld [smem:$0x3FB7];
	_ =	sdelay $0x3  }
0x34: {  	[smem:$0x3FB7] =	sst s10  }
0x35: {  	s10 =	sld [smem:$0x3FB6];
	_ =	sdelay $0x3  }
0x36: {  	p1 =	seq.s32 s10, $0x1;
	s10 =	sld [smem:$0x3FB7];
	_ =	sdelay $0x3  }
0x37: {  	[smem:$0x3FB7] =	sst s10  }
0x38: {  	s10 =	sld [smem:$0x3FB8]  }
0x39: {  	_ = 	snop;
	(pc) =	sbr.ind lr, $3  }
0x3a: {  	_ = 	snop  }
0x3b: {  	_ = 	snop  }
0x3c: {  	p2 =	seq.s32 s10, $0x1;
	s10 =	sld [smem:$0x3FB7]  }
0x3d: {  	_ =	shalt  }
0x3e: {  	_ =	shalt  }
0x3f: {  	_ =	shalt  }
0x40: {  	_ =	shalt  }
0x41: {  	_ =	shalt  }
0x42: {  	_ =	shalt  }
0x43: {  	_ =	shalt  }
0x44: {  	_ =	shalt  }
0x45: {  	_ =	shalt  }
0x46: {  	_ =	shalt  }
0x47: {  	_ =	shalt  }
0x48: {  	_ =	shalt  }
0x49: {  	_ =	shalt  }
0x4a: {  	_ =	shalt  }
0x4b: {  	_ =	shalt  }
0x4c: {  	_ =	shalt  }
0x4d: {  	_ =	shalt  }
0x4e: {  	_ =	shalt  }
0x4f: {  	_ =	shalt  }
0x50: {  	_ =	shalt  }
0x51: {  	_ =	shalt  }
0x52: {  	_ =	shalt  }
0x53: {  	_ =	shalt  }
0x54: {  	_ =	shalt  }
0x55: {  	_ =	shalt  }
0x56: {  	_ =	shalt  }
0x57: {  	_ =	shalt  }
0x58: {  	_ =	shalt  }
0x59: {  	_ =	shalt  }
0x5a: {  	_ =	shalt  }
0x5b: {  	_ =	shalt  }
0x5c: {  	_ =	shalt  }
0x5d: {  	_ =	shalt  }
0x5e: {  	_ =	shalt  }
0x5f: {  	_ =	shalt  }
0x60: {  	_ =	shalt  }
0x61: {  	_ =	shalt  }
0x62: {  	_ =	shalt  }
0x63: {  	_ =	shalt  }
0x64: {  	_ =	shalt  }
0x65: {  	_ =	shalt  }
0x66: {  	_ =	shalt  }
0x67: {  	_ =	shalt  }
0x68: {  	_ =	shalt  }
0x69: {  	_ =	shalt  }
0x6a: {  	_ =	shalt  }
0x6b: {  	_ =	shalt  }
0x6c: {  	_ =	shalt  }
0x6d: {  	_ =	shalt  }
0x6e: {  	_ =	shalt  }
0x6f: {  	_ =	shalt  }
0x70: {  	_ =	shalt  }
0x71: {  	_ =	shalt  }
0x72: {  	_ =	shalt  }
0x73: {  	_ =	shalt  }
0x74: {  	_ =	shalt  }
0x75: {  	_ =	shalt  }
0x76: {  	_ =	shalt  }
0x77: {  	_ =	shalt  }
0x78: {  	_ =	shalt  }
0x79: {  	_ =	shalt  }
0x7a: {  	_ =	shalt  }
0x7b: {  	_ =	shalt  }
0x7c: {  	_ =	shalt  }
0x7d: {  	_ =	shalt  }
0x7e: {  	_ =	shalt  }
0x7f: {  	_ =	shalt  }
0x80: {  	_ =	shalt  }
0x81: {  	_ =	shalt  }
0x82: {  	_ =	shalt  }
0x83: {  	_ =	shalt  }
0x84: {  	_ =	shalt  }
0x85: {  	_ =	shalt  }
0x86: {  	_ =	shalt  }
0x87: {  	_ =	shalt  }
.Lfunc_end0:
.L_simem_size_0:
called_computation_lowered:
.L_overlay_start_0:
0x88: {  	s2 =	sld [smem:$0x3FD9]  }
0x89: {  	s3 =	sld [smem:$0x3FFE];
	_ =	sdelay $0x1  }
0x8a: {  	s1 =	srdreg.scid  }
0x8b: {  	s0 =	sand.u32 $0x1, s1  }
0x8c: {  	s15 =	sshll.u32 s0, $0xA;
	s2 =	sadd.s32 s3, s2  }
0x8d: {  	s2 =	sadd.s32 s2, s15  }
0x8e: {  	[smem:$0x3FC3] =	sst s2  }
0x8f: {  	_ = 	snop  }
0x90: {  	s2 =	sld [smem:$0x3FC9]  }
0x91: {  	s16 =	sld [smem:$0x3FC8]  }
0x92: {  	s4 =	sld [smem:$0x3FD0]  }
0x93: {  	s5 =	sld [smem:$0x3FC7]  }
0x94: {  	s6 =	sld [smem:$0x3FC6]  }
0x95: {  	s8 =	simm.s32 $0xA;
	s9 =	simm.s32 $0x10;
	s7 =	sld [smem:$0x3FC5]  }
0x96: {  	[smem:s9], [sflag:s8] =	dma.local [hbm:s4], $0x1  }
0x97: {  	_ =	swait.eq [sflag:s8], $0x1  }
0x98: {  	s17 =	sld [smem:$0x10];
	[sflag:s8] =	ssyncset.done $0x0  }
0x99: {  	s18 =	sld [smem:$0x11];
	[sflag:s8] =	ssyncadd.s32 $0xFFFFFFFF  }
0x9a: {  	s19 =	sld [smem:$0x12];
	(tm) =	ssettm $0x1  }
0x9b: {  	s10 =	sld [smem:$0x3FFB];
	_ =	sdelay $0x3  }
0x9c: {  	_ =	strace s10  }
0x9d: {  	s10 =	sld [smem:$0x3FFC];
	_ =	sdelay $0x3  }
0x9e: {  	_ =	strace s10  }
0x9f: {  	s10 =	sld [smem:$0x3FFD];
	_ =	sdelay $0x3  }
0xa0: {  	_ =	strace s10  }
0xa1: {  	_ =	strace $0x8FFFFFFF  }
0xa2: {  	s20 =	sld [smem:$0x3FDB];
	_ =	sdelay $0x1  }
0xa3: {  	s11 =	simm.s32 $_scs_section_size  }
0xa4: {  	s12 =	simm.s32 $_size__tile_overlayer_lowered;
	s13 =	simm.s32 $_tile_overlayer_lowered  }
0xa5: {  	s23 =	simm.s32 $0x1BFF;
	s22 =	sshll.u32 s13, $0x1;
	s10 =	sadd.s32 s11, s20  }
0xa6: {  	s14 =	simm.s32 $0x0;
	s21 =	sshll.u32 s12, $0x1;
	s12 =	sadd.s32 s22, s10  }
0xa7: {  	[timem:s14], [sflag:s23] =	dma.local [hbm:s12], s21  }
0xa8: {  	_ =	swait.ge [sflag:s23], s21  }
0xa9: {  	s11 =	ssub.s32 $0x0, s21;
	[sflag:s23] =	ssyncset.done $0x0  }
0xaa: {  	[sflag:s23] =	ssyncadd.s32 s11;
	_ =	sdelay $0x1  }
0xab: {  	s24 =	simm.s32 $0x1B8B  }
0xac: {  	_ =	swait.ge [sflag:s24], $0x1  }
0xad: {  	[sflag:s24] =	ssyncset.done $0x0  }
0xae: {  	s25 =	simm.s32 $0x1B8E;
	[sflag:s24] =	ssyncadd.s32 $0xFFFFFFFF  }
0xaf: {  	s26 =	simm.s32 $execute0_lowered;
	[smem:$0x3FD2] =	sst s25  }
0xb0: {  	s11 =	sshll.u32 s26, $0x1;
	_ =	strace $0x80000046;
	[dreg:$0x1] =	wrdreg $0xFFFFFFFF  }
0xb1: {  	s28 =	simm.s32 $_size_execute0_lowered;
	s10 =	sadd.s32 s10, s11;
	[dreg:$0x0] =	wrdreg $0x0  }
0xb2: {  	s11 =	sshll.u32 s28, $0x1;
	[dreg:$0x2] =	wrdreg s10  }
0xb3: {  	[dreg:$0x3] =	wrdreg s11  }
0xb4: {  	[dreg:$0x4] =	wrdreg $0xC0  }
0xb5: {  	_ =	task [dreg:s14], $0x5FFFF  }
0xb6: {  	[dreg:$0x1] =	wrdreg $0xFFFFFFFF  }
0xb7: {  	[dreg:$0x0] =	wrdreg $0x60  }
0xb8: {  	[dreg:$0x2] =	wrdreg s2  }
0xb9: {  	[dreg:$0x3] =	wrdreg s16  }
0xba: {  	[dreg:$0x4] =	wrdreg s5  }
0xbb: {  	[dreg:$0x5] =	wrdreg s6  }
0xbc: {  	[dreg:$0x6] =	wrdreg s7  }
0xbd: {  	[dreg:$0x7] =	wrdreg s17  }
0xbe: {  	[dreg:$0x8] =	wrdreg s18  }
0xbf: {  	[dreg:$0x9] =	wrdreg s19  }
0xc0: {  	[dreg:$0xa] =	wrdreg $0x9  }
0xc1: {  	_ =	task.clear_ibuf [dreg:s14], $0xBFFFF;
	_ =	strace $0x90000046  }
0xc2: {  	s29 =	simm.s32 $0x9;
	_ =	strace $0x80000048  }
0xc3: {  	_ =	swait.ge [sflag:s29], $0x1  }
0xc4: {  	[sflag:s29] =	ssyncadd.s32 $0xFFFFFFFF  }
0xc5: {  	_ =	strace $0x90000048  }
0xc6: {  	_ =	sfence  }
0xc7: {  	s30 =	sld [smem:$0x0];
	_ =	sdelay $0x2  }
0xc8: {  	s31 =	sshll.u32 s1, $0xD;
	s1 =	sshrl.u32 s1, $0x2  }
0xc9: {  	s3 =	sand.u32 $0x4000, s31;
	s1 =	sadd.s32 s1, s30  }
0xca: {  	s0 =	sor.u32 s3, s0;
	s1 =	sshll.u32 s1, $0x11  }
0xcb: {  	s0 =	sor.u32 s1, s0  }
0xcc: {  	s0 =	sadd.s32 $0x8F2B, s0  }
0xcd: {  	[sflag:s0] =	ssyncadd.remote.s32 $0x1  }
0xce: {  	_ =	sfence.sel $0xFFFF  }
0xcf: {  	[dreg:$0x0] =	wrdreg $0xFFFFFFFF;
	(pc) =	sbr.abs _section_cstart, $3  }
0xd0: {  	[dreg:$0x1] =	wrdreg $0xFFFFFFFF  }
0xd1: {  	_ =	task.clear_ibuf [dreg:s14], $0x2FFFF;
	_ =	strace $0x9FFFFFFF  }
0xd2: {  	(tm) =	ssettm $0x7FFFFFFF  }
0xd3: {  	_ =	shalt  }
tec
execute0_lowered:
.L_overlay_start_1:
0x0: {  	(tag) =	ssettag $0x1  }
0x1: {  	s0 =	rddreg [dreg:$0x0]  }
0x2: {  	s1 =	rddreg [dreg:$0x2]  }
0x3: {  	s3 =	rddreg [dreg:$0x3]  }
0x4: {  	s4 =	rddreg [dreg:$0x5]  }
0x5: {  	s2 =	rddreg [dreg:$0x6]  }
0x6: {  	s5 =	rddreg [dreg:$0x7]  }
0x7: {  	s6 =	srdreg.scid;
	s10 =	stileid.u32  }
0x8: {  	s28 =	simm.s32 $0x17E00;
	s30 =	simm.s32 $0x100;
	s31 =	simm.s32 $0x200  }
0x9: {  	s7 =	sand.u32 $0x1, s6;
	s6 =	simm.s32 $0x0;
	s10 =	sshll.u32 s10, $0x1  }
0xa: {  	s8 =	ssub.s32 $0x2, s7;
	[smem:$0x7FF] =	sst s6;
	s7 =	sor.u32 s7, s10  }
0xb: {  	s9 =	sshrl.u32 s8, $0x1;
	_ =	strace $0x80000047;
	s19 =	sshll.u32 s7, $0xA  }
0xc: {  	v1 =	vlaneseq.u32;
	s16 =	sshll.u32 s7, $0x1;
	s17 =	sshll.u32 s7, $0x7;
	s10 =	sshllo.u32 s7, $0x1  }
0xd: {  	v3 =	vimm.f32 $0.0e+00;
	v4 =	vor.u32 $0x10, v1;
	s18 =	sshll.u32 s7, $0xE;
	s24 =	ssub.s32 s8, s9;
	s5 =	sadd.s32 s5, s17  }
0xe: {  	v5 =	vor.u32 $0x20, v1;
	v6 =	vor.u32 $0x30, v1;
	s8 =	sadd.s32 s0, s17;
	s20 =	sor.u32 $0x100, s19;
	v2 =	vmov s10;
	s10 =	sadd.s32 s4, s18  }
0xf: {  	v7 =	vor.u32 $0x40, v1;
	v8 =	vor.u32 $0x50, v1;
	v9 =	vor.u32 $0x60, v1;
	s11 =	sadd.s32 s2, s18;
	s23 =	sor.u32 $0x200, s19;
	s26 =	sor.u32 $0x300, s19  }
0x10: {  	v10 =	vor.u32 $0x70, v1;
	v11 =	vor.u32 $0x80, v1;
	v12 =	vor.u32 $0x90, v1;
	[dreg:$0x9] =	wrdreg s5;
	s9 =	sadd.s32 $0x1000, s8;
	s21 =	sshrl.u32 s20, $0x3  }
0x11: {  	v13 =	vor.u32 $0xA0, v1;
	v14 =	vor.u32 $0xB0, v1;
	v0 =	vmov s16;
	s22 =	sshll.u32 s20, $0x4;
	s13 =	sadd.s32 $0x1020, s8;
	s16 =	sshrl.u32 s23, $0x3  }
0x12: {  	v15 =	vor.u32 $0xC0, v1;
	v16 =	vor.u32 $0xD0, v1;
	v17 =	vor.u32 $0xE0, v1;
	s25 =	sshll.u32 s23, $0x4;
	s17 =	sadd.s32 $0x1040, s8;
	s29 =	sshrl.u32 s26, $0x3  }
0x13: {  	v18 =	vor.u32 $0xF0, v1;
	v19 =	vor.u32 $0x100, v1;
	v20 =	vor.u32 $0x110, v1;
	s7 =	sshll.u32 s26, $0x4;
	s24 =	smax.u32 s24, $0x1;
	s26 =	simm.s32 $0x3  }
0x14: {  	v21 =	vor.u32 $0x120, v1;
	v22 =	vor.u32 $0x130, v1;
	v23 =	vor.u32 $0x140, v1;
	s5 =	simm.s32 $0x1;
	s12 =	sadd.s32 s0, s21;
	s14 =	sadd.s32 s4, s22  }
0x15: {  	v24 =	vor.u32 $0x150, v1;
	v25 =	vor.u32 $0x160, v1;
	v26 =	vor.u32 $0x170, v1;
	s15 =	sadd.s32 s2, s22;
	s16 =	sadd.s32 s0, s16;
	s18 =	sadd.s32 s4, s25  }
0x16: {  	v27 =	vor.u32 $0x180, v1;
	v28 =	vor.u32 $0x190, v1;
	v29 =	vor.u32 $0x1A0, v1;
	s19 =	sadd.s32 s2, s25;
	s20 =	sadd.s32 s0, s29;
	s21 =	sadd.s32 $0x1060, s8  }
0x17: {  	v30 =	vor.u32 $0x1B0, v1;
	v31 =	vor.u32 $0x1C0, v1;
	v32 =	vor.u32 $0x1D0, v1;
	s22 =	sadd.s32 s4, s7;
	s23 =	sadd.s32 s2, s7;
	s25 =	simm.s32 $0x10200  }
0x18: {  	v33 =	vor.u32 $0x1E0, v1;
	v34 =	vor.u32 $0x1F0, v1;
	v0 =	vbroadcast v0, $0x0;
	s2 =	simm.s32 $0x8200;
	s0 =	simm.s32 $0x2;
	s4 =	simm.s32 $0x0  }
.LBB2_1:
0x19: {  	s7 =	rddreg [dreg:$0x4]  }
0x1a: {  	[tilespmem:s25], [sflag:$0x3] =	stream.linear.gather [hbm4b:s7+s6], $0x7800, $0x38;
	[tilespmem:$0x17E80] =	vst v63  }
0x1b: {  	_ =	swait.ge [sflag:s26], $0x7800  }
0x1c: {  	[sflag:s26] =	ssyncset.done $0x0  }
0x1d: {  	[sflag:s26] =	ssyncadd.s32 $0xFFFF8800  }
0x1e: {  	s7 =	rddreg [dreg:$0x1]  }
0x1f: {  	[tilespmem:s28], [sflag:$0x3] =	stream.linear.gather [hbm4b:s7+s6], $0x80, $0x38;
	[tilespmem:$0x17E80] =	vst v63  }
0x20: {  	_ =	swait.ge [sflag:s26], $0x80  }
0x21: {  	[sflag:s26] =	ssyncset.done $0x0  }
0x22: {  	[sflag:s26] =	ssyncadd.s32 $0xFFFFFF80  }
0x23: {  	v35 =	vld.idx.msk [tilespmem:v0+s28+$0x0], $0xffff;
	_ =	sdelay $0x4  }
0x24: {  	vm0 =	vgt.s32 v35, v1  }
0x25: {  	vm13 =	vgt.s32 v35, v4;
	v36 =	vsel vm0, $0x3F800000, v3  }
0x26: {  	vm14 =	vgt.s32 v35, v5;
	v62 =	vsel vm13, $0x3F800000, v3;
	[tilespmem:$0x17A00] =	vst v36  }
0x27: {  	vm15 =	vgt.s32 v35, v6;
	v63 =	vsel vm14, $0x3F800000, v3;
	[tilespmem:$0x17A10] =	vst v62  }
0x28: {  	vm4 =	vgt.s32 v35, v7;
	v40 =	vsel vm15, $0x3F800000, v3;
	[tilespmem:$0x17A20] =	vst v63  }
0x29: {  	vm5 =	vgt.s32 v35, v8;
	v41 =	vsel vm4, $0x3F800000, v3;
	[tilespmem:$0x17A30] =	vst v40  }
0x2a: {  	vm6 =	vgt.s32 v35, v9;
	v42 =	vsel vm5, $0x3F800000, v3;
	[tilespmem:$0x17A40] =	vst v41  }
0x2b: {  	vm7 =	vgt.s32 v35, v10;
	v43 =	vsel vm6, $0x3F800000, v3;
	[tilespmem:$0x17A50] =	vst v42  }
0x2c: {  	vm8 =	vgt.s32 v35, v11;
	v44 =	vsel vm7, $0x3F800000, v3;
	[tilespmem:$0x17A60] =	vst v43  }
0x2d: {  	vm9 =	vgt.s32 v35, v12;
	v45 =	vsel vm8, $0x3F800000, v3;
	[tilespmem:$0x17A70] =	vst v44  }
0x2e: {  	vm10 =	vgt.s32 v35, v13;
	v46 =	vsel vm9, $0x3F800000, v3;
	[tilespmem:$0x17A80] =	vst v45  }
0x2f: {  	vm11 =	vgt.s32 v35, v14;
	v47 =	vsel vm10, $0x3F800000, v3;
	[tilespmem:$0x17A90] =	vst v46  }
0x30: {  	vm12 =	vgt.s32 v35, v15;
	v48 =	vsel vm11, $0x3F800000, v3;
	[tilespmem:$0x17AA0] =	vst v47  }
0x31: {  	v49 =	vsel vm12, $0x3F800000, v3;
	vm13 =	vgt.s32 v35, v16;
	[tilespmem:$0x17AB0] =	vst v48  }
0x32: {  	vm14 =	vgt.s32 v35, v17;
	[tilespmem:$0x17AC0] =	vst v49;
	v50 =	vsel vm13, $0x3F800000, v3  }
0x33: {  	vm15 =	vgt.s32 v35, v18;
	v51 =	vsel vm14, $0x3F800000, v3;
	[tilespmem:$0x17AD0] =	vst v50  }
0x34: {  	vm4 =	vgt.s32 v35, v19;
	v52 =	vsel vm15, $0x3F800000, v3;
	[tilespmem:$0x17AE0] =	vst v51  }
0x35: {  	vm5 =	vgt.s32 v35, v20;
	v53 =	vsel vm4, $0x3F800000, v3;
	[tilespmem:$0x17AF0] =	vst v52  }
0x36: {  	vm6 =	vgt.s32 v35, v21;
	v54 =	vsel vm5, $0x3F800000, v3;
	[tilespmem:$0x17B00] =	vst v53  }
0x37: {  	vm7 =	vgt.s32 v35, v22;
	v55 =	vsel vm6, $0x3F800000, v3;
	[tilespmem:$0x17B10] =	vst v54  }
0x38: {  	vm8 =	vgt.s32 v35, v23;
	v56 =	vsel vm7, $0x3F800000, v3;
	[tilespmem:$0x17B20] =	vst v55  }
0x39: {  	vm9 =	vgt.s32 v35, v24;
	v57 =	vsel vm8, $0x3F800000, v3;
	[tilespmem:$0x17B30] =	vst v56  }
0x3a: {  	vm10 =	vgt.s32 v35, v25;
	v58 =	vsel vm9, $0x3F800000, v3;
	[tilespmem:$0x17B40] =	vst v57  }
0x3b: {  	vm11 =	vgt.s32 v35, v26;
	v59 =	vsel vm10, $0x3F800000, v3;
	[tilespmem:$0x17B50] =	vst v58  }
0x3c: {  	vm12 =	vgt.s32 v35, v27;
	v60 =	vsel vm11, $0x3F800000, v3;
	[tilespmem:$0x17B60] =	vst v59  }
0x3d: {  	v61 =	vsel vm12, $0x3F800000, v3;
	vm13 =	vgt.s32 v35, v28;
	[tilespmem:$0x17B70] =	vst v60  }
0x3e: {  	vm14 =	vgt.s32 v35, v29;
	[tilespmem:$0x17B80] =	vst v61;
	v62 =	vsel vm13, $0x3F800000, v3  }
0x3f: {  	vm15 =	vgt.s32 v35, v30;
	v63 =	vsel vm14, $0x3F800000, v3;
	[tilespmem:$0x17B90] =	vst v62  }
0x40: {  	vm4 =	vgt.s32 v35, v31;
	v40 =	vsel vm15, $0x3F800000, v3;
	[tilespmem:$0x17BA0] =	vst v63  }
0x41: {  	vm5 =	vgt.s32 v35, v32;
	v41 =	vsel vm4, $0x3F800000, v3;
	[tilespmem:$0x17BB0] =	vst v40  }
0x42: {  	vm6 =	vgt.s32 v35, v33;
	v42 =	vsel vm5, $0x3F800000, v3;
	[tilespmem:$0x17BC0] =	vst v41  }
0x43: {  	vm7 =	vgt.s32 v35, v34;
	v43 =	vsel vm6, $0x3F800000, v3;
	[tilespmem:$0x17BD0] =	vst v42  }
0x44: {  	v35 =	vsel vm7, $0x3F800000, v3;
	[tilespmem:$0x17BE0] =	vst v43  }
0x45: {  	[tilespmem:$0x17BF0] =	vst v35  }
0x46: {  	v35 =	vld.idx.msk [tilespmem:v2+s28+$0x0], $0xffff;
	_ =	sdelay $0x4  }
0x47: {  	vm8 =	vgt.s32 v35, v1  }
0x48: {  	vm9 =	vgt.s32 v35, v4;
	v44 =	vsel vm8, $0x3F800000, v3  }
0x49: {  	vm10 =	vgt.s32 v35, v5;
	v45 =	vsel vm9, $0x3F800000, v3;
	[tilespmem:$0x17C00] =	vst v44  }
0x4a: {  	vm11 =	vgt.s32 v35, v6;
	v46 =	vsel vm10, $0x3F800000, v3;
	[tilespmem:$0x17C10] =	vst v45  }
0x4b: {  	vm12 =	vgt.s32 v35, v7;
	v47 =	vsel vm11, $0x3F800000, v3;
	[tilespmem:$0x17C20] =	vst v46  }
0x4c: {  	vm13 =	vgt.s32 v35, v8;
	v48 =	vsel vm12, $0x3F800000, v3;
	[tilespmem:$0x17C30] =	vst v47  }
0x4d: {  	vm14 =	vgt.s32 v35, v9;
	v49 =	vsel vm13, $0x3F800000, v3;
	[tilespmem:$0x17C40] =	vst v48  }
0x4e: {  	vm15 =	vgt.s32 v35, v10;
	v50 =	vsel vm14, $0x3F800000, v3;
	[tilespmem:$0x17C50] =	vst v49  }
0x4f: {  	vm4 =	vgt.s32 v35, v11;
	v51 =	vsel vm15, $0x3F800000, v3;
	[tilespmem:$0x17C60] =	vst v50  }
0x50: {  	vm5 =	vgt.s32 v35, v12;
	v52 =	vsel vm4, $0x3F800000, v3;
	[tilespmem:$0x17C70] =	vst v51  }
0x51: {  	vm6 =	vgt.s32 v35, v13;
	v53 =	vsel vm5, $0x3F800000, v3;
	[tilespmem:$0x17C80] =	vst v52  }
0x52: {  	vm7 =	vgt.s32 v35, v14;
	v54 =	vsel vm6, $0x3F800000, v3;
	[tilespmem:$0x17C90] =	vst v53  }
0x53: {  	v55 =	vsel vm7, $0x3F800000, v3;
	vm8 =	vgt.s32 v35, v15;
	[tilespmem:$0x17CA0] =	vst v54  }
0x54: {  	vm9 =	vgt.s32 v35, v16;
	[tilespmem:$0x17CB0] =	vst v55;
	v56 =	vsel vm8, $0x3F800000, v3  }
0x55: {  	vm10 =	vgt.s32 v35, v17;
	v57 =	vsel vm9, $0x3F800000, v3;
	[tilespmem:$0x17CC0] =	vst v56  }
0x56: {  	vm11 =	vgt.s32 v35, v18;
	v58 =	vsel vm10, $0x3F800000, v3;
	[tilespmem:$0x17CD0] =	vst v57  }
0x57: {  	vm12 =	vgt.s32 v35, v19;
	v59 =	vsel vm11, $0x3F800000, v3;
	[tilespmem:$0x17CE0] =	vst v58  }
0x58: {  	vm13 =	vgt.s32 v35, v20;
	v60 =	vsel vm12, $0x3F800000, v3;
	[tilespmem:$0x17CF0] =	vst v59  }
0x59: {  	vm14 =	vgt.s32 v35, v21;
	v61 =	vsel vm13, $0x3F800000, v3;
	[tilespmem:$0x17D00] =	vst v60  }
0x5a: {  	vm15 =	vgt.s32 v35, v22;
	v62 =	vsel vm14, $0x3F800000, v3;
	[tilespmem:$0x17D10] =	vst v61  }
0x5b: {  	vm4 =	vgt.s32 v35, v23;
	v63 =	vsel vm15, $0x3F800000, v3;
	[tilespmem:$0x17D20] =	vst v62  }
0x5c: {  	vm5 =	vgt.s32 v35, v24;
	v40 =	vsel vm4, $0x3F800000, v3;
	[tilespmem:$0x17D30] =	vst v63  }
0x5d: {  	vm6 =	vgt.s32 v35, v25;
	v41 =	vsel vm5, $0x3F800000, v3;
	[tilespmem:$0x17D40] =	vst v40  }
0x5e: {  	vm7 =	vgt.s32 v35, v26;
	v42 =	vsel vm6, $0x3F800000, v3;
	[tilespmem:$0x17D50] =	vst v41  }
0x5f: {  	v43 =	vsel vm7, $0x3F800000, v3;
	vm8 =	vgt.s32 v35, v27;
	[tilespmem:$0x17D60] =	vst v42  }
0x60: {  	vm9 =	vgt.s32 v35, v28;
	[tilespmem:$0x17D70] =	vst v43;
	v44 =	vsel vm8, $0x3F800000, v3  }
0x61: {  	vm10 =	vgt.s32 v35, v29;
	v45 =	vsel vm9, $0x3F800000, v3;
	[tilespmem:$0x17D80] =	vst v44  }
0x62: {  	vm11 =	vgt.s32 v35, v30;
	v46 =	vsel vm10, $0x3F800000, v3;
	[tilespmem:$0x17D90] =	vst v45  }
0x63: {  	vm12 =	vgt.s32 v35, v31;
	v47 =	vsel vm11, $0x3F800000, v3;
	[tilespmem:$0x17DA0] =	vst v46  }
0x64: {  	vm13 =	vgt.s32 v35, v32;
	v48 =	vsel vm12, $0x3F800000, v3;
	[tilespmem:$0x17DB0] =	vst v47  }
0x65: {  	vm14 =	vgt.s32 v35, v33;
	v49 =	vsel vm13, $0x3F800000, v3;
	[tilespmem:$0x17DC0] =	vst v48  }
0x66: {  	vm15 =	vgt.s32 v35, v34;
	v50 =	vsel vm14, $0x3F800000, v3;
	[tilespmem:$0x17DD0] =	vst v49  }
0x67: {  	v35 =	vsel vm15, $0x3F800000, v3;
	[tilespmem:$0x17DE0] =	vst v50  }
0x68: {  	s29 =	simm.s32 $0x17A00;
	s7 =	rddreg [dreg:$0x9];
	[tilespmem:$0x17DF0] =	vst v35  }
0x69: {  	[hbm4b:s7+s6] =	stream.linear.scatter [tilespmem:s29], [sflag:$0x3], $0x400, $0x38;
	[tilespmem:$0x17E80] =	vst v63  }
0x6a: {  	_ =	swait.ge [sflag:s26], $0x400  }
0x6b: {  	[sflag:s26] =	ssyncset.done $0x0  }
0x6c: {  	[sflag:s26] =	ssyncadd.s32 $0xFFFFFC00  }
0x6d: {  	[tilespmem:s6], [sflag:$0x3] =	stream.linear.gather [hbm4b:s8+s6], $0x100, $0x38;
	[tilespmem:$0x17E80] =	vst v63  }
0x6e: {  	_ =	swait.ge [sflag:s26], $0x100  }
0x6f: {  	[sflag:s26] =	ssyncset.done $0x0  }
0x70: {  	[sflag:s26] =	ssyncadd.s32 $0xFFFFFF00  }
0x71: {  	[tilespmem:s30], [sflag:$0x3] =	stream.linear.gather [hbm4b:s9+s6], $0x100, $0x38;
	[tilespmem:$0x17E80] =	vst v63  }
0x72: {  	_ =	swait.ge [sflag:s26], $0x100  }
0x73: {  	[sflag:s26] =	ssyncset.done $0x0  }
0x74: {  	[sflag:s26] =	ssyncadd.s32 $0xFFFFFF00  }
0x75: {  	[tilespmem:s31], [sflag:$0x1] =	stream.indirect.gather [hbm4b:s1+s30], $0x80, s6, s30, $0xb8;
	[tilespmem:$0x17E80] =	vst v63  }
0x76: {  	_ = 	snop  }
0x77: {  	[tilespmem:s2], [sflag:$0x2] =	stream.indirect.gather [hbm4b:s3+s30], $0x80, s6, s30, $0xb8;
	[tilespmem:$0x17E80] =	vst v63  }
0x78: {  	_ =	swait.ge [sflag:s5], $0x8000  }
0x79: {  	v51 =	vmov s6;
	[sflag:s5] =	ssyncset.done $0x0  }
0x7a: {  	[sflag:s5] =	ssyncadd.s32 $0xFFFF8000  }
0x7b: {  	_ =	swait.ge [sflag:s0], $0x8000  }
0x7c: {  	[sflag:s0] =	ssyncset.done $0x0  }
0x7d: {  	[sflag:s0] =	ssyncadd.s32 $0xFFFF8000  }
0x7e: {  	v52 =	vld.idx.msk [tilespmem:v51+s30+$0x0], $0xffff;
	_ =	sdelay $0x4  }
0x7f: {  	v37 =	vmul.u32 $0xC0, v52;
	_ =	sdelay $0x1  }
0x80: {  	v36 =	vor.u32 v1, v37;
	_ =	sdelay $0x3  }
0x81: {  	v35 =	vshll.u32 v51, $0x7  }
0x82: {  	v38 =	vor.u32 v1, v35;
	v36 =	vld.idx.msk [tilespmem:v36+s25+$0x0], $0xffff  }
0x83: {  	v39 =	vor.u32 v4, v37;
	_ =	sdelay $0x3  }
0x84: {  	[tilespmem:v38+s31+$0x0] =	vst.idx.add.f32.msk $0xffff, v36  }
0x85: {  	v53 =	vor.u32 v4, v35;
	v36 =	vld.idx.msk [tilespmem:v39+s25+$0x0], $0xffff  }
0x86: {  	v40 =	vor.u32 v5, v37;
	_ =	sdelay $0x3  }
0x87: {  	[tilespmem:v53+s31+$0x0] =	vst.idx.add.f32.msk $0xffff, v36  }
0x88: {  	v54 =	vor.u32 v5, v35;
	v36 =	vld.idx.msk [tilespmem:v40+s25+$0x0], $0xffff  }
0x89: {  	v41 =	vor.u32 v6, v37;
	_ =	sdelay $0x3  }
0x8a: {  	[tilespmem:v54+s31+$0x0] =	vst.idx.add.f32.msk $0xffff, v36  }
0x8b: {  	v36 =	vor.u32 v6, v35;
	v41 =	vld.idx.msk [tilespmem:v41+s25+$0x0], $0xffff  }
0x8c: {  	v42 =	vadd.s32 v7, v37;
	_ =	sdelay $0x3  }
0x8d: {  	[tilespmem:v36+s31+$0x0] =	vst.idx.add.f32.msk $0xffff, v41  }
0x8e: {  	v55 =	vor.u32 v7, v35;
	v41 =	vld.idx.msk [tilespmem:v42+s25+$0x0], $0xffff  }
0x8f: {  	v43 =	vadd.s32 v8, v37;
	_ =	sdelay $0x3  }
0x90: {  	[tilespmem:v55+s31+$0x0] =	vst.idx.add.f32.msk $0xffff, v41  }
0x91: {  	v56 =	vor.u32 v8, v35;
	v41 =	vld.idx.msk [tilespmem:v43+s25+$0x0], $0xffff  }
0x92: {  	v57 =	vadd.s32 v9, v37;
	_ =	sdelay $0x3  }
0x93: {  	[tilespmem:v56+s31+$0x0] =	vst.idx.add.f32.msk $0xffff, v41  }
0x94: {  	v58 =	vor.u32 v9, v35;
	v41 =	vld.idx.msk [tilespmem:v57+s25+$0x0], $0xffff  }
0x95: {  	v59 =	vadd.s32 v10, v37;
	_ =	sdelay $0x3  }
0x96: {  	[tilespmem:v58+s31+$0x0] =	vst.idx.add.f32.msk $0xffff, v41  }
0x97: {  	v35 =	vor.u32 v10, v35;
	v41 =	vld.idx.msk [tilespmem:v59+s25+$0x0], $0xffff  }
0x98: {  	v60 =	vadd.s32 v11, v37;
	_ =	sdelay $0x3  }
0x99: {  	[tilespmem:v35+s31+$0x0] =	vst.idx.add.f32.msk $0xffff, v41  }
0x9a: {  	v35 =	vld.idx.msk [tilespmem:v60+s25+$0x0], $0xffff  }
0x9b: {  	v61 =	vadd.s32 v12, v37;
	_ =	sdelay $0x3  }
0x9c: {  	[tilespmem:v38+s2+$0x0] =	vst.idx.add.f32.msk $0xffff, v35  }
0x9d: {  	v35 =	vld.idx.msk [tilespmem:v61+s25+$0x0], $0xffff  }
0x9e: {  	v62 =	vadd.s32 v13, v37;
	_ =	sdelay $0x3  }
0x9f: {  	[tilespmem:v53+s2+$0x0] =	vst.idx.add.f32.msk $0xffff, v35  }
0xa0: {  	v35 =	vld.idx.msk [tilespmem:v62+s25+$0x0], $0xffff  }
0xa1: {  	v63 =	vadd.s32 v14, v37;
	_ =	sdelay $0x3  }
0xa2: {  	[tilespmem:v54+s2+$0x0] =	vst.idx.add.f32.msk $0xffff, v35  }
0xa3: {  	s7 =	simm.s32 $0x1;
	v38 =	vld.idx.msk [tilespmem:v63+s25+$0x0], $0xffff  }
0xa4: {  	v37 =	vmov s7  }
0xa5: {  	s29 =	simm.s32 $0x2;
	v35 =	vshll.u32 v37, $0x7  }
.LBB2_2:
0xa6: {  	_ =	sdelay $0x1  }
0xa7: {  	p0 =	sne.s32 s29, $0xFF;
	s7 =	smov.u32 s29;
	s29 =	sadd.s32 $0x1, s29;
	[tilespmem:v36+s2+$0x0] =	vst.idx.add.f32.msk $0xffff, v38  }
0xa8: {  	v36 =	vld.idx.msk [tilespmem:v37+s30+$0x0], $0xffff;
	_ =	sdelay $0x5  }
0xa9: {  	v37 =	vmul.u32 $0xC0, v36;
	_ =	sdelay $0x1  }
0xaa: {  	v36 =	vor.u32 v1, v37;
	_ =	sdelay $0x4  }
0xab: {  	v36 =	vld.idx.msk [tilespmem:v36+s25+$0x0], $0xffff  }
0xac: {  	v38 =	vor.u32 v1, v35  }
0xad: {  	v39 =	vor.u32 v4, v37;
	_ =	sdelay $0x3  }
0xae: {  	[tilespmem:v38+s31+$0x0] =	vst.idx.add.f32.msk $0xffff, v36  }
0xaf: {  	v36 =	vld.idx.msk [tilespmem:v39+s25+$0x0], $0xffff  }
0xb0: {  	v39 =	vor.u32 v4, v35  }
0xb1: {  	v40 =	vor.u32 v5, v37;
	_ =	sdelay $0x3  }
0xb2: {  	[tilespmem:v39+s31+$0x0] =	vst.idx.add.f32.msk $0xffff, v36  }
0xb3: {  	v36 =	vld.idx.msk [tilespmem:v40+s25+$0x0], $0xffff  }
0xb4: {  	v40 =	vor.u32 v5, v35  }
0xb5: {  	v41 =	vor.u32 v6, v37;
	_ =	sdelay $0x3  }
0xb6: {  	[tilespmem:v40+s31+$0x0] =	vst.idx.add.f32.msk $0xffff, v36  }
0xb7: {  	v41 =	vld.idx.msk [tilespmem:v41+s25+$0x0], $0xffff  }
0xb8: {  	v36 =	vor.u32 v6, v35  }
0xb9: {  	v42 =	vadd.s32 v7, v37;
	_ =	sdelay $0x3  }
0xba: {  	[tilespmem:v36+s31+$0x0] =	vst.idx.add.f32.msk $0xffff, v41  }
0xbb: {  	v41 =	vld.idx.msk [tilespmem:v42+s25+$0x0], $0xffff  }
0xbc: {  	v42 =	vor.u32 v7, v35  }
0xbd: {  	v43 =	vadd.s32 v8, v37;
	_ =	sdelay $0x3  }
0xbe: {  	[tilespmem:v42+s31+$0x0] =	vst.idx.add.f32.msk $0xffff, v41  }
0xbf: {  	v41 =	vld.idx.msk [tilespmem:v43+s25+$0x0], $0xffff  }
0xc0: {  	v42 =	vor.u32 v8, v35  }
0xc1: {  	v43 =	vadd.s32 v9, v37;
	_ =	sdelay $0x3  }
0xc2: {  	[tilespmem:v42+s31+$0x0] =	vst.idx.add.f32.msk $0xffff, v41  }
0xc3: {  	v41 =	vld.idx.msk [tilespmem:v43+s25+$0x0], $0xffff  }
0xc4: {  	v42 =	vor.u32 v9, v35  }
0xc5: {  	v43 =	vadd.s32 v10, v37;
	_ =	sdelay $0x3  }
0xc6: {  	[tilespmem:v42+s31+$0x0] =	vst.idx.add.f32.msk $0xffff, v41  }
0xc7: {  	v41 =	vld.idx.msk [tilespmem:v43+s25+$0x0], $0xffff  }
0xc8: {  	v35 =	vor.u32 v10, v35  }
0xc9: {  	v42 =	vadd.s32 v11, v37;
	_ =	sdelay $0x3  }
0xca: {  	[tilespmem:v35+s31+$0x0] =	vst.idx.add.f32.msk $0xffff, v41  }
0xcb: {  	v35 =	vld.idx.msk [tilespmem:v42+s25+$0x0], $0xffff;
	_ =	sdelay $0x1  }
0xcc: {  	v41 =	vadd.s32 v12, v37;
	_ =	sdelay $0x3  }
0xcd: {  	[tilespmem:v38+s2+$0x0] =	vst.idx.add.f32.msk $0xffff, v35  }
0xce: {  	v35 =	vld.idx.msk [tilespmem:v41+s25+$0x0], $0xffff;
	_ =	sdelay $0x1  }
0xcf: {  	v38 =	vadd.s32 v13, v37;
	_ =	sdelay $0x3  }
0xd0: {  	[tilespmem:v39+s2+$0x0] =	vst.idx.add.f32.msk $0xffff, v35  }
0xd1: {  	v35 =	vld.idx.msk [tilespmem:v38+s25+$0x0], $0xffff;
	_ =	sdelay $0x1  }
0xd2: {  	v37 =	vadd.s32 v14, v37;
	_ =	sdelay $0x3  }
.Ltmp0:
0xd3: {  	[tilespmem:v40+s2+$0x0] =	vst.idx.add.f32.msk $0xffff, v35;
	(pc) =	sbr.rel @p0 .LBB2_2-.Ltmp0, $3  }
0xd4: {  	v38 =	vld.idx.msk [tilespmem:v37+s25+$0x0], $0xffff;
	_ =	sdelay $0x1  }
0xd5: {  	v37 =	vmov s7  }
0xd6: {  	v35 =	vshll.u32 v37, $0x7  }
0xd7: {  	_ =	sdelay $0x3  }
0xd8: {  	[tilespmem:v36+s2+$0x0] =	vst.idx.add.f32.msk $0xffff, v38  }
0xd9: {  	v36 =	vld.idx.msk [tilespmem:v37+s30+$0x0], $0xffff;
	_ =	sdelay $0x4  }
0xda: {  	v36 =	vmul.u32 $0xC0, v36;
	_ =	sdelay $0x1  }
0xdb: {  	v52 =	vor.u32 v1, v36;
	_ =	sdelay $0x4  }
0xdc: {  	v53 =	vor.u32 v1, v35;
	v37 =	vld.idx.msk [tilespmem:v52+s25+$0x0], $0xffff  }
0xdd: {  	v39 =	vor.u32 v4, v36;
	_ =	sdelay $0x3  }
0xde: {  	[tilespmem:v53+s31+$0x0] =	vst.idx.add.f32.msk $0xffff, v37  }
0xdf: {  	v54 =	vor.u32 v4, v35;
	v37 =	vld.idx.msk [tilespmem:v39+s25+$0x0], $0xffff  }
0xe0: {  	v40 =	vor.u32 v5, v36;
	_ =	sdelay $0x3  }
0xe1: {  	[tilespmem:v54+s31+$0x0] =	vst.idx.add.f32.msk $0xffff, v37  }
0xe2: {  	v55 =	vor.u32 v5, v35;
	v37 =	vld.idx.msk [tilespmem:v40+s25+$0x0], $0xffff  }
0xe3: {  	v41 =	vor.u32 v6, v36;
	_ =	sdelay $0x3  }
0xe4: {  	[tilespmem:v55+s31+$0x0] =	vst.idx.add.f32.msk $0xffff, v37  }
0xe5: {  	v56 =	vor.u32 v6, v35;
	v37 =	vld.idx.msk [tilespmem:v41+s25+$0x0], $0xffff  }
0xe6: {  	v42 =	vadd.s32 v7, v36;
	_ =	sdelay $0x3  }
0xe7: {  	[tilespmem:v56+s31+$0x0] =	vst.idx.add.f32.msk $0xffff, v37  }
0xe8: {  	v57 =	vor.u32 v7, v35;
	v37 =	vld.idx.msk [tilespmem:v42+s25+$0x0], $0xffff  }
0xe9: {  	v43 =	vadd.s32 v8, v36;
	_ =	sdelay $0x3  }
0xea: {  	[tilespmem:v57+s31+$0x0] =	vst.idx.add.f32.msk $0xffff, v37  }
0xeb: {  	v58 =	vor.u32 v8, v35;
	v37 =	vld.idx.msk [tilespmem:v43+s25+$0x0], $0xffff  }
0xec: {  	v59 =	vadd.s32 v9, v36;
	_ =	sdelay $0x3  }
0xed: {  	[tilespmem:v58+s31+$0x0] =	vst.idx.add.f32.msk $0xffff, v37  }
0xee: {  	v60 =	vor.u32 v9, v35;
	v37 =	vld.idx.msk [tilespmem:v59+s25+$0x0], $0xffff  }
0xef: {  	v61 =	vadd.s32 v10, v36;
	_ =	sdelay $0x3  }
0xf0: {  	[tilespmem:v60+s31+$0x0] =	vst.idx.add.f32.msk $0xffff, v37  }
0xf1: {  	v62 =	vor.u32 v10, v35;
	v37 =	vld.idx.msk [tilespmem:v61+s25+$0x0], $0xffff  }
0xf2: {  	v63 =	vadd.s32 v11, v36;
	_ =	sdelay $0x3  }
0xf3: {  	[tilespmem:v62+s31+$0x0] =	vst.idx.add.f32.msk $0xffff, v37  }
0xf4: {  	v35 =	vld.idx.msk [tilespmem:v63+s25+$0x0], $0xffff  }
0xf5: {  	v42 =	vadd.s32 v12, v36;
	_ =	sdelay $0x3  }
0xf6: {  	[tilespmem:v53+s2+$0x0] =	vst.idx.add.f32.msk $0xffff, v35  }
0xf7: {  	v35 =	vld.idx.msk [tilespmem:v42+s25+$0x0], $0xffff  }
0xf8: {  	v43 =	vadd.s32 v13, v36;
	_ =	sdelay $0x3  }
0xf9: {  	[tilespmem:v54+s2+$0x0] =	vst.idx.add.f32.msk $0xffff, v35  }
0xfa: {  	v35 =	vld.idx.msk [tilespmem:v43+s25+$0x0], $0xffff  }
0xfb: {  	v36 =	vadd.s32 v14, v36;
	_ =	sdelay $0x3  }
0xfc: {  	[tilespmem:v55+s2+$0x0] =	vst.idx.add.f32.msk $0xffff, v35  }
0xfd: {  	v35 =	vld.idx.msk [tilespmem:v36+s25+$0x0], $0xffff;
	_ =	sdelay $0x4  }
0xfe: {  	s7 =	simm.s32 $0x0;
	[tilespmem:v56+s2+$0x0] =	vst.idx.add.f32.msk $0xffff, v35  }
0xff: {  	[hbm4b:s10+s7] =	stream.linear.scatter [tilespmem:s31], [sflag:$0x3], $0x8000, $0x38;
	[tilespmem:$0x17E80] =	vst v63  }
0x100: {  	_ =	swait.ge [sflag:s26], $0x8000  }
0x101: {  	[sflag:s26] =	ssyncset.done $0x0  }
0x102: {  	[sflag:s26] =	ssyncadd.s32 $0xFFFF8000  }
0x103: {  	[hbm4b:s11+s7] =	stream.linear.scatter [tilespmem:s2], [sflag:$0x3], $0x8000, $0x38;
	[tilespmem:$0x17E80] =	vst v63  }
0x104: {  	_ =	swait.ge [sflag:s26], $0x8000  }
0x105: {  	[sflag:s26] =	ssyncset.done $0x0  }
0x106: {  	[sflag:s26] =	ssyncadd.s32 $0xFFFF8000  }
0x107: {  	[tilespmem:s7], [sflag:$0x3] =	stream.linear.gather [hbm4b:s12+s7], $0x100, $0x38;
	[tilespmem:$0x17E80] =	vst v63  }
0x108: {  	_ =	swait.ge [sflag:s26], $0x100  }
0x109: {  	[sflag:s26] =	ssyncset.done $0x0  }
0x10a: {  	[sflag:s26] =	ssyncadd.s32 $0xFFFFFF00  }
0x10b: {  	[tilespmem:s30], [sflag:$0x3] =	stream.linear.gather [hbm4b:s13+s7], $0x100, $0x38;
	[tilespmem:$0x17E80] =	vst v63  }
0x10c: {  	_ =	swait.ge [sflag:s26], $0x100  }
0x10d: {  	[sflag:s26] =	ssyncset.done $0x0  }
0x10e: {  	[sflag:s26] =	ssyncadd.s32 $0xFFFFFF00  }
0x10f: {  	[tilespmem:s31], [sflag:$0x1] =	stream.indirect.gather [hbm4b:s1+s30], $0x80, s7, s30, $0xb8;
	[tilespmem:$0x17E80] =	vst v63  }
0x110: {  	_ = 	snop  }
0x111: {  	[tilespmem:s2], [sflag:$0x2] =	stream.indirect.gather [hbm4b:s3+s30], $0x80, s7, s30, $0xb8;
	[tilespmem:$0x17E80] =	vst v63  }
0x112: {  	_ =	swait.ge [sflag:s5], $0x8000  }
0x113: {  	v44 =	vmov s7;
	[sflag:s5] =	ssyncset.done $0x0  }
0x114: {  	[sflag:s5] =	ssyncadd.s32 $0xFFFF8000  }
0x115: {  	_ =	swait.ge [sflag:s0], $0x8000  }
0x116: {  	[sflag:s0] =	ssyncset.done $0x0  }
0x117: {  	[sflag:s0] =	ssyncadd.s32 $0xFFFF8000  }
0x118: {  	v45 =	vld.idx.msk [tilespmem:v44+s30+$0x0], $0xffff;
	_ =	sdelay $0x4  }
0x119: {  	v46 =	vmul.u32 $0xC0, v45;
	_ =	sdelay $0x1  }
0x11a: {  	v36 =	vor.u32 v1, v46;
	_ =	sdelay $0x3  }
0x11b: {  	v35 =	vshll.u32 v44, $0x7  }
0x11c: {  	v47 =	vor.u32 v1, v35;
	v36 =	vld.idx.msk [tilespmem:v36+s25+$0x0], $0xffff  }
0x11d: {  	v48 =	vor.u32 v4, v46;
	_ =	sdelay $0x3  }
0x11e: {  	[tilespmem:v47+s31+$0x0] =	vst.idx.add.f32.msk $0xffff, v36  }
0x11f: {  	v49 =	vor.u32 v4, v35;
	v36 =	vld.idx.msk [tilespmem:v48+s25+$0x0], $0xffff  }
0x120: {  	v50 =	vor.u32 v5, v46;
	_ =	sdelay $0x3  }
0x121: {  	[tilespmem:v49+s31+$0x0] =	vst.idx.add.f32.msk $0xffff, v36  }
0x122: {  	v51 =	vor.u32 v5, v35;
	v36 =	vld.idx.msk [tilespmem:v50+s25+$0x0], $0xffff  }
0x123: {  	v52 =	vor.u32 v6, v46;
	_ =	sdelay $0x3  }
0x124: {  	[tilespmem:v51+s31+$0x0] =	vst.idx.add.f32.msk $0xffff, v36  }
0x125: {  	v36 =	vor.u32 v6, v35;
	v41 =	vld.idx.msk [tilespmem:v52+s25+$0x0], $0xffff  }
0x126: {  	v53 =	vadd.s32 v7, v46;
	_ =	sdelay $0x3  }
0x127: {  	[tilespmem:v36+s31+$0x0] =	vst.idx.add.f32.msk $0xffff, v41  }
0x128: {  	v54 =	vor.u32 v7, v35;
	v41 =	vld.idx.msk [tilespmem:v53+s25+$0x0], $0xffff  }
0x129: {  	v55 =	vadd.s32 v8, v46;
	_ =	sdelay $0x3  }
0x12a: {  	[tilespmem:v54+s31+$0x0] =	vst.idx.add.f32.msk $0xffff, v41  }
0x12b: {  	v56 =	vor.u32 v8, v35;
	v41 =	vld.idx.msk [tilespmem:v55+s25+$0x0], $0xffff  }
0x12c: {  	v57 =	vadd.s32 v9, v46;
	_ =	sdelay $0x3  }
0x12d: {  	[tilespmem:v56+s31+$0x0] =	vst.idx.add.f32.msk $0xffff, v41  }
0x12e: {  	v58 =	vor.u32 v9, v35;
	v41 =	vld.idx.msk [tilespmem:v57+s25+$0x0], $0xffff  }
0x12f: {  	v59 =	vadd.s32 v10, v46;
	_ =	sdelay $0x3  }
0x130: {  	[tilespmem:v58+s31+$0x0] =	vst.idx.add.f32.msk $0xffff, v41  }
0x131: {  	v35 =	vor.u32 v10, v35;
	v41 =	vld.idx.msk [tilespmem:v59+s25+$0x0], $0xffff  }
0x132: {  	v60 =	vadd.s32 v11, v46;
	_ =	sdelay $0x3  }
0x133: {  	[tilespmem:v35+s31+$0x0] =	vst.idx.add.f32.msk $0xffff, v41  }
0x134: {  	v35 =	vld.idx.msk [tilespmem:v60+s25+$0x0], $0xffff  }
0x135: {  	v61 =	vadd.s32 v12, v46;
	_ =	sdelay $0x3  }
0x136: {  	[tilespmem:v47+s2+$0x0] =	vst.idx.add.f32.msk $0xffff, v35  }
0x137: {  	v35 =	vld.idx.msk [tilespmem:v61+s25+$0x0], $0xffff  }
0x138: {  	v62 =	vadd.s32 v13, v46;
	_ =	sdelay $0x3  }
0x139: {  	[tilespmem:v49+s2+$0x0] =	vst.idx.add.f32.msk $0xffff, v35  }
0x13a: {  	v35 =	vld.idx.msk [tilespmem:v62+s25+$0x0], $0xffff  }
0x13b: {  	v63 =	vadd.s32 v14, v46;
	_ =	sdelay $0x3  }
0x13c: {  	[tilespmem:v51+s2+$0x0] =	vst.idx.add.f32.msk $0xffff, v35  }
0x13d: {  	s7 =	simm.s32 $0x1;
	v38 =	vld.idx.msk [tilespmem:v63+s25+$0x0], $0xffff  }
0x13e: {  	v37 =	vmov s7  }
0x13f: {  	s29 =	simm.s32 $0x2;
	v35 =	vshll.u32 v37, $0x7  }
.LBB2_4:
0x140: {  	_ =	sdelay $0x1  }
0x141: {  	p0 =	sne.s32 s29, $0xFF;
	s7 =	smov.u32 s29;
	s29 =	sadd.s32 $0x1, s29;
	[tilespmem:v36+s2+$0x0] =	vst.idx.add.f32.msk $0xffff, v38  }
0x142: {  	v36 =	vld.idx.msk [tilespmem:v37+s30+$0x0], $0xffff;
	_ =	sdelay $0x5  }
0x143: {  	v37 =	vmul.u32 $0xC0, v36;
	_ =	sdelay $0x1  }
0x144: {  	v36 =	vor.u32 v1, v37;
	_ =	sdelay $0x4  }
0x145: {  	v36 =	vld.idx.msk [tilespmem:v36+s25+$0x0], $0xffff  }
0x146: {  	v38 =	vor.u32 v1, v35  }
0x147: {  	v39 =	vor.u32 v4, v37;
	_ =	sdelay $0x3  }
0x148: {  	[tilespmem:v38+s31+$0x0] =	vst.idx.add.f32.msk $0xffff, v36  }
0x149: {  	v36 =	vld.idx.msk [tilespmem:v39+s25+$0x0], $0xffff  }
0x14a: {  	v39 =	vor.u32 v4, v35  }
0x14b: {  	v40 =	vor.u32 v5, v37;
	_ =	sdelay $0x3  }
0x14c: {  	[tilespmem:v39+s31+$0x0] =	vst.idx.add.f32.msk $0xffff, v36  }
0x14d: {  	v36 =	vld.idx.msk [tilespmem:v40+s25+$0x0], $0xffff  }
0x14e: {  	v40 =	vor.u32 v5, v35  }
0x14f: {  	v41 =	vor.u32 v6, v37;
	_ =	sdelay $0x3  }
0x150: {  	[tilespmem:v40+s31+$0x0] =	vst.idx.add.f32.msk $0xffff, v36  }
0x151: {  	v41 =	vld.idx.msk [tilespmem:v41+s25+$0x0], $0xffff  }
0x152: {  	v36 =	vor.u32 v6, v35  }
0x153: {  	v42 =	vadd.s32 v7, v37;
	_ =	sdelay $0x3  }
0x154: {  	[tilespmem:v36+s31+$0x0] =	vst.idx.add.f32.msk $0xffff, v41  }
0x155: {  	v41 =	vld.idx.msk [tilespmem:v42+s25+$0x0], $0xffff  }
0x156: {  	v42 =	vor.u32 v7, v35  }
0x157: {  	v43 =	vadd.s32 v8, v37;
	_ =	sdelay $0x3  }
0x158: {  	[tilespmem:v42+s31+$0x0] =	vst.idx.add.f32.msk $0xffff, v41  }
0x159: {  	v41 =	vld.idx.msk [tilespmem:v43+s25+$0x0], $0xffff  }
0x15a: {  	v42 =	vor.u32 v8, v35  }
0x15b: {  	v43 =	vadd.s32 v9, v37;
	_ =	sdelay $0x3  }
0x15c: {  	[tilespmem:v42+s31+$0x0] =	vst.idx.add.f32.msk $0xffff, v41  }
0x15d: {  	v41 =	vld.idx.msk [tilespmem:v43+s25+$0x0], $0xffff  }
0x15e: {  	v42 =	vor.u32 v9, v35  }
0x15f: {  	v43 =	vadd.s32 v10, v37;
	_ =	sdelay $0x3  }
0x160: {  	[tilespmem:v42+s31+$0x0] =	vst.idx.add.f32.msk $0xffff, v41  }
0x161: {  	v41 =	vld.idx.msk [tilespmem:v43+s25+$0x0], $0xffff  }
0x162: {  	v35 =	vor.u32 v10, v35  }
0x163: {  	v42 =	vadd.s32 v11, v37;
	_ =	sdelay $0x3  }
0x164: {  	[tilespmem:v35+s31+$0x0] =	vst.idx.add.f32.msk $0xffff, v41  }
0x165: {  	v35 =	vld.idx.msk [tilespmem:v42+s25+$0x0], $0xffff;
	_ =	sdelay $0x1  }
0x166: {  	v41 =	vadd.s32 v12, v37;
	_ =	sdelay $0x3  }
0x167: {  	[tilespmem:v38+s2+$0x0] =	vst.idx.add.f32.msk $0xffff, v35  }
0x168: {  	v35 =	vld.idx.msk [tilespmem:v41+s25+$0x0], $0xffff;
	_ =	sdelay $0x1  }
0x169: {  	v38 =	vadd.s32 v13, v37;
	_ =	sdelay $0x3  }
0x16a: {  	[tilespmem:v39+s2+$0x0] =	vst.idx.add.f32.msk $0xffff, v35  }
0x16b: {  	v35 =	vld.idx.msk [tilespmem:v38+s25+$0x0], $0xffff;
	_ =	sdelay $0x1  }
0x16c: {  	v37 =	vadd.s32 v14, v37;
	_ =	sdelay $0x3  }
.Ltmp1:
0x16d: {  	[tilespmem:v40+s2+$0x0] =	vst.idx.add.f32.msk $0xffff, v35;
	(pc) =	sbr.rel @p0 .LBB2_4-.Ltmp1, $3  }
0x16e: {  	v38 =	vld.idx.msk [tilespmem:v37+s25+$0x0], $0xffff;
	_ =	sdelay $0x1  }
0x16f: {  	v37 =	vmov s7  }
0x170: {  	v35 =	vshll.u32 v37, $0x7  }
0x171: {  	_ =	sdelay $0x3  }
0x172: {  	[tilespmem:v36+s2+$0x0] =	vst.idx.add.f32.msk $0xffff, v38  }
0x173: {  	v36 =	vld.idx.msk [tilespmem:v37+s30+$0x0], $0xffff;
	_ =	sdelay $0x4  }
0x174: {  	v36 =	vmul.u32 $0xC0, v36;
	_ =	sdelay $0x1  }
0x175: {  	v52 =	vor.u32 v1, v36;
	_ =	sdelay $0x4  }
0x176: {  	v53 =	vor.u32 v1, v35;
	v37 =	vld.idx.msk [tilespmem:v52+s25+$0x0], $0xffff  }
0x177: {  	v39 =	vor.u32 v4, v36;
	_ =	sdelay $0x3  }
0x178: {  	[tilespmem:v53+s31+$0x0] =	vst.idx.add.f32.msk $0xffff, v37  }
0x179: {  	v54 =	vor.u32 v4, v35;
	v37 =	vld.idx.msk [tilespmem:v39+s25+$0x0], $0xffff  }
0x17a: {  	v40 =	vor.u32 v5, v36;
	_ =	sdelay $0x3  }
0x17b: {  	[tilespmem:v54+s31+$0x0] =	vst.idx.add.f32.msk $0xffff, v37  }
0x17c: {  	v55 =	vor.u32 v5, v35;
	v37 =	vld.idx.msk [tilespmem:v40+s25+$0x0], $0xffff  }
0x17d: {  	v41 =	vor.u32 v6, v36;
	_ =	sdelay $0x3  }
0x17e: {  	[tilespmem:v55+s31+$0x0] =	vst.idx.add.f32.msk $0xffff, v37  }
0x17f: {  	v56 =	vor.u32 v6, v35;
	v37 =	vld.idx.msk [tilespmem:v41+s25+$0x0], $0xffff  }
0x180: {  	v42 =	vadd.s32 v7, v36;
	_ =	sdelay $0x3  }
0x181: {  	[tilespmem:v56+s31+$0x0] =	vst.idx.add.f32.msk $0xffff, v37  }
0x182: {  	v57 =	vor.u32 v7, v35;
	v37 =	vld.idx.msk [tilespmem:v42+s25+$0x0], $0xffff  }
0x183: {  	v43 =	vadd.s32 v8, v36;
	_ =	sdelay $0x3  }
0x184: {  	[tilespmem:v57+s31+$0x0] =	vst.idx.add.f32.msk $0xffff, v37  }
0x185: {  	v58 =	vor.u32 v8, v35;
	v37 =	vld.idx.msk [tilespmem:v43+s25+$0x0], $0xffff  }
0x186: {  	v59 =	vadd.s32 v9, v36;
	_ =	sdelay $0x3  }
0x187: {  	[tilespmem:v58+s31+$0x0] =	vst.idx.add.f32.msk $0xffff, v37  }
0x188: {  	v60 =	vor.u32 v9, v35;
	v37 =	vld.idx.msk [tilespmem:v59+s25+$0x0], $0xffff  }
0x189: {  	v61 =	vadd.s32 v10, v36;
	_ =	sdelay $0x3  }
0x18a: {  	[tilespmem:v60+s31+$0x0] =	vst.idx.add.f32.msk $0xffff, v37  }
0x18b: {  	v62 =	vor.u32 v10, v35;
	v37 =	vld.idx.msk [tilespmem:v61+s25+$0x0], $0xffff  }
0x18c: {  	v63 =	vadd.s32 v11, v36;
	_ =	sdelay $0x3  }
0x18d: {  	[tilespmem:v62+s31+$0x0] =	vst.idx.add.f32.msk $0xffff, v37  }
0x18e: {  	v35 =	vld.idx.msk [tilespmem:v63+s25+$0x0], $0xffff  }
0x18f: {  	v42 =	vadd.s32 v12, v36;
	_ =	sdelay $0x3  }
0x190: {  	[tilespmem:v53+s2+$0x0] =	vst.idx.add.f32.msk $0xffff, v35  }
0x191: {  	v35 =	vld.idx.msk [tilespmem:v42+s25+$0x0], $0xffff  }
0x192: {  	v43 =	vadd.s32 v13, v36;
	_ =	sdelay $0x3  }
0x193: {  	[tilespmem:v54+s2+$0x0] =	vst.idx.add.f32.msk $0xffff, v35  }
0x194: {  	v35 =	vld.idx.msk [tilespmem:v43+s25+$0x0], $0xffff  }
0x195: {  	v36 =	vadd.s32 v14, v36;
	_ =	sdelay $0x3  }
0x196: {  	[tilespmem:v55+s2+$0x0] =	vst.idx.add.f32.msk $0xffff, v35  }
0x197: {  	v35 =	vld.idx.msk [tilespmem:v36+s25+$0x0], $0xffff;
	_ =	sdelay $0x4  }
0x198: {  	s7 =	simm.s32 $0x0;
	[tilespmem:v56+s2+$0x0] =	vst.idx.add.f32.msk $0xffff, v35  }
0x199: {  	[hbm4b:s14+s7] =	stream.linear.scatter [tilespmem:s31], [sflag:$0x3], $0x8000, $0x38;
	[tilespmem:$0x17E80] =	vst v63  }
0x19a: {  	_ =	swait.ge [sflag:s26], $0x8000  }
0x19b: {  	[sflag:s26] =	ssyncset.done $0x0  }
0x19c: {  	[sflag:s26] =	ssyncadd.s32 $0xFFFF8000  }
0x19d: {  	[hbm4b:s15+s7] =	stream.linear.scatter [tilespmem:s2], [sflag:$0x3], $0x8000, $0x38;
	[tilespmem:$0x17E80] =	vst v63  }
0x19e: {  	_ =	swait.ge [sflag:s26], $0x8000  }
0x19f: {  	[sflag:s26] =	ssyncset.done $0x0  }
0x1a0: {  	[sflag:s26] =	ssyncadd.s32 $0xFFFF8000  }
0x1a1: {  	[tilespmem:s7], [sflag:$0x3] =	stream.linear.gather [hbm4b:s16+s7], $0x100, $0x38;
	[tilespmem:$0x17E80] =	vst v63  }
0x1a2: {  	_ =	swait.ge [sflag:s26], $0x100  }
0x1a3: {  	[sflag:s26] =	ssyncset.done $0x0  }
0x1a4: {  	[sflag:s26] =	ssyncadd.s32 $0xFFFFFF00  }
0x1a5: {  	[tilespmem:s30], [sflag:$0x3] =	stream.linear.gather [hbm4b:s17+s7], $0x100, $0x38;
	[tilespmem:$0x17E80] =	vst v63  }
0x1a6: {  	_ =	swait.ge [sflag:s26], $0x100  }
0x1a7: {  	[sflag:s26] =	ssyncset.done $0x0  }
0x1a8: {  	[sflag:s26] =	ssyncadd.s32 $0xFFFFFF00  }
0x1a9: {  	[tilespmem:s31], [sflag:$0x1] =	stream.indirect.gather [hbm4b:s1+s30], $0x80, s7, s30, $0xb8;
	[tilespmem:$0x17E80] =	vst v63  }
0x1aa: {  	_ = 	snop  }
0x1ab: {  	[tilespmem:s2], [sflag:$0x2] =	stream.indirect.gather [hbm4b:s3+s30], $0x80, s7, s30, $0xb8;
	[tilespmem:$0x17E80] =	vst v63  }
0x1ac: {  	_ =	swait.ge [sflag:s5], $0x8000  }
0x1ad: {  	v44 =	vmov s7;
	[sflag:s5] =	ssyncset.done $0x0  }
0x1ae: {  	[sflag:s5] =	ssyncadd.s32 $0xFFFF8000  }
0x1af: {  	_ =	swait.ge [sflag:s0], $0x8000  }
0x1b0: {  	[sflag:s0] =	ssyncset.done $0x0  }
0x1b1: {  	[sflag:s0] =	ssyncadd.s32 $0xFFFF8000  }
0x1b2: {  	v45 =	vld.idx.msk [tilespmem:v44+s30+$0x0], $0xffff;
	_ =	sdelay $0x4  }
0x1b3: {  	v46 =	vmul.u32 $0xC0, v45;
	_ =	sdelay $0x1  }
0x1b4: {  	v36 =	vor.u32 v1, v46;
	_ =	sdelay $0x3  }
0x1b5: {  	v35 =	vshll.u32 v44, $0x7  }
0x1b6: {  	v47 =	vor.u32 v1, v35;
	v36 =	vld.idx.msk [tilespmem:v36+s25+$0x0], $0xffff  }
0x1b7: {  	v48 =	vor.u32 v4, v46;
	_ =	sdelay $0x3  }
0x1b8: {  	[tilespmem:v47+s31+$0x0] =	vst.idx.add.f32.msk $0xffff, v36  }
0x1b9: {  	v49 =	vor.u32 v4, v35;
	v36 =	vld.idx.msk [tilespmem:v48+s25+$0x0], $0xffff  }
0x1ba: {  	v50 =	vor.u32 v5, v46;
	_ =	sdelay $0x3  }
0x1bb: {  	[tilespmem:v49+s31+$0x0] =	vst.idx.add.f32.msk $0xffff, v36  }
0x1bc: {  	v51 =	vor.u32 v5, v35;
	v36 =	vld.idx.msk [tilespmem:v50+s25+$0x0], $0xffff  }
0x1bd: {  	v52 =	vor.u32 v6, v46;
	_ =	sdelay $0x3  }
0x1be: {  	[tilespmem:v51+s31+$0x0] =	vst.idx.add.f32.msk $0xffff, v36  }
0x1bf: {  	v36 =	vor.u32 v6, v35;
	v41 =	vld.idx.msk [tilespmem:v52+s25+$0x0], $0xffff  }
0x1c0: {  	v53 =	vadd.s32 v7, v46;
	_ =	sdelay $0x3  }
0x1c1: {  	[tilespmem:v36+s31+$0x0] =	vst.idx.add.f32.msk $0xffff, v41  }
0x1c2: {  	v54 =	vor.u32 v7, v35;
	v41 =	vld.idx.msk [tilespmem:v53+s25+$0x0], $0xffff  }
0x1c3: {  	v55 =	vadd.s32 v8, v46;
	_ =	sdelay $0x3  }
0x1c4: {  	[tilespmem:v54+s31+$0x0] =	vst.idx.add.f32.msk $0xffff, v41  }
0x1c5: {  	v56 =	vor.u32 v8, v35;
	v41 =	vld.idx.msk [tilespmem:v55+s25+$0x0], $0xffff  }
0x1c6: {  	v57 =	vadd.s32 v9, v46;
	_ =	sdelay $0x3  }
0x1c7: {  	[tilespmem:v56+s31+$0x0] =	vst.idx.add.f32.msk $0xffff, v41  }
0x1c8: {  	v58 =	vor.u32 v9, v35;
	v41 =	vld.idx.msk [tilespmem:v57+s25+$0x0], $0xffff  }
0x1c9: {  	v59 =	vadd.s32 v10, v46;
	_ =	sdelay $0x3  }
0x1ca: {  	[tilespmem:v58+s31+$0x0] =	vst.idx.add.f32.msk $0xffff, v41  }
0x1cb: {  	v35 =	vor.u32 v10, v35;
	v41 =	vld.idx.msk [tilespmem:v59+s25+$0x0], $0xffff  }
0x1cc: {  	v60 =	vadd.s32 v11, v46;
	_ =	sdelay $0x3  }
0x1cd: {  	[tilespmem:v35+s31+$0x0] =	vst.idx.add.f32.msk $0xffff, v41  }
0x1ce: {  	v35 =	vld.idx.msk [tilespmem:v60+s25+$0x0], $0xffff  }
0x1cf: {  	v61 =	vadd.s32 v12, v46;
	_ =	sdelay $0x3  }
0x1d0: {  	[tilespmem:v47+s2+$0x0] =	vst.idx.add.f32.msk $0xffff, v35  }
0x1d1: {  	v35 =	vld.idx.msk [tilespmem:v61+s25+$0x0], $0xffff  }
0x1d2: {  	v62 =	vadd.s32 v13, v46;
	_ =	sdelay $0x3  }
0x1d3: {  	[tilespmem:v49+s2+$0x0] =	vst.idx.add.f32.msk $0xffff, v35  }
0x1d4: {  	v35 =	vld.idx.msk [tilespmem:v62+s25+$0x0], $0xffff  }
0x1d5: {  	v63 =	vadd.s32 v14, v46;
	_ =	sdelay $0x3  }
0x1d6: {  	[tilespmem:v51+s2+$0x0] =	vst.idx.add.f32.msk $0xffff, v35  }
0x1d7: {  	s7 =	simm.s32 $0x1;
	v38 =	vld.idx.msk [tilespmem:v63+s25+$0x0], $0xffff  }
0x1d8: {  	v37 =	vmov s7  }
0x1d9: {  	s29 =	simm.s32 $0x2;
	v35 =	vshll.u32 v37, $0x7  }
.LBB2_6:
0x1da: {  	_ =	sdelay $0x1  }
0x1db: {  	p0 =	sne.s32 s29, $0xFF;
	s7 =	smov.u32 s29;
	s29 =	sadd.s32 $0x1, s29;
	[tilespmem:v36+s2+$0x0] =	vst.idx.add.f32.msk $0xffff, v38  }
0x1dc: {  	v36 =	vld.idx.msk [tilespmem:v37+s30+$0x0], $0xffff;
	_ =	sdelay $0x5  }
0x1dd: {  	v37 =	vmul.u32 $0xC0, v36;
	_ =	sdelay $0x1  }
0x1de: {  	v36 =	vor.u32 v1, v37;
	_ =	sdelay $0x4  }
0x1df: {  	v36 =	vld.idx.msk [tilespmem:v36+s25+$0x0], $0xffff  }
0x1e0: {  	v38 =	vor.u32 v1, v35  }
0x1e1: {  	v39 =	vor.u32 v4, v37;
	_ =	sdelay $0x3  }
0x1e2: {  	[tilespmem:v38+s31+$0x0] =	vst.idx.add.f32.msk $0xffff, v36  }
0x1e3: {  	v36 =	vld.idx.msk [tilespmem:v39+s25+$0x0], $0xffff  }
0x1e4: {  	v39 =	vor.u32 v4, v35  }
0x1e5: {  	v40 =	vor.u32 v5, v37;
	_ =	sdelay $0x3  }
0x1e6: {  	[tilespmem:v39+s31+$0x0] =	vst.idx.add.f32.msk $0xffff, v36  }
0x1e7: {  	v36 =	vld.idx.msk [tilespmem:v40+s25+$0x0], $0xffff  }
0x1e8: {  	v40 =	vor.u32 v5, v35  }
0x1e9: {  	v41 =	vor.u32 v6, v37;
	_ =	sdelay $0x3  }
0x1ea: {  	[tilespmem:v40+s31+$0x0] =	vst.idx.add.f32.msk $0xffff, v36  }
0x1eb: {  	v41 =	vld.idx.msk [tilespmem:v41+s25+$0x0], $0xffff  }
0x1ec: {  	v36 =	vor.u32 v6, v35  }
0x1ed: {  	v42 =	vadd.s32 v7, v37;
	_ =	sdelay $0x3  }
0x1ee: {  	[tilespmem:v36+s31+$0x0] =	vst.idx.add.f32.msk $0xffff, v41  }
0x1ef: {  	v41 =	vld.idx.msk [tilespmem:v42+s25+$0x0], $0xffff  }
0x1f0: {  	v42 =	vor.u32 v7, v35  }
0x1f1: {  	v43 =	vadd.s32 v8, v37;
	_ =	sdelay $0x3  }
0x1f2: {  	[tilespmem:v42+s31+$0x0] =	vst.idx.add.f32.msk $0xffff, v41  }
0x1f3: {  	v41 =	vld.idx.msk [tilespmem:v43+s25+$0x0], $0xffff  }
0x1f4: {  	v42 =	vor.u32 v8, v35  }
0x1f5: {  	v43 =	vadd.s32 v9, v37;
	_ =	sdelay $0x3  }
0x1f6: {  	[tilespmem:v42+s31+$0x0] =	vst.idx.add.f32.msk $0xffff, v41  }
0x1f7: {  	v41 =	vld.idx.msk [tilespmem:v43+s25+$0x0], $0xffff  }
0x1f8: {  	v42 =	vor.u32 v9, v35  }
0x1f9: {  	v43 =	vadd.s32 v10, v37;
	_ =	sdelay $0x3  }
0x1fa: {  	[tilespmem:v42+s31+$0x0] =	vst.idx.add.f32.msk $0xffff, v41  }
0x1fb: {  	v41 =	vld.idx.msk [tilespmem:v43+s25+$0x0], $0xffff  }
0x1fc: {  	v35 =	vor.u32 v10, v35  }
0x1fd: {  	v42 =	vadd.s32 v11, v37;
	_ =	sdelay $0x3  }
0x1fe: {  	[tilespmem:v35+s31+$0x0] =	vst.idx.add.f32.msk $0xffff, v41  }
0x1ff: {  	v35 =	vld.idx.msk [tilespmem:v42+s25+$0x0], $0xffff;
	_ =	sdelay $0x1  }
0x200: {  	v41 =	vadd.s32 v12, v37;
	_ =	sdelay $0x3  }
0x201: {  	[tilespmem:v38+s2+$0x0] =	vst.idx.add.f32.msk $0xffff, v35  }
0x202: {  	v35 =	vld.idx.msk [tilespmem:v41+s25+$0x0], $0xffff;
	_ =	sdelay $0x1  }
0x203: {  	v38 =	vadd.s32 v13, v37;
	_ =	sdelay $0x3  }
0x204: {  	[tilespmem:v39+s2+$0x0] =	vst.idx.add.f32.msk $0xffff, v35  }
0x205: {  	v35 =	vld.idx.msk [tilespmem:v38+s25+$0x0], $0xffff;
	_ =	sdelay $0x1  }
0x206: {  	v37 =	vadd.s32 v14, v37;
	_ =	sdelay $0x3  }
.Ltmp2:
0x207: {  	[tilespmem:v40+s2+$0x0] =	vst.idx.add.f32.msk $0xffff, v35;
	(pc) =	sbr.rel @p0 .LBB2_6-.Ltmp2, $3  }
0x208: {  	v38 =	vld.idx.msk [tilespmem:v37+s25+$0x0], $0xffff;
	_ =	sdelay $0x1  }
0x209: {  	v37 =	vmov s7  }
0x20a: {  	v35 =	vshll.u32 v37, $0x7  }
0x20b: {  	_ =	sdelay $0x3  }
0x20c: {  	[tilespmem:v36+s2+$0x0] =	vst.idx.add.f32.msk $0xffff, v38  }
0x20d: {  	v36 =	vld.idx.msk [tilespmem:v37+s30+$0x0], $0xffff;
	_ =	sdelay $0x4  }
0x20e: {  	v36 =	vmul.u32 $0xC0, v36;
	_ =	sdelay $0x1  }
0x20f: {  	v52 =	vor.u32 v1, v36;
	_ =	sdelay $0x4  }
0x210: {  	v53 =	vor.u32 v1, v35;
	v37 =	vld.idx.msk [tilespmem:v52+s25+$0x0], $0xffff  }
0x211: {  	v39 =	vor.u32 v4, v36;
	_ =	sdelay $0x3  }
0x212: {  	[tilespmem:v53+s31+$0x0] =	vst.idx.add.f32.msk $0xffff, v37  }
0x213: {  	v54 =	vor.u32 v4, v35;
	v37 =	vld.idx.msk [tilespmem:v39+s25+$0x0], $0xffff  }
0x214: {  	v40 =	vor.u32 v5, v36;
	_ =	sdelay $0x3  }
0x215: {  	[tilespmem:v54+s31+$0x0] =	vst.idx.add.f32.msk $0xffff, v37  }
0x216: {  	v55 =	vor.u32 v5, v35;
	v37 =	vld.idx.msk [tilespmem:v40+s25+$0x0], $0xffff  }
0x217: {  	v41 =	vor.u32 v6, v36;
	_ =	sdelay $0x3  }
0x218: {  	[tilespmem:v55+s31+$0x0] =	vst.idx.add.f32.msk $0xffff, v37  }
0x219: {  	v56 =	vor.u32 v6, v35;
	v37 =	vld.idx.msk [tilespmem:v41+s25+$0x0], $0xffff  }
0x21a: {  	v42 =	vadd.s32 v7, v36;
	_ =	sdelay $0x3  }
0x21b: {  	[tilespmem:v56+s31+$0x0] =	vst.idx.add.f32.msk $0xffff, v37  }
0x21c: {  	v57 =	vor.u32 v7, v35;
	v37 =	vld.idx.msk [tilespmem:v42+s25+$0x0], $0xffff  }
0x21d: {  	v43 =	vadd.s32 v8, v36;
	_ =	sdelay $0x3  }
0x21e: {  	[tilespmem:v57+s31+$0x0] =	vst.idx.add.f32.msk $0xffff, v37  }
0x21f: {  	v58 =	vor.u32 v8, v35;
	v37 =	vld.idx.msk [tilespmem:v43+s25+$0x0], $0xffff  }
0x220: {  	v59 =	vadd.s32 v9, v36;
	_ =	sdelay $0x3  }
0x221: {  	[tilespmem:v58+s31+$0x0] =	vst.idx.add.f32.msk $0xffff, v37  }
0x222: {  	v60 =	vor.u32 v9, v35;
	v37 =	vld.idx.msk [tilespmem:v59+s25+$0x0], $0xffff  }
0x223: {  	v61 =	vadd.s32 v10, v36;
	_ =	sdelay $0x3  }
0x224: {  	[tilespmem:v60+s31+$0x0] =	vst.idx.add.f32.msk $0xffff, v37  }
0x225: {  	v62 =	vor.u32 v10, v35;
	v37 =	vld.idx.msk [tilespmem:v61+s25+$0x0], $0xffff  }
0x226: {  	v63 =	vadd.s32 v11, v36;
	_ =	sdelay $0x3  }
0x227: {  	[tilespmem:v62+s31+$0x0] =	vst.idx.add.f32.msk $0xffff, v37  }
0x228: {  	v35 =	vld.idx.msk [tilespmem:v63+s25+$0x0], $0xffff  }
0x229: {  	v42 =	vadd.s32 v12, v36;
	_ =	sdelay $0x3  }
0x22a: {  	[tilespmem:v53+s2+$0x0] =	vst.idx.add.f32.msk $0xffff, v35  }
0x22b: {  	v35 =	vld.idx.msk [tilespmem:v42+s25+$0x0], $0xffff  }
0x22c: {  	v43 =	vadd.s32 v13, v36;
	_ =	sdelay $0x3  }
0x22d: {  	[tilespmem:v54+s2+$0x0] =	vst.idx.add.f32.msk $0xffff, v35  }
0x22e: {  	v35 =	vld.idx.msk [tilespmem:v43+s25+$0x0], $0xffff  }
0x22f: {  	v36 =	vadd.s32 v14, v36;
	_ =	sdelay $0x3  }
0x230: {  	[tilespmem:v55+s2+$0x0] =	vst.idx.add.f32.msk $0xffff, v35  }
0x231: {  	v35 =	vld.idx.msk [tilespmem:v36+s25+$0x0], $0xffff;
	_ =	sdelay $0x4  }
0x232: {  	s7 =	simm.s32 $0x0;
	[tilespmem:v56+s2+$0x0] =	vst.idx.add.f32.msk $0xffff, v35  }
0x233: {  	[hbm4b:s18+s7] =	stream.linear.scatter [tilespmem:s31], [sflag:$0x3], $0x8000, $0x38;
	[tilespmem:$0x17E80] =	vst v63  }
0x234: {  	_ =	swait.ge [sflag:s26], $0x8000  }
0x235: {  	[sflag:s26] =	ssyncset.done $0x0  }
0x236: {  	[sflag:s26] =	ssyncadd.s32 $0xFFFF8000  }
0x237: {  	[hbm4b:s19+s7] =	stream.linear.scatter [tilespmem:s2], [sflag:$0x3], $0x8000, $0x38;
	[tilespmem:$0x17E80] =	vst v63  }
0x238: {  	_ =	swait.ge [sflag:s26], $0x8000  }
0x239: {  	[sflag:s26] =	ssyncset.done $0x0  }
0x23a: {  	[sflag:s26] =	ssyncadd.s32 $0xFFFF8000  }
0x23b: {  	[tilespmem:s7], [sflag:$0x3] =	stream.linear.gather [hbm4b:s20+s7], $0x100, $0x38;
	[tilespmem:$0x17E80] =	vst v63  }
0x23c: {  	_ =	swait.ge [sflag:s26], $0x100  }
0x23d: {  	[sflag:s26] =	ssyncset.done $0x0  }
0x23e: {  	[sflag:s26] =	ssyncadd.s32 $0xFFFFFF00  }
0x23f: {  	[tilespmem:s30], [sflag:$0x3] =	stream.linear.gather [hbm4b:s21+s7], $0x100, $0x38;
	[tilespmem:$0x17E80] =	vst v63  }
0x240: {  	_ =	swait.ge [sflag:s26], $0x100  }
0x241: {  	[sflag:s26] =	ssyncset.done $0x0  }
0x242: {  	[sflag:s26] =	ssyncadd.s32 $0xFFFFFF00  }
0x243: {  	[tilespmem:s31], [sflag:$0x1] =	stream.indirect.gather [hbm4b:s1+s30], $0x80, s7, s30, $0xb8;
	[tilespmem:$0x17E80] =	vst v63  }
0x244: {  	_ = 	snop  }
0x245: {  	[tilespmem:s2], [sflag:$0x2] =	stream.indirect.gather [hbm4b:s3+s30], $0x80, s7, s30, $0xb8;
	[tilespmem:$0x17E80] =	vst v63  }
0x246: {  	_ =	swait.ge [sflag:s5], $0x8000  }
0x247: {  	v44 =	vmov s7;
	[sflag:s5] =	ssyncset.done $0x0  }
0x248: {  	[sflag:s5] =	ssyncadd.s32 $0xFFFF8000  }
0x249: {  	_ =	swait.ge [sflag:s0], $0x8000  }
0x24a: {  	[sflag:s0] =	ssyncset.done $0x0  }
0x24b: {  	[sflag:s0] =	ssyncadd.s32 $0xFFFF8000  }
0x24c: {  	v45 =	vld.idx.msk [tilespmem:v44+s30+$0x0], $0xffff;
	_ =	sdelay $0x4  }
0x24d: {  	v46 =	vmul.u32 $0xC0, v45;
	_ =	sdelay $0x1  }
0x24e: {  	v36 =	vor.u32 v1, v46;
	_ =	sdelay $0x3  }
0x24f: {  	v35 =	vshll.u32 v44, $0x7  }
0x250: {  	v47 =	vor.u32 v1, v35;
	v36 =	vld.idx.msk [tilespmem:v36+s25+$0x0], $0xffff  }
0x251: {  	v48 =	vor.u32 v4, v46;
	_ =	sdelay $0x3  }
0x252: {  	[tilespmem:v47+s31+$0x0] =	vst.idx.add.f32.msk $0xffff, v36  }
0x253: {  	v49 =	vor.u32 v4, v35;
	v36 =	vld.idx.msk [tilespmem:v48+s25+$0x0], $0xffff  }
0x254: {  	v50 =	vor.u32 v5, v46;
	_ =	sdelay $0x3  }
0x255: {  	[tilespmem:v49+s31+$0x0] =	vst.idx.add.f32.msk $0xffff, v36  }
0x256: {  	v51 =	vor.u32 v5, v35;
	v36 =	vld.idx.msk [tilespmem:v50+s25+$0x0], $0xffff  }
0x257: {  	v52 =	vor.u32 v6, v46;
	_ =	sdelay $0x3  }
0x258: {  	[tilespmem:v51+s31+$0x0] =	vst.idx.add.f32.msk $0xffff, v36  }
0x259: {  	v36 =	vor.u32 v6, v35;
	v41 =	vld.idx.msk [tilespmem:v52+s25+$0x0], $0xffff  }
0x25a: {  	v53 =	vadd.s32 v7, v46;
	_ =	sdelay $0x3  }
0x25b: {  	[tilespmem:v36+s31+$0x0] =	vst.idx.add.f32.msk $0xffff, v41  }
0x25c: {  	v54 =	vor.u32 v7, v35;
	v41 =	vld.idx.msk [tilespmem:v53+s25+$0x0], $0xffff  }
0x25d: {  	v55 =	vadd.s32 v8, v46;
	_ =	sdelay $0x3  }
0x25e: {  	[tilespmem:v54+s31+$0x0] =	vst.idx.add.f32.msk $0xffff, v41  }
0x25f: {  	v56 =	vor.u32 v8, v35;
	v41 =	vld.idx.msk [tilespmem:v55+s25+$0x0], $0xffff  }
0x260: {  	v57 =	vadd.s32 v9, v46;
	_ =	sdelay $0x3  }
0x261: {  	[tilespmem:v56+s31+$0x0] =	vst.idx.add.f32.msk $0xffff, v41  }
0x262: {  	v58 =	vor.u32 v9, v35;
	v41 =	vld.idx.msk [tilespmem:v57+s25+$0x0], $0xffff  }
0x263: {  	v59 =	vadd.s32 v10, v46;
	_ =	sdelay $0x3  }
0x264: {  	[tilespmem:v58+s31+$0x0] =	vst.idx.add.f32.msk $0xffff, v41  }
0x265: {  	v35 =	vor.u32 v10, v35;
	v41 =	vld.idx.msk [tilespmem:v59+s25+$0x0], $0xffff  }
0x266: {  	v60 =	vadd.s32 v11, v46;
	_ =	sdelay $0x3  }
0x267: {  	[tilespmem:v35+s31+$0x0] =	vst.idx.add.f32.msk $0xffff, v41  }
0x268: {  	v35 =	vld.idx.msk [tilespmem:v60+s25+$0x0], $0xffff  }
0x269: {  	v61 =	vadd.s32 v12, v46;
	_ =	sdelay $0x3  }
0x26a: {  	[tilespmem:v47+s2+$0x0] =	vst.idx.add.f32.msk $0xffff, v35  }
0x26b: {  	v35 =	vld.idx.msk [tilespmem:v61+s25+$0x0], $0xffff  }
0x26c: {  	v62 =	vadd.s32 v13, v46;
	_ =	sdelay $0x3  }
0x26d: {  	[tilespmem:v49+s2+$0x0] =	vst.idx.add.f32.msk $0xffff, v35  }
0x26e: {  	v35 =	vld.idx.msk [tilespmem:v62+s25+$0x0], $0xffff  }
0x26f: {  	v63 =	vadd.s32 v14, v46;
	_ =	sdelay $0x3  }
0x270: {  	[tilespmem:v51+s2+$0x0] =	vst.idx.add.f32.msk $0xffff, v35  }
0x271: {  	s7 =	simm.s32 $0x1;
	v38 =	vld.idx.msk [tilespmem:v63+s25+$0x0], $0xffff  }
0x272: {  	v37 =	vmov s7  }
0x273: {  	s29 =	simm.s32 $0x2;
	v35 =	vshll.u32 v37, $0x7  }
.LBB2_8:
0x274: {  	_ =	sdelay $0x1  }
0x275: {  	p0 =	sne.s32 s29, $0xFF;
	s7 =	smov.u32 s29;
	s29 =	sadd.s32 $0x1, s29;
	[tilespmem:v36+s2+$0x0] =	vst.idx.add.f32.msk $0xffff, v38  }
0x276: {  	v36 =	vld.idx.msk [tilespmem:v37+s30+$0x0], $0xffff;
	_ =	sdelay $0x5  }
0x277: {  	v37 =	vmul.u32 $0xC0, v36;
	_ =	sdelay $0x1  }
0x278: {  	v36 =	vor.u32 v1, v37;
	_ =	sdelay $0x4  }
0x279: {  	v36 =	vld.idx.msk [tilespmem:v36+s25+$0x0], $0xffff  }
0x27a: {  	v38 =	vor.u32 v1, v35  }
0x27b: {  	v39 =	vor.u32 v4, v37;
	_ =	sdelay $0x3  }
0x27c: {  	[tilespmem:v38+s31+$0x0] =	vst.idx.add.f32.msk $0xffff, v36  }
0x27d: {  	v36 =	vld.idx.msk [tilespmem:v39+s25+$0x0], $0xffff  }
0x27e: {  	v39 =	vor.u32 v4, v35  }
0x27f: {  	v40 =	vor.u32 v5, v37;
	_ =	sdelay $0x3  }
0x280: {  	[tilespmem:v39+s31+$0x0] =	vst.idx.add.f32.msk $0xffff, v36  }
0x281: {  	v36 =	vld.idx.msk [tilespmem:v40+s25+$0x0], $0xffff  }
0x282: {  	v40 =	vor.u32 v5, v35  }
0x283: {  	v41 =	vor.u32 v6, v37;
	_ =	sdelay $0x3  }
0x284: {  	[tilespmem:v40+s31+$0x0] =	vst.idx.add.f32.msk $0xffff, v36  }
0x285: {  	v41 =	vld.idx.msk [tilespmem:v41+s25+$0x0], $0xffff  }
0x286: {  	v36 =	vor.u32 v6, v35  }
0x287: {  	v42 =	vadd.s32 v7, v37;
	_ =	sdelay $0x3  }
0x288: {  	[tilespmem:v36+s31+$0x0] =	vst.idx.add.f32.msk $0xffff, v41  }
0x289: {  	v41 =	vld.idx.msk [tilespmem:v42+s25+$0x0], $0xffff  }
0x28a: {  	v42 =	vor.u32 v7, v35  }
0x28b: {  	v43 =	vadd.s32 v8, v37;
	_ =	sdelay $0x3  }
0x28c: {  	[tilespmem:v42+s31+$0x0] =	vst.idx.add.f32.msk $0xffff, v41  }
0x28d: {  	v41 =	vld.idx.msk [tilespmem:v43+s25+$0x0], $0xffff  }
0x28e: {  	v42 =	vor.u32 v8, v35  }
0x28f: {  	v43 =	vadd.s32 v9, v37;
	_ =	sdelay $0x3  }
0x290: {  	[tilespmem:v42+s31+$0x0] =	vst.idx.add.f32.msk $0xffff, v41  }
0x291: {  	v41 =	vld.idx.msk [tilespmem:v43+s25+$0x0], $0xffff  }
0x292: {  	v42 =	vor.u32 v9, v35  }
0x293: {  	v43 =	vadd.s32 v10, v37;
	_ =	sdelay $0x3  }
0x294: {  	[tilespmem:v42+s31+$0x0] =	vst.idx.add.f32.msk $0xffff, v41  }
0x295: {  	v41 =	vld.idx.msk [tilespmem:v43+s25+$0x0], $0xffff  }
0x296: {  	v35 =	vor.u32 v10, v35  }
0x297: {  	v42 =	vadd.s32 v11, v37;
	_ =	sdelay $0x3  }
0x298: {  	[tilespmem:v35+s31+$0x0] =	vst.idx.add.f32.msk $0xffff, v41  }
0x299: {  	v35 =	vld.idx.msk [tilespmem:v42+s25+$0x0], $0xffff;
	_ =	sdelay $0x1  }
0x29a: {  	v41 =	vadd.s32 v12, v37;
	_ =	sdelay $0x3  }
0x29b: {  	[tilespmem:v38+s2+$0x0] =	vst.idx.add.f32.msk $0xffff, v35  }
0x29c: {  	v35 =	vld.idx.msk [tilespmem:v41+s25+$0x0], $0xffff;
	_ =	sdelay $0x1  }
0x29d: {  	v38 =	vadd.s32 v13, v37;
	_ =	sdelay $0x3  }
0x29e: {  	[tilespmem:v39+s2+$0x0] =	vst.idx.add.f32.msk $0xffff, v35  }
0x29f: {  	v35 =	vld.idx.msk [tilespmem:v38+s25+$0x0], $0xffff;
	_ =	sdelay $0x1  }
0x2a0: {  	v37 =	vadd.s32 v14, v37;
	_ =	sdelay $0x3  }
.Ltmp3:
0x2a1: {  	[tilespmem:v40+s2+$0x0] =	vst.idx.add.f32.msk $0xffff, v35;
	(pc) =	sbr.rel @p0 .LBB2_8-.Ltmp3, $3  }
0x2a2: {  	v38 =	vld.idx.msk [tilespmem:v37+s25+$0x0], $0xffff;
	_ =	sdelay $0x1  }
0x2a3: {  	v37 =	vmov s7  }
0x2a4: {  	v35 =	vshll.u32 v37, $0x7  }
0x2a5: {  	_ =	sdelay $0x3  }
0x2a6: {  	[tilespmem:v36+s2+$0x0] =	vst.idx.add.f32.msk $0xffff, v38  }
0x2a7: {  	v36 =	vld.idx.msk [tilespmem:v37+s30+$0x0], $0xffff;
	_ =	sdelay $0x4  }
0x2a8: {  	v36 =	vmul.u32 $0xC0, v36;
	_ =	sdelay $0x1  }
0x2a9: {  	v50 =	vor.u32 v1, v36;
	_ =	sdelay $0x4  }
0x2aa: {  	v51 =	vor.u32 v1, v35;
	v37 =	vld.idx.msk [tilespmem:v50+s25+$0x0], $0xffff  }
0x2ab: {  	v39 =	vor.u32 v4, v36;
	_ =	sdelay $0x3  }
0x2ac: {  	[tilespmem:v51+s31+$0x0] =	vst.idx.add.f32.msk $0xffff, v37  }
0x2ad: {  	v52 =	vor.u32 v4, v35;
	v37 =	vld.idx.msk [tilespmem:v39+s25+$0x0], $0xffff  }
0x2ae: {  	v40 =	vor.u32 v5, v36;
	_ =	sdelay $0x3  }
0x2af: {  	[tilespmem:v52+s31+$0x0] =	vst.idx.add.f32.msk $0xffff, v37  }
0x2b0: {  	v53 =	vor.u32 v5, v35;
	v37 =	vld.idx.msk [tilespmem:v40+s25+$0x0], $0xffff  }
0x2b1: {  	v41 =	vor.u32 v6, v36;
	_ =	sdelay $0x3  }
0x2b2: {  	[tilespmem:v53+s31+$0x0] =	vst.idx.add.f32.msk $0xffff, v37  }
0x2b3: {  	v54 =	vor.u32 v6, v35;
	v37 =	vld.idx.msk [tilespmem:v41+s25+$0x0], $0xffff  }
0x2b4: {  	v42 =	vadd.s32 v7, v36;
	_ =	sdelay $0x3  }
0x2b5: {  	[tilespmem:v54+s31+$0x0] =	vst.idx.add.f32.msk $0xffff, v37  }
0x2b6: {  	v55 =	vor.u32 v7, v35;
	v37 =	vld.idx.msk [tilespmem:v42+s25+$0x0], $0xffff  }
0x2b7: {  	v43 =	vadd.s32 v8, v36;
	_ =	sdelay $0x3  }
0x2b8: {  	[tilespmem:v55+s31+$0x0] =	vst.idx.add.f32.msk $0xffff, v37  }
0x2b9: {  	v56 =	vor.u32 v8, v35;
	v37 =	vld.idx.msk [tilespmem:v43+s25+$0x0], $0xffff  }
0x2ba: {  	v57 =	vadd.s32 v9, v36;
	_ =	sdelay $0x3  }
0x2bb: {  	[tilespmem:v56+s31+$0x0] =	vst.idx.add.f32.msk $0xffff, v37  }
0x2bc: {  	v58 =	vor.u32 v9, v35;
	v37 =	vld.idx.msk [tilespmem:v57+s25+$0x0], $0xffff  }
0x2bd: {  	v59 =	vadd.s32 v10, v36;
	_ =	sdelay $0x3  }
0x2be: {  	[tilespmem:v58+s31+$0x0] =	vst.idx.add.f32.msk $0xffff, v37  }
0x2bf: {  	v60 =	vor.u32 v10, v35;
	v37 =	vld.idx.msk [tilespmem:v59+s25+$0x0], $0xffff  }
0x2c0: {  	v61 =	vadd.s32 v11, v36;
	_ =	sdelay $0x3  }
0x2c1: {  	[tilespmem:v60+s31+$0x0] =	vst.idx.add.f32.msk $0xffff, v37  }
0x2c2: {  	v35 =	vld.idx.msk [tilespmem:v61+s25+$0x0], $0xffff  }
0x2c3: {  	v62 =	vadd.s32 v12, v36;
	_ =	sdelay $0x3  }
0x2c4: {  	[tilespmem:v51+s2+$0x0] =	vst.idx.add.f32.msk $0xffff, v35  }
0x2c5: {  	v35 =	vld.idx.msk [tilespmem:v62+s25+$0x0], $0xffff  }
0x2c6: {  	v63 =	vadd.s32 v13, v36;
	_ =	sdelay $0x3  }
0x2c7: {  	[tilespmem:v52+s2+$0x0] =	vst.idx.add.f32.msk $0xffff, v35  }
0x2c8: {  	v35 =	vld.idx.msk [tilespmem:v63+s25+$0x0], $0xffff  }
0x2c9: {  	v36 =	vadd.s32 v14, v36;
	_ =	sdelay $0x3  }
0x2ca: {  	[tilespmem:v53+s2+$0x0] =	vst.idx.add.f32.msk $0xffff, v35  }
0x2cb: {  	v35 =	vld.idx.msk [tilespmem:v36+s25+$0x0], $0xffff;
	_ =	sdelay $0x4  }
0x2cc: {  	[tilespmem:v54+s2+$0x0] =	vst.idx.add.f32.msk $0xffff, v35  }
0x2cd: {  	[hbm4b:s22+s6] =	stream.linear.scatter [tilespmem:s31], [sflag:$0x3], $0x8000, $0x38;
	[tilespmem:$0x17E80] =	vst v63  }
0x2ce: {  	s4 =	sadd.s32 $0x1, s4;
	_ =	swait.ge [sflag:s26], $0x8000  }
0x2cf: {  	p0 =	sne.s32 s4, s24;
	[sflag:s26] =	ssyncset.done $0x0  }
.Ltmp4:
0x2d0: {  	[sflag:s26] =	ssyncadd.s32 $0xFFFF8000;
	(pc) =	sbr.rel @p0 .LBB2_1-.Ltmp4, $4  }
0x2d1: {  	[hbm4b:s23+s6] =	stream.linear.scatter [tilespmem:s2], [sflag:$0x3], $0x8000, $0x38;
	[tilespmem:$0x17E80] =	vst v63  }
0x2d2: {  	_ =	swait.ge [sflag:s26], $0x8000  }
0x2d3: {  	[sflag:s26] =	ssyncset.done $0x0  }
0x2d4: {  	[sflag:s26] =	ssyncadd.s32 $0xFFFF8000  }
0x2d5: {  	_ =	sfence.sel $0x180000  }
0x2d6: {  	[bflag:$0x0] =	sbarrier.arrive $0xFFFF  }
0x2d7: {  	_ =	strace $0x90000047  }
0x2d8: {  	s0 =	stileid.u32;
	[bflag:$0x2] =	sbarrier.arrive $0xFFFF  }
0x2d9: {  	p0 =	sne.s32 s0, $0x0;
	s0 =	rddreg [dreg:$0x8]  }
0x2da: {  	s0 =	sadd.s32 @!p0 $0x100000, s0  }
0x2db: {  	[sflag:s0] =	ssyncadd.tile.s32 @!p0 $0x1;
	_ =	shalt  }
.Lfunc_end2:
_tile_overlayer_lowered:
.L_overlay_start_2:
0x2dc: {  	(tag) =	ssettag $0x2  }
0x2dd: {  	s0 =	rddreg [dreg:$0x0];
	s2 =	stileid.u32  }
0x2de: {  	s1 =	rddreg [dreg:$0x1];
	p0 =	sne.s32 s2, $0x0  }
0x2df: {  	s3 =	rddreg [dreg:$0x2];
	[bflag:$0x3] =	sbarrier.arrive $0xFFFF;
	s2 =	simm.s32 @!p0 $0x1C03  }
0x2e0: {  	[timem:s3], [sflag:s2] =	dma.local @!p0 [hbm:s0], s1  }
0x2e1: {  	s0 =	simm.s32 @!p0 $0x3  }
0x2e2: {  	_ =	swait.ge @!p0 [sflag:s0], s1  }
0x2e3: {  	s1 =	ssub.s32 @!p0 $0x0, s1;
	[sflag:s0] =	ssyncset.done @!p0 $0x0  }
0x2e4: {  	[sflag:s0] =	ssyncadd.s32 @!p0 s1  }
0x2e5: {  	[bflag:$0x3] =	sbarrier.arrive $0xFFFF  }
0x2e6: {  	_ =	shalt  }

</sc_bundles>
